<compile_context>
chip_gen: v7x
topology: tpu7x:2x2x1
jax: 0.10.2.dev20260603
libtpu: 0.0.44.dev20260713+nightly
codegen_flags: <defaults>
</compile_context>

<pallas_src>
import functools

import jax
import jax.numpy as jnp
from jax import lax
from jax.experimental import pallas as pl
from jax.experimental.pallas import tpu as pltpu
from jax.experimental.pallas import tpu_sc as plsc

NUM_ACT = 2048
SIZE = 51
RANGE_ = 4.0
GRID = 2.0 * RANGE_ / (SIZE - 1)
HALF = SIZE // 2

NC, NS, L = 2, 16, 16
NW = NC * NS
NHALF = 2
COLS_W = NUM_ACT // NHALF
TECS_PER_HALF = NW // NHALF
ROWS_PER_CHUNK = 4
CHUNK = ROWS_PER_CHUNK * COLS_W

P_SZ = NUM_ACT * SIZE
Q_SZ = NUM_ACT * (SIZE - 1)
PW = COLS_W * SIZE
QW = COLS_W * (SIZE - 1)
TAB_W = PW + QW

MAGIC_F = 12582912.0
MAGIC_BITS = 0x4B400000


def _project_body(cs_ref, p_ref, q_ref):
    cs = cs_ref[...]
    slopes = jnp.clip(cs[:, 1:] - cs[:, :-1], 0.0, jnp.float32(GRID))
    k = lax.broadcasted_iota(jnp.int32, (SIZE - 1, SIZE), 0)
    j = lax.broadcasted_iota(jnp.int32, (SIZE - 1, SIZE), 1)
    m = (j > k).astype(jnp.float32)
    cum = lax.dot_general(
        slopes, m, (((1,), (0,)), ((), ())),
        preferred_element_type=jnp.float32,
        precision=lax.Precision.HIGHEST)
    cv = cum - cum[:, HALF:HALF + 1]
    qext = jnp.concatenate(
        [slopes, jnp.zeros((NUM_ACT, 1), jnp.float32)], axis=1)
    kk = lax.broadcasted_iota(jnp.int32, (NUM_ACT, SIZE), 1).astype(jnp.float32)
    p_ref[...] = cv - (kk - jnp.float32(0.5)) * qext
    q_ref[...] = slopes


def _make_sc_kernel(n_rows):
    rows_w = n_rows // TECS_PER_HALF
    ch_per_w = rows_w // ROWS_PER_CHUNK
    mesh = plsc.VectorSubcoreMesh(
        core_axis_name="c", subcore_axis_name="s",
        num_cores=NC, num_subcores=NS)

    @functools.partial(
        pl.kernel,
        out_type=jax.ShapeDtypeStruct((n_rows, NUM_ACT), jnp.float32),
        mesh=mesh,
        compiler_params=pltpu.CompilerParams(needs_layout_passes=False),
        scratch_types=[
            pltpu.VMEM((TAB_W,), jnp.float32),
            pltpu.VMEM((COLS_W,), jnp.float32),
            pltpu.VMEM((COLS_W,), jnp.float32),
            pltpu.VMEM((ROWS_PER_CHUNK, COLS_W), jnp.float32),
            pltpu.VMEM((ROWS_PER_CHUNK, COLS_W), jnp.float32),
            pltpu.VMEM((ROWS_PER_CHUNK, COLS_W), jnp.float32),
            pltpu.VMEM((ROWS_PER_CHUNK, COLS_W), jnp.float32),
            pltpu.SemaphoreType.DMA,
            pltpu.SemaphoreType.DMA,
            pltpu.SemaphoreType.DMA,
            pltpu.SemaphoreType.DMA,
        ],
    )
    def sc_kernel(x_hbm, p_hbm, q_hbm, pm_hbm, inv_hbm, out_hbm,
                  table, pm_v, inv_v, xb0, xb1, ob0, ob1,
                  sin0, sin1, sout0, sout1):
        wid = lax.axis_index("s") * NC + lax.axis_index("c")
        h = wid // TECS_PER_HALF
        t = wid % TECS_PER_HALF
        pltpu.async_copy(p_hbm.at[pl.ds(h * PW, PW)],
                         table.at[pl.ds(0, PW)], sout0)
        pltpu.async_copy(q_hbm.at[pl.ds(h * QW, QW)],
                         table.at[pl.ds(PW, QW)], sout1)
        pltpu.async_copy(pm_hbm.at[pl.ds(h * COLS_W, COLS_W)], pm_v, sout0)
        pltpu.async_copy(inv_hbm.at[pl.ds(h * COLS_W, COLS_W)], inv_v, sout1)
        col0 = h * COLS_W
        row0 = t * rows_w
        xbs = (xb0, xb1)
        obs = (ob0, ob1)
        sins = (sin0, sin1)
        souts = (sout0, sout1)

        def start_in(c, b):
            r = row0 + c * ROWS_PER_CHUNK
            pltpu.async_copy(
                x_hbm.at[pl.ds(r, ROWS_PER_CHUNK), pl.ds(col0, COLS_W)],
                xbs[b], sins[b])

        def start_out(c, b):
            r = row0 + c * ROWS_PER_CHUNK
            pltpu.async_copy(
                obs[b],
                out_hbm.at[pl.ds(r, ROWS_PER_CHUNK), pl.ds(col0, COLS_W)],
                souts[b])

        def wait_in(b):
            pltpu.make_async_copy(
                x_hbm.at[pl.ds(0, ROWS_PER_CHUNK), pl.ds(0, COLS_W)],
                xbs[b], sins[b]).wait()

        def wait_out(b):
            pltpu.make_async_copy(
                obs[b],
                out_hbm.at[pl.ds(0, ROWS_PER_CHUNK), pl.ds(0, COLS_W)],
                souts[b]).wait()

        iota51 = lax.iota(jnp.int32, L) * SIZE
        iota50 = lax.iota(jnp.int32, L) * (SIZE - 1)

        def compute(b):
            xb = xbs[b]
            ob = obs[b]

            @plsc.parallel_loop(0, COLS_W // L, unroll=4)
            def _(i):
                col = i * L
                pm = pm_v[pl.ds(col, L)]
                iv = inv_v[pl.ds(col, L)]
                pbase = iota51 + (col * SIZE - MAGIC_BITS)
                qbase = iota50 + (col * (SIZE - 1) + PW - MAGIC_BITS)
                for r in range(ROWS_PER_CHUNK):
                    xv = xb[r, pl.ds(col, L)]
                    w = xv * pm + jnp.float32(HALF - 0.5)
                    wc = jnp.minimum(jnp.maximum(w, -0.5),
                                     jnp.float32(SIZE - 2))
                    ti = plsc.bitcast(wc + jnp.float32(MAGIC_F), jnp.int32)
                    p = plsc.load_gather(table, [ti + pbase])
                    q = plsc.load_gather(table, [ti + qbase])
                    ob[r, pl.ds(col, L)] = (p + q * w) * iv

        start_in(0, 0)
        start_in(1, 1)
        pltpu.make_async_copy(p_hbm.at[pl.ds(0, PW)],
                              table.at[pl.ds(0, PW)], sout0).wait()
        pltpu.make_async_copy(q_hbm.at[pl.ds(0, QW)],
                              table.at[pl.ds(PW, QW)], sout1).wait()
        pltpu.make_async_copy(pm_hbm.at[pl.ds(0, COLS_W)], pm_v, sout0).wait()
        pltpu.make_async_copy(inv_hbm.at[pl.ds(0, COLS_W)], inv_v, sout1).wait()

        @pl.loop(0, ch_per_w, step=2)
        def _(c):
            for b in range(2):
                cc = c + b
                wait_in(b)

                @pl.when(cc >= 2)
                def _():
                    wait_out(b)

                compute(b)
                start_out(cc, b)

                @pl.when(cc + 2 < ch_per_w)
                def _():
                    start_in(cc + 2, b)

        wait_out(0)
        wait_out(1)

    return sc_kernel


def kernel(input, coefficients_vect, scaling_coeffs_vect):
    b, c = input.shape
    cs = coefficients_vect.reshape(NUM_ACT, SIZE)
    p, q = pl.pallas_call(
        _project_body,
        out_shape=[
            jax.ShapeDtypeStruct((NUM_ACT, SIZE), jnp.float32),
            jax.ShapeDtypeStruct((NUM_ACT, SIZE - 1), jnp.float32),
        ],
    )(cs)
    s = scaling_coeffs_vect.reshape(NUM_ACT)
    pm = s * jnp.float32(1.0 / GRID)
    inv = 1.0 / s
    return _make_sc_kernel(b)(input, p.reshape(-1), q.reshape(-1), pm, inv)

# --- scband reference (transcript-rebuilt; emitter-appended) ---
"""Pipeline reference for scband-linear-spline-42451456754185 (READ-ONLY COPY).

The authoritative reference and input builder live on the scoring server;
editing this copy changes nothing except your own understanding.
"""

import jax, jax.numpy as jnp
import numpy as np

MODE = 'fc'
NUM_ACT = 2048
SIZE = 51
RANGE_ = 4.0
GRID = 2.0 * RANGE_ / (SIZE - 1)
EVEN = (SIZE % 2 == 0)
BATCH = 8192


def slope_clipping(cs, T):
    new_slopes = jnp.clip(cs[:, 1:] - cs[:, :-1], 0.0, T)
    new_cs = jnp.concatenate([jnp.zeros((cs.shape[0], 1), dtype=cs.dtype), jnp.cumsum(new_slopes, axis=1)], axis=1)
    new_cs = new_cs - new_cs[:, cs.shape[1] // 2][:, None]
    return new_cs


def setup_inputs(seed: int = 0) -> dict:
    key = jax.random.key(seed)
    k1, _ = jax.random.split(key)
    x = jax.random.normal(k1, (BATCH, NUM_ACT), dtype=jnp.float32)
    # learned parameters per init_kwargs (init='relu')
    grid_tensor = jnp.broadcast_to(jnp.linspace(-RANGE_, RANGE_, SIZE, dtype=jnp.float32), (NUM_ACT, SIZE))
    coefficients_vect = jax.nn.relu(grid_tensor).reshape(-1)
    scaling_coeffs_vect = jnp.ones((1, NUM_ACT, 1, 1), dtype=jnp.float32)
    return {"input": x, "coefficients_vect": coefficients_vect, "scaling_coeffs_vect": scaling_coeffs_vect}


def reference(input, coefficients_vect, scaling_coeffs_vect):
    input_shape = input.shape
    # reshape_forward: fc mode -> (N, C, 1, 1)
    x = input.reshape(input_shape[0], input_shape[1], 1, 1)
    zero_knot_indexes = jnp.arange(NUM_ACT, dtype=jnp.int32) * SIZE + SIZE // 2
    # lipschitz projection of coefficients
    cs = coefficients_vect.reshape(NUM_ACT, SIZE)
    cv = slope_clipping(cs, GRID).reshape(-1)
    # scale input
    x = x * scaling_coeffs_vect
    # LinearSpline_Func forward
    max_range = GRID * (SIZE // 2 - 1)
    if EVEN:
        x = x - GRID / 2
        max_range = GRID * (SIZE // 2 - 2)
    x_clamped = jnp.clip(x, -(GRID * (SIZE // 2)), max_range)
    floored_x = jnp.floor(x_clamped / GRID)
    fracs = x / GRID - floored_x
    indexes = (zero_knot_indexes.reshape(1, -1, 1, 1).astype(jnp.float32) + floored_x).astype(jnp.int32)
    activation_output = cv[indexes + 1] * fracs + cv[indexes] * (1 - fracs)
    if EVEN:
        activation_output = activation_output + GRID / 2
    output = activation_output / scaling_coeffs_vect
    # reshape_back: fc mode
    output = output.reshape(input_shape)
    return output

if __name__ == "__main__":
    import jax
    _d = setup_inputs()
    print(jax.jit(kernel)(*tuple(_d.values())))

</pallas_src>

<mosaic_0001>
#map = affine_map<(d0, d1) -> (0, 0)>
#map1 = affine_map<(d0, d1) -> (0)>
module attributes {stable_mosaic.version = 14 : i64} {
  func.func @sc_kernel(%arg0: i32, %arg1: i32, %arg2: memref<8192x2048xf32, #tpu.memory_space<hbm>>, %arg3: memref<104448xf32, #tpu.memory_space<hbm>>, %arg4: memref<102400xf32, #tpu.memory_space<hbm>>, %arg5: memref<2048xf32, #tpu.memory_space<hbm>>, %arg6: memref<2048xf32, #tpu.memory_space<hbm>>, %arg7: memref<8192x2048xf32, #tpu.memory_space<hbm>>, %arg8: memref<103424xf32, #tpu.memory_space<vmem>>, %arg9: memref<1024xf32, #tpu.memory_space<vmem>>, %arg10: memref<1024xf32, #tpu.memory_space<vmem>>, %arg11: memref<4x1024xf32, #tpu.memory_space<vmem>>, %arg12: memref<4x1024xf32, #tpu.memory_space<vmem>>, %arg13: memref<4x1024xf32, #tpu.memory_space<vmem>>, %arg14: memref<4x1024xf32, #tpu.memory_space<vmem>>, %arg15: memref<!tpu.dma_semaphore, #tpu.memory_space<semaphore_mem>>, %arg16: memref<!tpu.dma_semaphore, #tpu.memory_space<semaphore_mem>>, %arg17: memref<!tpu.dma_semaphore, #tpu.memory_space<semaphore_mem>>, %arg18: memref<!tpu.dma_semaphore, #tpu.memory_space<semaphore_mem>>) attributes {dimension_semantics = [#tpu.dimension_semantics<core_parallel>, #tpu.dimension_semantics<subcore_parallel>], iteration_bounds = array<i64: 2, 16>, scalar_prefetch = 0 : i64, scratch_operands = 11 : i64, tpu.core_type = #tpu.core_type<sc_vector_subcore>, window_params = [{transform_indices = #map}, {transform_indices = #map1}, {transform_indices = #map1}, {transform_indices = #map1}, {transform_indices = #map1}, {transform_indices = #map}]} {
    %mul3A = arith.constant 2 : i32
    %mul3A_0 = arith.muli %arg1, %mul3A : i32
    %add3A = arith.addi %mul3A_0, %arg0 : i32
    %jit3A = arith.constant 16 : i32
    %div3A = arith.divsi %add3A, %jit3A : i32
    %sign3A = arith.constant 0 : i32
    %sign3A_1 = arith.cmpi sgt, %add3A, %sign3A : i32
    %sign3A_2 = arith.extui %sign3A_1 : i1 to i32
    %sign3A_3 = arith.constant 0 : i32
    %sign3A_4 = arith.cmpi slt, %add3A, %sign3A_3 : i32
    %sign3A_5 = arith.extui %sign3A_4 : i1 to i32
    %sign3A_6 = arith.subi %sign3A_2, %sign3A_5 : i32
    %sign3A_7 = arith.constant 0 : i32
    %sign3A_8 = arith.cmpi sgt, %jit3A, %sign3A_7 : i32
    %sign3A_9 = arith.extui %sign3A_8 : i1 to i32
    %sign3A_10 = arith.constant 0 : i32
    %sign3A_11 = arith.cmpi slt, %jit3A, %sign3A_10 : i32
    %sign3A_12 = arith.extui %sign3A_11 : i1 to i32
    %sign3A_13 = arith.subi %sign3A_9, %sign3A_12 : i32
    %ne3A = arith.cmpi ne, %sign3A_6, %sign3A_13 : i32
    %rem3A = arith.remsi %add3A, %jit3A : i32
    %ne3A_14 = arith.constant 0 : i32
    %ne3A_15 = arith.cmpi ne, %rem3A, %ne3A_14 : i32
    %and3A = arith.andi %ne3A, %ne3A_15 : i1
    %sub3A = arith.constant 1 : i32
    %sub3A_16 = arith.subi %div3A, %sub3A : i32
    %select_n3A = arith.select %and3A, %sub3A_16, %div3A : i32
    %jit3A_17 = arith.constant 16 : i32
    %eq3A = arith.constant 0 : i32
    %eq3A_18 = arith.cmpi eq, %jit3A_17, %eq3A : i32
    %jit3A_19 = arith.constant 1 : i32
    %select_n3A_20 = arith.select %eq3A_18, %jit3A_19, %jit3A_17 : i32
    %rem3A_21 = arith.remsi %add3A, %select_n3A_20 : i32
    %ne3A_22 = arith.constant 0 : i32
    %ne3A_23 = arith.cmpi ne, %rem3A_21, %ne3A_22 : i32
    %lt3A = arith.constant 0 : i32
    %lt3A_24 = arith.cmpi slt, %rem3A_21, %lt3A : i32
    %lt3A_25 = arith.constant 0 : i32
    %lt3A_26 = arith.cmpi slt, %select_n3A_20, %lt3A_25 : i32
    %ne3A_27 = arith.xori %lt3A_24, %lt3A_26 : i1
    %and3A_28 = arith.andi %ne3A_27, %ne3A_23 : i1
    %add3A_29 = arith.addi %rem3A_21, %select_n3A_20 : i32
    %select_n3A_30 = arith.select %and3A_28, %add3A_29, %rem3A_21 : i32
    %mul3A_31 = arith.constant 52224 : i32
    %mul3A_32 = arith.muli %select_n3A, %mul3A_31 : i32
    %dma_start3A = arith.constant 0 : i32
    %dma_start3A_33 = tpu.memref_slice %arg8[%dma_start3A] : memref<103424xf32, #tpu.memory_space<vmem>> -> memref<52224xf32, #tpu.memory_space<vmem>>
    %dma_start3A_34 = tpu.memref_slice %arg3[%mul3A_32] : memref<104448xf32, #tpu.memory_space<hbm>> -> memref<52224xf32, #tpu.memory_space<hbm>>
    %dma_start3A_35 = arith.constant 0 : i32
    %dma_start3A_36 = tpu.memref_slice %arg8[%dma_start3A_35] : memref<103424xf32, #tpu.memory_space<vmem>> -> memref<52224xf32, #tpu.memory_space<vmem>>
    %dma_start3A_37 = tpu.memref_slice %arg3[%mul3A_32] : memref<104448xf32, #tpu.memory_space<hbm>> -> memref<52224xf32, #tpu.memory_space<hbm>>
    tpu.enqueue_dma source(%dma_start3A_37 : memref<52224xf32, #tpu.memory_space<hbm>>) target(%dma_start3A_36 : memref<52224xf32, #tpu.memory_space<vmem>>) target_semaphore(%arg17 : memref<!tpu.dma_semaphore, #tpu.memory_space<semaphore_mem>>)
    %mul3A_38 = arith.constant 51200 : i32
    %mul3A_39 = arith.muli %select_n3A, %mul3A_38 : i32
    %dma_start3A_40 = arith.constant 52224 : i32
    %dma_start3A_41 = tpu.memref_slice %arg8[%dma_start3A_40] : memref<103424xf32, #tpu.memory_space<vmem>> -> memref<51200xf32, #tpu.memory_space<vmem>>
    %dma_start3A_42 = tpu.memref_slice %arg4[%mul3A_39] : memref<102400xf32, #tpu.memory_space<hbm>> -> memref<51200xf32, #tpu.memory_space<hbm>>
    %dma_start3A_43 = arith.constant 52224 : i32
    %dma_start3A_44 = tpu.memref_slice %arg8[%dma_start3A_43] : memref<103424xf32, #tpu.memory_space<vmem>> -> memref<51200xf32, #tpu.memory_space<vmem>>
    %dma_start3A_45 = tpu.memref_slice %arg4[%mul3A_39] : memref<102400xf32, #tpu.memory_space<hbm>> -> memref<51200xf32, #tpu.memory_space<hbm>>
    tpu.enqueue_dma source(%dma_start3A_45 : memref<51200xf32, #tpu.memory_space<hbm>>) target(%dma_start3A_44 : memref<51200xf32, #tpu.memory_space<vmem>>) target_semaphore(%arg18 : memref<!tpu.dma_semaphore, #tpu.memory_space<semaphore_mem>>)
    %mul3A_46 = arith.constant 1024 : i32
    %mul3A_47 = arith.muli %select_n3A, %mul3A_46 : i32
    %dma_start3A_48 = tpu.memref_slice %arg5[%mul3A_47] : memref<2048xf32, #tpu.memory_space<hbm>> -> memref<1024xf32, #tpu.memory_space<hbm>>
    %dma_start3A_49 = tpu.memref_slice %arg5[%mul3A_47] : memref<2048xf32, #tpu.memory_space<hbm>> -> memref<1024xf32, #tpu.memory_space<hbm>>
    tpu.enqueue_dma source(%dma_start3A_49 : memref<1024xf32, #tpu.memory_space<hbm>>) target(%arg9 : memref<1024xf32, #tpu.memory_space<vmem>>) target_semaphore(%arg17 : memref<!tpu.dma_semaphore, #tpu.memory_space<semaphore_mem>>)
    %mul3A_50 = arith.constant 1024 : i32
    %mul3A_51 = arith.muli %select_n3A, %mul3A_50 : i32
    %dma_start3A_52 = tpu.memref_slice %arg6[%mul3A_51] : memref<2048xf32, #tpu.memory_space<hbm>> -> memref<1024xf32, #tpu.memory_space<hbm>>
    %dma_start3A_53 = tpu.memref_slice %arg6[%mul3A_51] : memref<2048xf32, #tpu.memory_space<hbm>> -> memref<1024xf32, #tpu.memory_space<hbm>>
    tpu.enqueue_dma source(%dma_start3A_53 : memref<1024xf32, #tpu.memory_space<hbm>>) target(%arg10 : memref<1024xf32, #tpu.memory_space<vmem>>) target_semaphore(%arg18 : memref<!tpu.dma_semaphore, #tpu.memory_space<semaphore_mem>>)
    %mul3A_54 = arith.constant 1024 : i32
    %mul3A_55 = arith.muli %select_n3A, %mul3A_54 : i32
    %mul3A_56 = arith.constant 512 : i32
    %mul3A_57 = arith.muli %select_n3A_30, %mul3A_56 : i32
    %iota3A = tpu.iota {dimensions = array<i32: 0>} : vector<16xi32>
    %mul3A_58 = arith.constant 51 : i32
    %mul3A_59 = vector.broadcast %mul3A_58 : i32 to vector<16xi32>
    %mul3A_60 = arith.muli %iota3A, %mul3A_59 : vector<16xi32>
    %iota3A_61 = tpu.iota {dimensions = array<i32: 0>} : vector<16xi32>
    %mul3A_62 = arith.constant 50 : i32
    %mul3A_63 = vector.broadcast %mul3A_62 : i32 to vector<16xi32>
    %mul3A_64 = arith.muli %iota3A_61, %mul3A_63 : vector<16xi32>
    %add3A_65 = arith.constant 0 : i32
    %add3A_66 = arith.addi %mul3A_57, %add3A_65 : i32
    %dma_start3A_67 = tpu.memref_slice %arg2[%add3A_66, %mul3A_55] : memref<8192x2048xf32, #tpu.memory_space<hbm>> -> memref<4x1024xf32, #tpu.memory_space<hbm>>
    %dma_start3A_68 = tpu.memref_slice %arg2[%add3A_66, %mul3A_55] : memref<8192x2048xf32, #tpu.memory_space<hbm>> -> memref<4x1024xf32, #tpu.memory_space<hbm>>
    tpu.enqueue_dma source(%dma_start3A_68 : memref<4x1024xf32, #tpu.memory_space<hbm>>) target(%arg11 : memref<4x1024xf32, #tpu.memory_space<vmem>>) target_semaphore(%arg15 : memref<!tpu.dma_semaphore, #tpu.memory_space<semaphore_mem>>)
    %add3A_69 = arith.constant 4 : i32
    %add3A_70 = arith.addi %mul3A_57, %add3A_69 : i32
    %dma_start3A_71 = tpu.memref_slice %arg2[%add3A_70, %mul3A_55] : memref<8192x2048xf32, #tpu.memory_space<hbm>> -> memref<4x1024xf32, #tpu.memory_space<hbm>>
    %dma_start3A_72 = tpu.memref_slice %arg2[%add3A_70, %mul3A_55] : memref<8192x2048xf32, #tpu.memory_space<hbm>> -> memref<4x1024xf32, #tpu.memory_space<hbm>>
    tpu.enqueue_dma source(%dma_start3A_72 : memref<4x1024xf32, #tpu.memory_space<hbm>>) target(%arg12 : memref<4x1024xf32, #tpu.memory_space<vmem>>) target_semaphore(%arg16 : memref<!tpu.dma_semaphore, #tpu.memory_space<semaphore_mem>>)
    %dma_wait3A = arith.constant 0 : i32
    %dma_wait3A_73 = tpu.memref_slice %arg8[%dma_wait3A] : memref<103424xf32, #tpu.memory_space<vmem>> -> memref<52224xf32, #tpu.memory_space<vmem>>
    %dma_wait3A_74 = arith.constant 0 : i32
    %dma_wait3A_75 = tpu.memref_slice %arg3[%dma_wait3A_74] : memref<104448xf32, #tpu.memory_space<hbm>> -> memref<52224xf32, #tpu.memory_space<hbm>>
    %dma_wait3A_76 = arith.constant 0 : i32
    %dma_wait3A_77 = tpu.memref_slice %arg8[%dma_wait3A_76] : memref<103424xf32, #tpu.memory_space<vmem>> -> memref<52224xf32, #tpu.memory_space<vmem>>
    %dma_wait3A_78 = arith.constant 0 : i32
    %dma_wait3A_79 = tpu.memref_slice %arg3[%dma_wait3A_78] : memref<104448xf32, #tpu.memory_space<hbm>> -> memref<52224xf32, #tpu.memory_space<hbm>>
    tpu.wait_dma2 semaphore(%arg17 : memref<!tpu.dma_semaphore, #tpu.memory_space<semaphore_mem>>) src(%dma_wait3A_79 : memref<52224xf32, #tpu.memory_space<hbm>>) dst(%dma_wait3A_77 : memref<52224xf32, #tpu.memory_space<vmem>>)
    %dma_wait3A_80 = arith.constant 52224 : i32
    %dma_wait3A_81 = tpu.memref_slice %arg8[%dma_wait3A_80] : memref<103424xf32, #tpu.memory_space<vmem>> -> memref<51200xf32, #tpu.memory_space<vmem>>
    %dma_wait3A_82 = arith.constant 0 : i32
    %dma_wait3A_83 = tpu.memref_slice %arg4[%dma_wait3A_82] : memref<102400xf32, #tpu.memory_space<hbm>> -> memref<51200xf32, #tpu.memory_space<hbm>>
    %dma_wait3A_84 = arith.constant 52224 : i32
    %dma_wait3A_85 = tpu.memref_slice %arg8[%dma_wait3A_84] : memref<103424xf32, #tpu.memory_space<vmem>> -> memref<51200xf32, #tpu.memory_space<vmem>>
    %dma_wait3A_86 = arith.constant 0 : i32
    %dma_wait3A_87 = tpu.memref_slice %arg4[%dma_wait3A_86] : memref<102400xf32, #tpu.memory_space<hbm>> -> memref<51200xf32, #tpu.memory_space<hbm>>
    tpu.wait_dma2 semaphore(%arg18 : memref<!tpu.dma_semaphore, #tpu.memory_space<semaphore_mem>>) src(%dma_wait3A_87 : memref<51200xf32, #tpu.memory_space<hbm>>) dst(%dma_wait3A_85 : memref<51200xf32, #tpu.memory_space<vmem>>)
    %dma_wait3A_88 = arith.constant 0 : i32
    %dma_wait3A_89 = tpu.memref_slice %arg5[%dma_wait3A_88] : memref<2048xf32, #tpu.memory_space<hbm>> -> memref<1024xf32, #tpu.memory_space<hbm>>
    %dma_wait3A_90 = arith.constant 0 : i32
    %dma_wait3A_91 = tpu.memref_slice %arg5[%dma_wait3A_90] : memref<2048xf32, #tpu.memory_space<hbm>> -> memref<1024xf32, #tpu.memory_space<hbm>>
    tpu.wait_dma2 semaphore(%arg17 : memref<!tpu.dma_semaphore, #tpu.memory_space<semaphore_mem>>) src(%dma_wait3A_91 : memref<1024xf32, #tpu.memory_space<hbm>>) dst(%arg9 : memref<1024xf32, #tpu.memory_space<vmem>>)
    %dma_wait3A_92 = arith.constant 0 : i32
    %dma_wait3A_93 = tpu.memref_slice %arg6[%dma_wait3A_92] : memref<2048xf32, #tpu.memory_space<hbm>> -> memref<1024xf32, #tpu.memory_space<hbm>>
    %dma_wait3A_94 = arith.constant 0 : i32
    %dma_wait3A_95 = tpu.memref_slice %arg6[%dma_wait3A_94] : memref<2048xf32, #tpu.memory_space<hbm>> -> memref<1024xf32, #tpu.memory_space<hbm>>
    tpu.wait_dma2 semaphore(%arg18 : memref<!tpu.dma_semaphore, #tpu.memory_space<semaphore_mem>>) src(%dma_wait3A_95 : memref<1024xf32, #tpu.memory_space<hbm>>) dst(%arg10 : memref<1024xf32, #tpu.memory_space<vmem>>)
    %scan3A = arith.constant 0 : i32
    %scan3A_96 = arith.constant 64 : i32
    %scan3A_97 = arith.addi %scan3A, %scan3A_96 : i32
    %scan3A_98 = arith.constant 1 : i32
    scf.for %scan3A_112 = %scan3A to %scan3A_97 step %scan3A_98  : i32 {
      %mul3A_113 = arith.constant 2 : i32
      %mul3A_114 = arith.muli %scan3A_112, %mul3A_113 : i32
      %add3A_115 = arith.constant 0 : i32
      %add3A_116 = arith.addi %add3A_115, %mul3A_114 : i32
      %add3A_117 = arith.constant 0 : i32
      %add3A_118 = arith.addi %add3A_116, %add3A_117 : i32
      %dma_wait3A_119 = arith.constant 0 : i32
      %dma_wait3A_120 = arith.constant 0 : i32
      %dma_wait3A_121 = tpu.memref_slice %arg2[%dma_wait3A_119, %dma_wait3A_120] : memref<8192x2048xf32, #tpu.memory_space<hbm>> -> memref<4x1024xf32, #tpu.memory_space<hbm>>
      %dma_wait3A_122 = arith.constant 0 : i32
      %dma_wait3A_123 = arith.constant 0 : i32
      %dma_wait3A_124 = tpu.memref_slice %arg2[%dma_wait3A_122, %dma_wait3A_123] : memref<8192x2048xf32, #tpu.memory_space<hbm>> -> memref<4x1024xf32, #tpu.memory_space<hbm>>
      tpu.wait_dma2 semaphore(%arg15 : memref<!tpu.dma_semaphore, #tpu.memory_space<semaphore_mem>>) src(%dma_wait3A_124 : memref<4x1024xf32, #tpu.memory_space<hbm>>) dst(%arg11 : memref<4x1024xf32, #tpu.memory_space<vmem>>)
      %ge3A = arith.constant 2 : i32
      %ge3A_125 = arith.cmpi sge, %add3A_118, %ge3A : i32
      %convert_element_type3A = arith.extui %ge3A_125 : i1 to i32
      %cond3A = arith.constant 0 : i32
      %cond3A_126 = arith.cmpi ne, %convert_element_type3A, %cond3A : i32
      scf.if %cond3A_126 {
        %dma_wait3A_169 = arith.constant 0 : i32
        %dma_wait3A_170 = arith.constant 0 : i32
        %dma_wait3A_171 = tpu.memref_slice %arg7[%dma_wait3A_169, %dma_wait3A_170] : memref<8192x2048xf32, #tpu.memory_space<hbm>> -> memref<4x1024xf32, #tpu.memory_space<hbm>>
        %dma_wait3A_172 = arith.constant 0 : i32
        %dma_wait3A_173 = arith.constant 0 : i32
        %dma_wait3A_174 = tpu.memref_slice %arg7[%dma_wait3A_172, %dma_wait3A_173] : memref<8192x2048xf32, #tpu.memory_space<hbm>> -> memref<4x1024xf32, #tpu.memory_space<hbm>>
        tpu.wait_dma2 semaphore(%arg17 : memref<!tpu.dma_semaphore, #tpu.memory_space<semaphore_mem>>) src(%arg13 : memref<4x1024xf32, #tpu.memory_space<vmem>>) dst(%dma_wait3A_174 : memref<4x1024xf32, #tpu.memory_space<hbm>>)
      } else {
      }
      %parallel_loop3A = arith.constant 0 : i32
      %parallel_loop3A_127 = arith.constant 64 : i32
      %parallel_loop3A_128 = arith.constant 1 : i32
      scf.for %parallel_loop3A_169 = %parallel_loop3A to %parallel_loop3A_127 step %parallel_loop3A_128  : i32 {
        %parallel_loop3A_170 = arith.constant 16 : i32
        %parallel_loop3A_171 = arith.muli %parallel_loop3A_169, %parallel_loop3A_170 : i32
        %parallel_loop3A_172 = arith.index_cast %parallel_loop3A_171 : i32 to index
        %parallel_loop3A_173 = tpu.vector_load %arg9[%parallel_loop3A_172] {strides = array<i32>} : memref<1024xf32, #tpu.memory_space<vmem>>, vector<16xf32>,
        %parallel_loop3A_174 = arith.index_cast %parallel_loop3A_171 : i32 to index
        %parallel_loop3A_175 = tpu.vector_load %arg10[%parallel_loop3A_174] {strides = array<i32>} : memref<1024xf32, #tpu.memory_space<vmem>>, vector<16xf32>,
        %parallel_loop3A_176 = arith.constant 51 : i32
        %parallel_loop3A_177 = arith.muli %parallel_loop3A_171, %parallel_loop3A_176 : i32
        %parallel_loop3A_178 = arith.constant 1262485504 : i32
        %parallel_loop3A_179 = arith.subi %parallel_loop3A_177, %parallel_loop3A_178 : i32
        %parallel_loop3A_180 = vector.broadcast %parallel_loop3A_179 : i32 to vector<16xi32>
        %parallel_loop3A_181 = arith.addi %mul3A_60, %parallel_loop3A_180 : vector<16xi32>
        %parallel_loop3A_182 = arith.constant 50 : i32
        %parallel_loop3A_183 = arith.muli %parallel_loop3A_171, %parallel_loop3A_182 : i32
        %parallel_loop3A_184 = arith.constant 52224 : i32
        %parallel_loop3A_185 = arith.addi %parallel_loop3A_183, %parallel_loop3A_184 : i32
        %parallel_loop3A_186 = arith.constant 1262485504 : i32
        %parallel_loop3A_187 = arith.subi %parallel_loop3A_185, %parallel_loop3A_186 : i32
        %parallel_loop3A_188 = vector.broadcast %parallel_loop3A_187 : i32 to vector<16xi32>
        %parallel_loop3A_189 = arith.addi %mul3A_64, %parallel_loop3A_188 : vector<16xi32>
        %parallel_loop3A_190 = arith.constant 0 : i32
        %parallel_loop3A_191 = arith.index_cast %parallel_loop3A_190 : i32 to index
        %parallel_loop3A_192 = arith.index_cast %parallel_loop3A_171 : i32 to index
        %parallel_loop3A_193 = tpu.vector_load %arg11[%parallel_loop3A_191, %parallel_loop3A_192] {strides = array<i32>} : memref<4x1024xf32, #tpu.memory_space<vmem>>, vector<16xf32>,
        %parallel_loop3A_194 = arith.mulf %parallel_loop3A_193, %parallel_loop3A_173 : vector<16xf32>
        %parallel_loop3A_195 = arith.constant 2.450000e+01 : f32
        %parallel_loop3A_196 = vector.broadcast %parallel_loop3A_195 : f32 to vector<16xf32>
        %parallel_loop3A_197 = arith.addf %parallel_loop3A_194, %parallel_loop3A_196 : vector<16xf32>
        %parallel_loop3A_198 = arith.constant -5.000000e-01 : f32
        %parallel_loop3A_199 = vector.broadcast %parallel_loop3A_198 : f32 to vector<16xf32>
        %parallel_loop3A_200 = arith.maximumf %parallel_loop3A_197, %parallel_loop3A_199 : vector<16xf32>
        %parallel_loop3A_201 = arith.constant 4.900000e+01 : f32
        %parallel_loop3A_202 = vector.broadcast %parallel_loop3A_201 : f32 to vector<16xf32>
        %parallel_loop3A_203 = arith.minimumf %parallel_loop3A_200, %parallel_loop3A_202 : vector<16xf32>
        %parallel_loop3A_204 = arith.constant 0x4B400000 : f32
        %parallel_loop3A_205 = vector.broadcast %parallel_loop3A_204 : f32 to vector<16xf32>
        %parallel_loop3A_206 = arith.addf %parallel_loop3A_203, %parallel_loop3A_205 : vector<16xf32>
        %parallel_loop3A_207 = vector.bitcast %parallel_loop3A_206 : vector<16xf32> to vector<16xi32>
        %parallel_loop3A_208 = arith.addi %parallel_loop3A_207, %parallel_loop3A_181 : vector<16xi32>
        %parallel_loop3A_209 = tpu.vector_load_idx %arg8[%parallel_loop3A_208] : memref<103424xf32, #tpu.memory_space<vmem>>[vector<16xi32>], vector<16xf32>,
        %parallel_loop3A_210 = arith.addi %parallel_loop3A_207, %parallel_loop3A_189 : vector<16xi32>
        %parallel_loop3A_211 = tpu.vector_load_idx %arg8[%parallel_loop3A_210] : memref<103424xf32, #tpu.memory_space<vmem>>[vector<16xi32>], vector<16xf32>,
        %parallel_loop3A_212 = arith.mulf %parallel_loop3A_211, %parallel_loop3A_197 : vector<16xf32>
        %parallel_loop3A_213 = arith.addf %parallel_loop3A_209, %parallel_loop3A_212 : vector<16xf32>
        %parallel_loop3A_214 = arith.mulf %parallel_loop3A_213, %parallel_loop3A_175 : vector<16xf32>
        %parallel_loop3A_215 = arith.constant 0 : i32
        %parallel_loop3A_216 = arith.index_cast %parallel_loop3A_215 : i32 to index
        %parallel_loop3A_217 = arith.index_cast %parallel_loop3A_171 : i32 to index
        %parallel_loop3A_218 = tpu.vector_load %arg13[%parallel_loop3A_216, %parallel_loop3A_217] {strides = array<i32>} : memref<4x1024xf32, #tpu.memory_space<vmem>>, vector<16xf32>,
        tpu.vector_store %arg13[%parallel_loop3A_216, %parallel_loop3A_217], %parallel_loop3A_214 {strides = array<i32>} : memref<4x1024xf32, #tpu.memory_space<vmem>>, vector<16xf32>,
        %parallel_loop3A_219 = arith.constant 1 : i32
        %parallel_loop3A_220 = arith.index_cast %parallel_loop3A_219 : i32 to index
        %parallel_loop3A_221 = arith.index_cast %parallel_loop3A_171 : i32 to index
        %parallel_loop3A_222 = tpu.vector_load %arg11[%parallel_loop3A_220, %parallel_loop3A_221] {strides = array<i32>} : memref<4x1024xf32, #tpu.memory_space<vmem>>, vector<16xf32>,
        %parallel_loop3A_223 = arith.mulf %parallel_loop3A_222, %parallel_loop3A_173 : vector<16xf32>
        %parallel_loop3A_224 = arith.constant 2.450000e+01 : f32
        %parallel_loop3A_225 = vector.broadcast %parallel_loop3A_224 : f32 to vector<16xf32>
        %parallel_loop3A_226 = arith.addf %parallel_loop3A_223, %parallel_loop3A_225 : vector<16xf32>
        %parallel_loop3A_227 = arith.constant -5.000000e-01 : f32
        %parallel_loop3A_228 = vector.broadcast %parallel_loop3A_227 : f32 to vector<16xf32>
        %parallel_loop3A_229 = arith.maximumf %parallel_loop3A_226, %parallel_loop3A_228 : vector<16xf32>
        %parallel_loop3A_230 = arith.constant 4.900000e+01 : f32
        %parallel_loop3A_231 = vector.broadcast %parallel_loop3A_230 : f32 to vector<16xf32>
        %parallel_loop3A_232 = arith.minimumf %parallel_loop3A_229, %parallel_loop3A_231 : vector<16xf32>
        %parallel_loop3A_233 = arith.constant 0x4B400000 : f32
        %parallel_loop3A_234 = vector.broadcast %parallel_loop3A_233 : f32 to vector<16xf32>
        %parallel_loop3A_235 = arith.addf %parallel_loop3A_232, %parallel_loop3A_234 : vector<16xf32>
        %parallel_loop3A_236 = vector.bitcast %parallel_loop3A_235 : vector<16xf32> to vector<16xi32>
        %parallel_loop3A_237 = arith.addi %parallel_loop3A_236, %parallel_loop3A_181 : vector<16xi32>
        %parallel_loop3A_238 = tpu.vector_load_idx %arg8[%parallel_loop3A_237] : memref<103424xf32, #tpu.memory_space<vmem>>[vector<16xi32>], vector<16xf32>,
        %parallel_loop3A_239 = arith.addi %parallel_loop3A_236, %parallel_loop3A_189 : vector<16xi32>
        %parallel_loop3A_240 = tpu.vector_load_idx %arg8[%parallel_loop3A_239] : memref<103424xf32, #tpu.memory_space<vmem>>[vector<16xi32>], vector<16xf32>,
        %parallel_loop3A_241 = arith.mulf %parallel_loop3A_240, %parallel_loop3A_226 : vector<16xf32>
        %parallel_loop3A_242 = arith.addf %parallel_loop3A_238, %parallel_loop3A_241 : vector<16xf32>
        %parallel_loop3A_243 = arith.mulf %parallel_loop3A_242, %parallel_loop3A_175 : vector<16xf32>
        %parallel_loop3A_244 = arith.constant 1 : i32
        %parallel_loop3A_245 = arith.index_cast %parallel_loop3A_244 : i32 to index
        %parallel_loop3A_246 = arith.index_cast %parallel_loop3A_171 : i32 to index
        %parallel_loop3A_247 = tpu.vector_load %arg13[%parallel_loop3A_245, %parallel_loop3A_246] {strides = array<i32>} : memref<4x1024xf32, #tpu.memory_space<vmem>>, vector<16xf32>,
        tpu.vector_store %arg13[%parallel_loop3A_245, %parallel_loop3A_246], %parallel_loop3A_243 {strides = array<i32>} : memref<4x1024xf32, #tpu.memory_space<vmem>>, vector<16xf32>,
        %parallel_loop3A_248 = arith.constant 2 : i32
        %parallel_loop3A_249 = arith.index_cast %parallel_loop3A_248 : i32 to index
        %parallel_loop3A_250 = arith.index_cast %parallel_loop3A_171 : i32 to index
        %parallel_loop3A_251 = tpu.vector_load %arg11[%parallel_loop3A_249, %parallel_loop3A_250] {strides = array<i32>} : memref<4x1024xf32, #tpu.memory_space<vmem>>, vector<16xf32>,
        %parallel_loop3A_252 = arith.mulf %parallel_loop3A_251, %parallel_loop3A_173 : vector<16xf32>
        %parallel_loop3A_253 = arith.constant 2.450000e+01 : f32
        %parallel_loop3A_254 = vector.broadcast %parallel_loop3A_253 : f32 to vector<16xf32>
        %parallel_loop3A_255 = arith.addf %parallel_loop3A_252, %parallel_loop3A_254 : vector<16xf32>
        %parallel_loop3A_256 = arith.constant -5.000000e-01 : f32
        %parallel_loop3A_257 = vector.broadcast %parallel_loop3A_256 : f32 to vector<16xf32>
        %parallel_loop3A_258 = arith.maximumf %parallel_loop3A_255, %parallel_loop3A_257 : vector<16xf32>
        %parallel_loop3A_259 = arith.constant 4.900000e+01 : f32
        %parallel_loop3A_260 = vector.broadcast %parallel_loop3A_259 : f32 to vector<16xf32>
        %parallel_loop3A_261 = arith.minimumf %parallel_loop3A_258, %parallel_loop3A_260 : vector<16xf32>
        %parallel_loop3A_262 = arith.constant 0x4B400000 : f32
        %parallel_loop3A_263 = vector.broadcast %parallel_loop3A_262 : f32 to vector<16xf32>
        %parallel_loop3A_264 = arith.addf %parallel_loop3A_261, %parallel_loop3A_263 : vector<16xf32>
        %parallel_loop3A_265 = vector.bitcast %parallel_loop3A_264 : vector<16xf32> to vector<16xi32>
        %parallel_loop3A_266 = arith.addi %parallel_loop3A_265, %parallel_loop3A_181 : vector<16xi32>
        %parallel_loop3A_267 = tpu.vector_load_idx %arg8[%parallel_loop3A_266] : memref<103424xf32, #tpu.memory_space<vmem>>[vector<16xi32>], vector<16xf32>,
        %parallel_loop3A_268 = arith.addi %parallel_loop3A_265, %parallel_loop3A_189 : vector<16xi32>
        %parallel_loop3A_269 = tpu.vector_load_idx %arg8[%parallel_loop3A_268] : memref<103424xf32, #tpu.memory_space<vmem>>[vector<16xi32>], vector<16xf32>,
        %parallel_loop3A_270 = arith.mulf %parallel_loop3A_269, %parallel_loop3A_255 : vector<16xf32>
        %parallel_loop3A_271 = arith.addf %parallel_loop3A_267, %parallel_loop3A_270 : vector<16xf32>
        %parallel_loop3A_272 = arith.mulf %parallel_loop3A_271, %parallel_loop3A_175 : vector<16xf32>
        %parallel_loop3A_273 = arith.constant 2 : i32
        %parallel_loop3A_274 = arith.index_cast %parallel_loop3A_273 : i32 to index
        %parallel_loop3A_275 = arith.index_cast %parallel_loop3A_171 : i32 to index
        %parallel_loop3A_276 = tpu.vector_load %arg13[%parallel_loop3A_274, %parallel_loop3A_275] {strides = array<i32>} : memref<4x1024xf32, #tpu.memory_space<vmem>>, vector<16xf32>,
        tpu.vector_store %arg13[%parallel_loop3A_274, %parallel_loop3A_275], %parallel_loop3A_272 {strides = array<i32>} : memref<4x1024xf32, #tpu.memory_space<vmem>>, vector<16xf32>,
        %parallel_loop3A_277 = arith.constant 3 : i32
        %parallel_loop3A_278 = arith.index_cast %parallel_loop3A_277 : i32 to index
        %parallel_loop3A_279 = arith.index_cast %parallel_loop3A_171 : i32 to index
        %parallel_loop3A_280 = tpu.vector_load %arg11[%parallel_loop3A_278, %parallel_loop3A_279] {strides = array<i32>} : memref<4x1024xf32, #tpu.memory_space<vmem>>, vector<16xf32>,
        %parallel_loop3A_281 = arith.mulf %parallel_loop3A_280, %parallel_loop3A_173 : vector<16xf32>
        %parallel_loop3A_282 = arith.constant 2.450000e+01 : f32
        %parallel_loop3A_283 = vector.broadcast %parallel_loop3A_282 : f32 to vector<16xf32>
        %parallel_loop3A_284 = arith.addf %parallel_loop3A_281, %parallel_loop3A_283 : vector<16xf32>
        %parallel_loop3A_285 = arith.constant -5.000000e-01 : f32
        %parallel_loop3A_286 = vector.broadcast %parallel_loop3A_285 : f32 to vector<16xf32>
        %parallel_loop3A_287 = arith.maximumf %parallel_loop3A_284, %parallel_loop3A_286 : vector<16xf32>
        %parallel_loop3A_288 = arith.constant 4.900000e+01 : f32
        %parallel_loop3A_289 = vector.broadcast %parallel_loop3A_288 : f32 to vector<16xf32>
        %parallel_loop3A_290 = arith.minimumf %parallel_loop3A_287, %parallel_loop3A_289 : vector<16xf32>
        %parallel_loop3A_291 = arith.constant 0x4B400000 : f32
        %parallel_loop3A_292 = vector.broadcast %parallel_loop3A_291 : f32 to vector<16xf32>
        %parallel_loop3A_293 = arith.addf %parallel_loop3A_290, %parallel_loop3A_292 : vector<16xf32>
        %parallel_loop3A_294 = vector.bitcast %parallel_loop3A_293 : vector<16xf32> to vector<16xi32>
        %parallel_loop3A_295 = arith.addi %parallel_loop3A_294, %parallel_loop3A_181 : vector<16xi32>
        %parallel_loop3A_296 = tpu.vector_load_idx %arg8[%parallel_loop3A_295] : memref<103424xf32, #tpu.memory_space<vmem>>[vector<16xi32>], vector<16xf32>,
        %parallel_loop3A_297 = arith.addi %parallel_loop3A_294, %parallel_loop3A_189 : vector<16xi32>
        %parallel_loop3A_298 = tpu.vector_load_idx %arg8[%parallel_loop3A_297] : memref<103424xf32, #tpu.memory_space<vmem>>[vector<16xi32>], vector<16xf32>,
        %parallel_loop3A_299 = arith.mulf %parallel_loop3A_298, %parallel_loop3A_284 : vector<16xf32>
        %parallel_loop3A_300 = arith.addf %parallel_loop3A_296, %parallel_loop3A_299 : vector<16xf32>
        %parallel_loop3A_301 = arith.mulf %parallel_loop3A_300, %parallel_loop3A_175 : vector<16xf32>
        %parallel_loop3A_302 = arith.constant 3 : i32
        %parallel_loop3A_303 = arith.index_cast %parallel_loop3A_302 : i32 to index
        %parallel_loop3A_304 = arith.index_cast %parallel_loop3A_171 : i32 to index
        %parallel_loop3A_305 = tpu.vector_load %arg13[%parallel_loop3A_303, %parallel_loop3A_304] {strides = array<i32>} : memref<4x1024xf32, #tpu.memory_space<vmem>>, vector<16xf32>,
        tpu.vector_store %arg13[%parallel_loop3A_303, %parallel_loop3A_304], %parallel_loop3A_301 {strides = array<i32>} : memref<4x1024xf32, #tpu.memory_space<vmem>>, vector<16xf32>,
      } {sc.loop_unroll_factor = 4 : i64, sc.parallel_access}
      %mul3A_129 = arith.constant 4 : i32
      %mul3A_130 = arith.muli %add3A_118, %mul3A_129 : i32
      %add3A_131 = arith.addi %mul3A_57, %mul3A_130 : i32
      %dma_start3A_132 = tpu.memref_slice %arg7[%add3A_131, %mul3A_55] : memref<8192x2048xf32, #tpu.memory_space<hbm>> -> memref<4x1024xf32, #tpu.memory_space<hbm>>
      %dma_start3A_133 = tpu.memref_slice %arg7[%add3A_131, %mul3A_55] : memref<8192x2048xf32, #tpu.memory_space<hbm>> -> memref<4x1024xf32, #tpu.memory_space<hbm>>
      tpu.enqueue_dma source(%arg13 : memref<4x1024xf32, #tpu.memory_space<vmem>>) target(%dma_start3A_133 : memref<4x1024xf32, #tpu.memory_space<hbm>>) target_semaphore(%arg17 : memref<!tpu.dma_semaphore, #tpu.memory_space<semaphore_mem>>)
      %add3A_134 = arith.constant 2 : i32
      %add3A_135 = arith.addi %add3A_118, %add3A_134 : i32
      %lt3A_136 = arith.constant 128 : i32
      %lt3A_137 = arith.cmpi slt, %add3A_135, %lt3A_136 : i32
      %convert_element_type3A_138 = arith.extui %lt3A_137 : i1 to i32
      %cond3A_139 = arith.constant 0 : i32
      %cond3A_140 = arith.cmpi ne, %convert_element_type3A_138, %cond3A_139 : i32
      scf.if %cond3A_140 {
        %add3A_169 = arith.constant 2 : i32
        %add3A_170 = arith.addi %add3A_118, %add3A_169 : i32
        %mul3A_171 = arith.constant 4 : i32
        %mul3A_172 = arith.muli %add3A_170, %mul3A_171 : i32
        %add3A_173 = arith.addi %mul3A_57, %mul3A_172 : i32
        %dma_start3A_174 = tpu.memref_slice %arg2[%add3A_173, %mul3A_55] : memref<8192x2048xf32, #tpu.memory_space<hbm>> -> memref<4x1024xf32, #tpu.memory_space<hbm>>
        %dma_start3A_175 = tpu.memref_slice %arg2[%add3A_173, %mul3A_55] : memref<8192x2048xf32, #tpu.memory_space<hbm>> -> memref<4x1024xf32, #tpu.memory_space<hbm>>
        tpu.enqueue_dma source(%dma_start3A_175 : memref<4x1024xf32, #tpu.memory_space<hbm>>) target(%arg11 : memref<4x1024xf32, #tpu.memory_space<vmem>>) target_semaphore(%arg15 : memref<!tpu.dma_semaphore, #tpu.memory_space<semaphore_mem>>)
      } else {
      }
      %add3A_141 = arith.constant 1 : i32
      %add3A_142 = arith.addi %add3A_116, %add3A_141 : i32
      %dma_wait3A_143 = arith.constant 0 : i32
      %dma_wait3A_144 = arith.constant 0 : i32
      %dma_wait3A_145 = tpu.memref_slice %arg2[%dma_wait3A_143, %dma_wait3A_144] : memref<8192x2048xf32, #tpu.memory_space<hbm>> -> memref<4x1024xf32, #tpu.memory_space<hbm>>
      %dma_wait3A_146 = arith.constant 0 : i32
      %dma_wait3A_147 = arith.constant 0 : i32
      %dma_wait3A_148 = tpu.memref_slice %arg2[%dma_wait3A_146, %dma_wait3A_147] : memref<8192x2048xf32, #tpu.memory_space<hbm>> -> memref<4x1024xf32, #tpu.memory_space<hbm>>
      tpu.wait_dma2 semaphore(%arg16 : memref<!tpu.dma_semaphore, #tpu.memory_space<semaphore_mem>>) src(%dma_wait3A_148 : memref<4x1024xf32, #tpu.memory_space<hbm>>) dst(%arg12 : memref<4x1024xf32, #tpu.memory_space<vmem>>)
      %ge3A_149 = arith.constant 2 : i32
      %ge3A_150 = arith.cmpi sge, %add3A_142, %ge3A_149 : i32
      %convert_element_type3A_151 = arith.extui %ge3A_150 : i1 to i32
      %cond3A_152 = arith.constant 0 : i32
      %cond3A_153 = arith.cmpi ne, %convert_element_type3A_151, %cond3A_152 : i32
      scf.if %cond3A_153 {
        %dma_wait3A_169 = arith.constant 0 : i32
        %dma_wait3A_170 = arith.constant 0 : i32
        %dma_wait3A_171 = tpu.memref_slice %arg7[%dma_wait3A_169, %dma_wait3A_170] : memref<8192x2048xf32, #tpu.memory_space<hbm>> -> memref<4x1024xf32, #tpu.memory_space<hbm>>
        %dma_wait3A_172 = arith.constant 0 : i32
        %dma_wait3A_173 = arith.constant 0 : i32
        %dma_wait3A_174 = tpu.memref_slice %arg7[%dma_wait3A_172, %dma_wait3A_173] : memref<8192x2048xf32, #tpu.memory_space<hbm>> -> memref<4x1024xf32, #tpu.memory_space<hbm>>
        tpu.wait_dma2 semaphore(%arg18 : memref<!tpu.dma_semaphore, #tpu.memory_space<semaphore_mem>>) src(%arg14 : memref<4x1024xf32, #tpu.memory_space<vmem>>) dst(%dma_wait3A_174 : memref<4x1024xf32, #tpu.memory_space<hbm>>)
      } else {
      }
      %parallel_loop3A_154 = arith.constant 0 : i32
      %parallel_loop3A_155 = arith.constant 64 : i32
      %parallel_loop3A_156 = arith.constant 1 : i32
      scf.for %parallel_loop3A_169 = %parallel_loop3A_154 to %parallel_loop3A_155 step %parallel_loop3A_156  : i32 {
        %parallel_loop3A_170 = arith.constant 16 : i32
        %parallel_loop3A_171 = arith.muli %parallel_loop3A_169, %parallel_loop3A_170 : i32
        %parallel_loop3A_172 = arith.index_cast %parallel_loop3A_171 : i32 to index
        %parallel_loop3A_173 = tpu.vector_load %arg9[%parallel_loop3A_172] {strides = array<i32>} : memref<1024xf32, #tpu.memory_space<vmem>>, vector<16xf32>,
        %parallel_loop3A_174 = arith.index_cast %parallel_loop3A_171 : i32 to index
        %parallel_loop3A_175 = tpu.vector_load %arg10[%parallel_loop3A_174] {strides = array<i32>} : memref<1024xf32, #tpu.memory_space<vmem>>, vector<16xf32>,
        %parallel_loop3A_176 = arith.constant 51 : i32
        %parallel_loop3A_177 = arith.muli %parallel_loop3A_171, %parallel_loop3A_176 : i32
        %parallel_loop3A_178 = arith.constant 1262485504 : i32
        %parallel_loop3A_179 = arith.subi %parallel_loop3A_177, %parallel_loop3A_178 : i32
        %parallel_loop3A_180 = vector.broadcast %parallel_loop3A_179 : i32 to vector<16xi32>
        %parallel_loop3A_181 = arith.addi %mul3A_60, %parallel_loop3A_180 : vector<16xi32>
        %parallel_loop3A_182 = arith.constant 50 : i32
        %parallel_loop3A_183 = arith.muli %parallel_loop3A_171, %parallel_loop3A_182 : i32
        %parallel_loop3A_184 = arith.constant 52224 : i32
        %parallel_loop3A_185 = arith.addi %parallel_loop3A_183, %parallel_loop3A_184 : i32
        %parallel_loop3A_186 = arith.constant 1262485504 : i32
        %parallel_loop3A_187 = arith.subi %parallel_loop3A_185, %parallel_loop3A_186 : i32
        %parallel_loop3A_188 = vector.broadcast %parallel_loop3A_187 : i32 to vector<16xi32>
        %parallel_loop3A_189 = arith.addi %mul3A_64, %parallel_loop3A_188 : vector<16xi32>
        %parallel_loop3A_190 = arith.constant 0 : i32
        %parallel_loop3A_191 = arith.index_cast %parallel_loop3A_190 : i32 to index
        %parallel_loop3A_192 = arith.index_cast %parallel_loop3A_171 : i32 to index
        %parallel_loop3A_193 = tpu.vector_load %arg12[%parallel_loop3A_191, %parallel_loop3A_192] {strides = array<i32>} : memref<4x1024xf32, #tpu.memory_space<vmem>>, vector<16xf32>,
        %parallel_loop3A_194 = arith.mulf %parallel_loop3A_193, %parallel_loop3A_173 : vector<16xf32>
        %parallel_loop3A_195 = arith.constant 2.450000e+01 : f32
        %parallel_loop3A_196 = vector.broadcast %parallel_loop3A_195 : f32 to vector<16xf32>
        %parallel_loop3A_197 = arith.addf %parallel_loop3A_194, %parallel_loop3A_196 : vector<16xf32>
        %parallel_loop3A_198 = arith.constant -5.000000e-01 : f32
        %parallel_loop3A_199 = vector.broadcast %parallel_loop3A_198 : f32 to vector<16xf32>
        %parallel_loop3A_200 = arith.maximumf %parallel_loop3A_197, %parallel_loop3A_199 : vector<16xf32>
        %parallel_loop3A_201 = arith.constant 4.900000e+01 : f32
        %parallel_loop3A_202 = vector.broadcast %parallel_loop3A_201 : f32 to vector<16xf32>
        %parallel_loop3A_203 = arith.minimumf %parallel_loop3A_200, %parallel_loop3A_202 : vector<16xf32>
        %parallel_loop3A_204 = arith.constant 0x4B400000 : f32
        %parallel_loop3A_205 = vector.broadcast %parallel_loop3A_204 : f32 to vector<16xf32>
        %parallel_loop3A_206 = arith.addf %parallel_loop3A_203, %parallel_loop3A_205 : vector<16xf32>
        %parallel_loop3A_207 = vector.bitcast %parallel_loop3A_206 : vector<16xf32> to vector<16xi32>
        %parallel_loop3A_208 = arith.addi %parallel_loop3A_207, %parallel_loop3A_181 : vector<16xi32>
        %parallel_loop3A_209 = tpu.vector_load_idx %arg8[%parallel_loop3A_208] : memref<103424xf32, #tpu.memory_space<vmem>>[vector<16xi32>], vector<16xf32>,
        %parallel_loop3A_210 = arith.addi %parallel_loop3A_207, %parallel_loop3A_189 : vector<16xi32>
        %parallel_loop3A_211 = tpu.vector_load_idx %arg8[%parallel_loop3A_210] : memref<103424xf32, #tpu.memory_space<vmem>>[vector<16xi32>], vector<16xf32>,
        %parallel_loop3A_212 = arith.mulf %parallel_loop3A_211, %parallel_loop3A_197 : vector<16xf32>
        %parallel_loop3A_213 = arith.addf %parallel_loop3A_209, %parallel_loop3A_212 : vector<16xf32>
        %parallel_loop3A_214 = arith.mulf %parallel_loop3A_213, %parallel_loop3A_175 : vector<16xf32>
        %parallel_loop3A_215 = arith.constant 0 : i32
        %parallel_loop3A_216 = arith.index_cast %parallel_loop3A_215 : i32 to index
        %parallel_loop3A_217 = arith.index_cast %parallel_loop3A_171 : i32 to index
        %parallel_loop3A_218 = tpu.vector_load %arg14[%parallel_loop3A_216, %parallel_loop3A_217] {strides = array<i32>} : memref<4x1024xf32, #tpu.memory_space<vmem>>, vector<16xf32>,
        tpu.vector_store %arg14[%parallel_loop3A_216, %parallel_loop3A_217], %parallel_loop3A_214 {strides = array<i32>} : memref<4x1024xf32, #tpu.memory_space<vmem>>, vector<16xf32>,
        %parallel_loop3A_219 = arith.constant 1 : i32
        %parallel_loop3A_220 = arith.index_cast %parallel_loop3A_219 : i32 to index
        %parallel_loop3A_221 = arith.index_cast %parallel_loop3A_171 : i32 to index
        %parallel_loop3A_222 = tpu.vector_load %arg12[%parallel_loop3A_220, %parallel_loop3A_221] {strides = array<i32>} : memref<4x1024xf32, #tpu.memory_space<vmem>>, vector<16xf32>,
        %parallel_loop3A_223 = arith.mulf %parallel_loop3A_222, %parallel_loop3A_173 : vector<16xf32>
        %parallel_loop3A_224 = arith.constant 2.450000e+01 : f32
        %parallel_loop3A_225 = vector.broadcast %parallel_loop3A_224 : f32 to vector<16xf32>
        %parallel_loop3A_226 = arith.addf %parallel_loop3A_223, %parallel_loop3A_225 : vector<16xf32>
        %parallel_loop3A_227 = arith.constant -5.000000e-01 : f32
        %parallel_loop3A_228 = vector.broadcast %parallel_loop3A_227 : f32 to vector<16xf32>
        %parallel_loop3A_229 = arith.maximumf %parallel_loop3A_226, %parallel_loop3A_228 : vector<16xf32>
        %parallel_loop3A_230 = arith.constant 4.900000e+01 : f32
        %parallel_loop3A_231 = vector.broadcast %parallel_loop3A_230 : f32 to vector<16xf32>
        %parallel_loop3A_232 = arith.minimumf %parallel_loop3A_229, %parallel_loop3A_231 : vector<16xf32>
        %parallel_loop3A_233 = arith.constant 0x4B400000 : f32
        %parallel_loop3A_234 = vector.broadcast %parallel_loop3A_233 : f32 to vector<16xf32>
        %parallel_loop3A_235 = arith.addf %parallel_loop3A_232, %parallel_loop3A_234 : vector<16xf32>
        %parallel_loop3A_236 = vector.bitcast %parallel_loop3A_235 : vector<16xf32> to vector<16xi32>
        %parallel_loop3A_237 = arith.addi %parallel_loop3A_236, %parallel_loop3A_181 : vector<16xi32>
        %parallel_loop3A_238 = tpu.vector_load_idx %arg8[%parallel_loop3A_237] : memref<103424xf32, #tpu.memory_space<vmem>>[vector<16xi32>], vector<16xf32>,
        %parallel_loop3A_239 = arith.addi %parallel_loop3A_236, %parallel_loop3A_189 : vector<16xi32>
        %parallel_loop3A_240 = tpu.vector_load_idx %arg8[%parallel_loop3A_239] : memref<103424xf32, #tpu.memory_space<vmem>>[vector<16xi32>], vector<16xf32>,
        %parallel_loop3A_241 = arith.mulf %parallel_loop3A_240, %parallel_loop3A_226 : vector<16xf32>
        %parallel_loop3A_242 = arith.addf %parallel_loop3A_238, %parallel_loop3A_241 : vector<16xf32>
        %parallel_loop3A_243 = arith.mulf %parallel_loop3A_242, %parallel_loop3A_175 : vector<16xf32>
        %parallel_loop3A_244 = arith.constant 1 : i32
        %parallel_loop3A_245 = arith.index_cast %parallel_loop3A_244 : i32 to index
        %parallel_loop3A_246 = arith.index_cast %parallel_loop3A_171 : i32 to index
        %parallel_loop3A_247 = tpu.vector_load %arg14[%parallel_loop3A_245, %parallel_loop3A_246] {strides = array<i32>} : memref<4x1024xf32, #tpu.memory_space<vmem>>, vector<16xf32>,
        tpu.vector_store %arg14[%parallel_loop3A_245, %parallel_loop3A_246], %parallel_loop3A_243 {strides = array<i32>} : memref<4x1024xf32, #tpu.memory_space<vmem>>, vector<16xf32>,
        %parallel_loop3A_248 = arith.constant 2 : i32
        %parallel_loop3A_249 = arith.index_cast %parallel_loop3A_248 : i32 to index
        %parallel_loop3A_250 = arith.index_cast %parallel_loop3A_171 : i32 to index
        %parallel_loop3A_251 = tpu.vector_load %arg12[%parallel_loop3A_249, %parallel_loop3A_250] {strides = array<i32>} : memref<4x1024xf32, #tpu.memory_space<vmem>>, vector<16xf32>,
        %parallel_loop3A_252 = arith.mulf %parallel_loop3A_251, %parallel_loop3A_173 : vector<16xf32>
        %parallel_loop3A_253 = arith.constant 2.450000e+01 : f32
        %parallel_loop3A_254 = vector.broadcast %parallel_loop3A_253 : f32 to vector<16xf32>
        %parallel_loop3A_255 = arith.addf %parallel_loop3A_252, %parallel_loop3A_254 : vector<16xf32>
        %parallel_loop3A_256 = arith.constant -5.000000e-01 : f32
        %parallel_loop3A_257 = vector.broadcast %parallel_loop3A_256 : f32 to vector<16xf32>
        %parallel_loop3A_258 = arith.maximumf %parallel_loop3A_255, %parallel_loop3A_257 : vector<16xf32>
        %parallel_loop3A_259 = arith.constant 4.900000e+01 : f32
        %parallel_loop3A_260 = vector.broadcast %parallel_loop3A_259 : f32 to vector<16xf32>
        %parallel_loop3A_261 = arith.minimumf %parallel_loop3A_258, %parallel_loop3A_260 : vector<16xf32>
        %parallel_loop3A_262 = arith.constant 0x4B400000 : f32
        %parallel_loop3A_263 = vector.broadcast %parallel_loop3A_262 : f32 to vector<16xf32>
        %parallel_loop3A_264 = arith.addf %parallel_loop3A_261, %parallel_loop3A_263 : vector<16xf32>
        %parallel_loop3A_265 = vector.bitcast %parallel_loop3A_264 : vector<16xf32> to vector<16xi32>
        %parallel_loop3A_266 = arith.addi %parallel_loop3A_265, %parallel_loop3A_181 : vector<16xi32>
        %parallel_loop3A_267 = tpu.vector_load_idx %arg8[%parallel_loop3A_266] : memref<103424xf32, #tpu.memory_space<vmem>>[vector<16xi32>], vector<16xf32>,
        %parallel_loop3A_268 = arith.addi %parallel_loop3A_265, %parallel_loop3A_189 : vector<16xi32>
        %parallel_loop3A_269 = tpu.vector_load_idx %arg8[%parallel_loop3A_268] : memref<103424xf32, #tpu.memory_space<vmem>>[vector<16xi32>], vector<16xf32>,
        %parallel_loop3A_270 = arith.mulf %parallel_loop3A_269, %parallel_loop3A_255 : vector<16xf32>
        %parallel_loop3A_271 = arith.addf %parallel_loop3A_267, %parallel_loop3A_270 : vector<16xf32>
        %parallel_loop3A_272 = arith.mulf %parallel_loop3A_271, %parallel_loop3A_175 : vector<16xf32>
        %parallel_loop3A_273 = arith.constant 2 : i32
        %parallel_loop3A_274 = arith.index_cast %parallel_loop3A_273 : i32 to index
        %parallel_loop3A_275 = arith.index_cast %parallel_loop3A_171 : i32 to index
        %parallel_loop3A_276 = tpu.vector_load %arg14[%parallel_loop3A_274, %parallel_loop3A_275] {strides = array<i32>} : memref<4x1024xf32, #tpu.memory_space<vmem>>, vector<16xf32>,
        tpu.vector_store %arg14[%parallel_loop3A_274, %parallel_loop3A_275], %parallel_loop3A_272 {strides = array<i32>} : memref<4x1024xf32, #tpu.memory_space<vmem>>, vector<16xf32>,
        %parallel_loop3A_277 = arith.constant 3 : i32
        %parallel_loop3A_278 = arith.index_cast %parallel_loop3A_277 : i32 to index
        %parallel_loop3A_279 = arith.index_cast %parallel_loop3A_171 : i32 to index
        %parallel_loop3A_280 = tpu.vector_load %arg12[%parallel_loop3A_278, %parallel_loop3A_279] {strides = array<i32>} : memref<4x1024xf32, #tpu.memory_space<vmem>>, vector<16xf32>,
        %parallel_loop3A_281 = arith.mulf %parallel_loop3A_280, %parallel_loop3A_173 : vector<16xf32>
        %parallel_loop3A_282 = arith.constant 2.450000e+01 : f32
        %parallel_loop3A_283 = vector.broadcast %parallel_loop3A_282 : f32 to vector<16xf32>
        %parallel_loop3A_284 = arith.addf %parallel_loop3A_281, %parallel_loop3A_283 : vector<16xf32>
        %parallel_loop3A_285 = arith.constant -5.000000e-01 : f32
        %parallel_loop3A_286 = vector.broadcast %parallel_loop3A_285 : f32 to vector<16xf32>
        %parallel_loop3A_287 = arith.maximumf %parallel_loop3A_284, %parallel_loop3A_286 : vector<16xf32>
        %parallel_loop3A_288 = arith.constant 4.900000e+01 : f32
        %parallel_loop3A_289 = vector.broadcast %parallel_loop3A_288 : f32 to vector<16xf32>
        %parallel_loop3A_290 = arith.minimumf %parallel_loop3A_287, %parallel_loop3A_289 : vector<16xf32>
        %parallel_loop3A_291 = arith.constant 0x4B400000 : f32
        %parallel_loop3A_292 = vector.broadcast %parallel_loop3A_291 : f32 to vector<16xf32>
        %parallel_loop3A_293 = arith.addf %parallel_loop3A_290, %parallel_loop3A_292 : vector<16xf32>
        %parallel_loop3A_294 = vector.bitcast %parallel_loop3A_293 : vector<16xf32> to vector<16xi32>
        %parallel_loop3A_295 = arith.addi %parallel_loop3A_294, %parallel_loop3A_181 : vector<16xi32>
        %parallel_loop3A_296 = tpu.vector_load_idx %arg8[%parallel_loop3A_295] : memref<103424xf32, #tpu.memory_space<vmem>>[vector<16xi32>], vector<16xf32>,
        %parallel_loop3A_297 = arith.addi %parallel_loop3A_294, %parallel_loop3A_189 : vector<16xi32>
        %parallel_loop3A_298 = tpu.vector_load_idx %arg8[%parallel_loop3A_297] : memref<103424xf32, #tpu.memory_space<vmem>>[vector<16xi32>], vector<16xf32>,
        %parallel_loop3A_299 = arith.mulf %parallel_loop3A_298, %parallel_loop3A_284 : vector<16xf32>
        %parallel_loop3A_300 = arith.addf %parallel_loop3A_296, %parallel_loop3A_299 : vector<16xf32>
        %parallel_loop3A_301 = arith.mulf %parallel_loop3A_300, %parallel_loop3A_175 : vector<16xf32>
        %parallel_loop3A_302 = arith.constant 3 : i32
        %parallel_loop3A_303 = arith.index_cast %parallel_loop3A_302 : i32 to index
        %parallel_loop3A_304 = arith.index_cast %parallel_loop3A_171 : i32 to index
        %parallel_loop3A_305 = tpu.vector_load %arg14[%parallel_loop3A_303, %parallel_loop3A_304] {strides = array<i32>} : memref<4x1024xf32, #tpu.memory_space<vmem>>, vector<16xf32>,
        tpu.vector_store %arg14[%parallel_loop3A_303, %parallel_loop3A_304], %parallel_loop3A_301 {strides = array<i32>} : memref<4x1024xf32, #tpu.memory_space<vmem>>, vector<16xf32>,
      } {sc.loop_unroll_factor = 4 : i64, sc.parallel_access}
      %mul3A_157 = arith.constant 4 : i32
      %mul3A_158 = arith.muli %add3A_142, %mul3A_157 : i32
      %add3A_159 = arith.addi %mul3A_57, %mul3A_158 : i32
      %dma_start3A_160 = tpu.memref_slice %arg7[%add3A_159, %mul3A_55] : memref<8192x2048xf32, #tpu.memory_space<hbm>> -> memref<4x1024xf32, #tpu.memory_space<hbm>>
      %dma_start3A_161 = tpu.memref_slice %arg7[%add3A_159, %mul3A_55] : memref<8192x2048xf32, #tpu.memory_space<hbm>> -> memref<4x1024xf32, #tpu.memory_space<hbm>>
      tpu.enqueue_dma source(%arg14 : memref<4x1024xf32, #tpu.memory_space<vmem>>) target(%dma_start3A_161 : memref<4x1024xf32, #tpu.memory_space<hbm>>) target_semaphore(%arg18 : memref<!tpu.dma_semaphore, #tpu.memory_space<semaphore_mem>>)
      %add3A_162 = arith.constant 2 : i32
      %add3A_163 = arith.addi %add3A_142, %add3A_162 : i32
      %lt3A_164 = arith.constant 128 : i32
      %lt3A_165 = arith.cmpi slt, %add3A_163, %lt3A_164 : i32
      %convert_element_type3A_166 = arith.extui %lt3A_165 : i1 to i32
      %cond3A_167 = arith.constant 0 : i32
      %cond3A_168 = arith.cmpi ne, %convert_element_type3A_166, %cond3A_167 : i32
      scf.if %cond3A_168 {
        %add3A_169 = arith.constant 2 : i32
        %add3A_170 = arith.addi %add3A_142, %add3A_169 : i32
        %mul3A_171 = arith.constant 4 : i32
        %mul3A_172 = arith.muli %add3A_170, %mul3A_171 : i32
        %add3A_173 = arith.addi %mul3A_57, %mul3A_172 : i32
        %dma_start3A_174 = tpu.memref_slice %arg2[%add3A_173, %mul3A_55] : memref<8192x2048xf32, #tpu.memory_space<hbm>> -> memref<4x1024xf32, #tpu.memory_space<hbm>>
        %dma_start3A_175 = tpu.memref_slice %arg2[%add3A_173, %mul3A_55] : memref<8192x2048xf32, #tpu.memory_space<hbm>> -> memref<4x1024xf32, #tpu.memory_space<hbm>>
        tpu.enqueue_dma source(%dma_start3A_175 : memref<4x1024xf32, #tpu.memory_space<hbm>>) target(%arg12 : memref<4x1024xf32, #tpu.memory_space<vmem>>) target_semaphore(%arg16 : memref<!tpu.dma_semaphore, #tpu.memory_space<semaphore_mem>>)
      } else {
      }
    }
    %scan3A_99 = arith.constant 64 : i32
    %dma_wait3A_100 = arith.constant 0 : i32
    %dma_wait3A_101 = arith.constant 0 : i32
    %dma_wait3A_102 = tpu.memref_slice %arg7[%dma_wait3A_100, %dma_wait3A_101] : memref<8192x2048xf32, #tpu.memory_space<hbm>> -> memref<4x1024xf32, #tpu.memory_space<hbm>>
    %dma_wait3A_103 = arith.constant 0 : i32
    %dma_wait3A_104 = arith.constant 0 : i32
    %dma_wait3A_105 = tpu.memref_slice %arg7[%dma_wait3A_103, %dma_wait3A_104] : memref<8192x2048xf32, #tpu.memory_space<hbm>> -> memref<4x1024xf32, #tpu.memory_space<hbm>>
    tpu.wait_dma2 semaphore(%arg17 : memref<!tpu.dma_semaphore, #tpu.memory_space<semaphore_mem>>) src(%arg13 : memref<4x1024xf32, #tpu.memory_space<vmem>>) dst(%dma_wait3A_105 : memref<4x1024xf32, #tpu.memory_space<hbm>>)
    %dma_wait3A_106 = arith.constant 0 : i32
    %dma_wait3A_107 = arith.constant 0 : i32
    %dma_wait3A_108 = tpu.memref_slice %arg7[%dma_wait3A_106, %dma_wait3A_107] : memref<8192x2048xf32, #tpu.memory_space<hbm>> -> memref<4x1024xf32, #tpu.memory_space<hbm>>
    %dma_wait3A_109 = arith.constant 0 : i32
    %dma_wait3A_110 = arith.constant 0 : i32
    %dma_wait3A_111 = tpu.memref_slice %arg7[%dma_wait3A_109, %dma_wait3A_110] : memref<8192x2048xf32, #tpu.memory_space<hbm>> -> memref<4x1024xf32, #tpu.memory_space<hbm>>
    tpu.wait_dma2 semaphore(%arg18 : memref<!tpu.dma_semaphore, #tpu.memory_space<semaphore_mem>>) src(%arg14 : memref<4x1024xf32, #tpu.memory_space<vmem>>) dst(%dma_wait3A_111 : memref<4x1024xf32, #tpu.memory_space<hbm>>)
    return
  }
}

module attributes {stable_mosaic.version = 14 : i64} {
  func.func @_project_body(%arg0: memref<2048x51xf32, #tpu.memory_space<vmem>>, %arg1: memref<2048x51xf32, #tpu.memory_space<vmem>>, %arg2: memref<2048x50xf32, #tpu.memory_space<vmem>>) attributes {dimension_semantics = [], scalar_prefetch = 0 : i64, scratch_operands = 0 : i64, tpu.core_type = #tpu.core_type<tc>} {
    %get3A = arith.constant 0 : index
    %get3A_0 = arith.constant 0 : index
    %get3A_1 = vector.load %arg0[%get3A, %get3A_0] : memref<2048x51xf32, #tpu.memory_space<vmem>>, vector<2048x51xf32>
    %slice3A = vector.extract_strided_slice %get3A_1 {offsets = [0, 1], sizes = [2048, 50], strides = [1, 1]} : vector<2048x51xf32> to vector<2048x50xf32>
    %slice3A_2 = vector.extract_strided_slice %get3A_1 {offsets = [0, 0], sizes = [2048, 50], strides = [1, 1]} : vector<2048x51xf32> to vector<2048x50xf32>
    %sub3A = arith.subf %slice3A, %slice3A_2 : vector<2048x50xf32>
    %jit3A = arith.constant 0.000000e+00 : f32
    %jit3A_3 = arith.constant 1.600000e-01 : f32
    %max3A = vector.broadcast %jit3A : f32 to vector<2048x50xf32>
    %max3A_4 = arith.maximumf %max3A, %sub3A : vector<2048x50xf32>
    %min3A = vector.broadcast %jit3A_3 : f32 to vector<2048x50xf32>
    %min3A_5 = arith.minimumf %min3A, %max3A_4 : vector<2048x50xf32>
    %iota3A = tpu.iota {dimensions = array<i32: 0>} : vector<50x51xi32>
    %iota3A_6 = tpu.iota {dimensions = array<i32: 1>} : vector<50x51xi32>
    %gt3A = arith.cmpi sgt, %iota3A_6, %iota3A : vector<50x51xi32>
    %convert_element_type3A = arith.extui %gt3A : vector<50x51xi1> to vector<50x51xi32>
    %convert_element_type3A_7 = arith.sitofp %convert_element_type3A : vector<50x51xi32> to vector<50x51xf32>
    %dot_general3A = arith.constant dense<0.000000e+00> : vector<2048x51xf32>
    %dot_general3A_8 = tpu.matmul %min3A_5, %convert_element_type3A_7, %dot_general3A {dimension_numbers = #tpu.dot_dimension_numbers<[1], [0], [0], [1], [0, 0, 1, 1], [], []>, precision = #tpu.contract_precision<fp32>, transpose_lhs_hint = false} : vector<2048x50xf32>, vector<50x51xf32>, vector<2048x51xf32> -> vector<2048x51xf32>
    %slice3A_9 = vector.extract_strided_slice %dot_general3A_8 {offsets = [0, 25], sizes = [2048, 1], strides = [1, 1]} : vector<2048x51xf32> to vector<2048x1xf32>
    %sub3A_10 = vector.broadcast %slice3A_9 : vector<2048x1xf32> to vector<2048x51xf32>
    %sub3A_11 = arith.subf %dot_general3A_8, %sub3A_10 : vector<2048x51xf32>
    %broadcast_in_dim3A = arith.constant 0.000000e+00 : f32
    %broadcast_in_dim3A_12 = vector.broadcast %broadcast_in_dim3A : f32 to vector<2048x1xf32>
    %concatenate3A = tpu.concatenate %min3A_5, %broadcast_in_dim3A_12 in 1 : vector<2048x50xf32>, vector<2048x1xf32> -> vector<2048x51xf32>
    %iota3A_13 = tpu.iota {dimensions = array<i32: 1>} : vector<2048x51xi32>
    %convert_element_type3A_14 = arith.sitofp %iota3A_13 : vector<2048x51xi32> to vector<2048x51xf32>
    %sub3A_15 = arith.constant 5.000000e-01 : f32
    %sub3A_16 = vector.broadcast %sub3A_15 : f32 to vector<2048x51xf32>
    %sub3A_17 = arith.subf %convert_element_type3A_14, %sub3A_16 : vector<2048x51xf32>
    %mul3A = arith.mulf %sub3A_17, %concatenate3A : vector<2048x51xf32>
    %sub3A_18 = arith.subf %sub3A_11, %mul3A : vector<2048x51xf32>
    %swap3A = arith.constant 0 : index
    %swap3A_19 = arith.constant 0 : index
    %swap3A_20 = vector.load %arg1[%swap3A, %swap3A_19] : memref<2048x51xf32, #tpu.memory_space<vmem>>, vector<2048x51xf32>
    tpu.vector_store %arg1[%swap3A, %swap3A_19], %sub3A_18 {strides = array<i32>} : memref<2048x51xf32, #tpu.memory_space<vmem>>, vector<2048x51xf32>,
    %swap3A_21 = arith.constant 0 : index
    %swap3A_22 = arith.constant 0 : index
    %swap3A_23 = vector.load %arg2[%swap3A_21, %swap3A_22] : memref<2048x50xf32, #tpu.memory_space<vmem>>, vector<2048x50xf32>
    tpu.vector_store %arg2[%swap3A_21, %swap3A_22], %min3A_5 {strides = array<i32>} : memref<2048x50xf32, #tpu.memory_space<vmem>>, vector<2048x50xf32>,
    return
  }
}

</mosaic_0001>

<sc_bundles>
// kernel: kernel.4.cloned.1.call-start
scs
__scs_entry_jumppad:
0x0: {  	(pc) =	sbr.rel $0x88, $3  }
0x1: {  	(tag) =	ssettag $0x0;
	lr =	simm.s32 $0x1  }
0x2: {  	[smem:$0x3F9E] =	sst lr;
	_ =	strace $0xD0000000  }
0x3: {  	_ = 	snop  }
0x4: {  	_ = 	snop  }
0x5: {  	_ = 	snop  }
0x6: {  	_ = 	snop  }
0x7: {  	_ = 	snop  }
__scs_overlays_trampoline_lowered:
0x8: {  	[smem:$0x3FAD] =	sst s0  }
0x9: {  	[smem:$0x3FAE] =	sst s1  }
0xa: {  	[smem:$0x3FAF] =	sst s2  }
0xb: {  	[smem:$0x3FB0] =	sst s3  }
0xc: {  	[smem:$0x3FB1] =	sst s4  }
0xd: {  	[smem:$0x3FB2] =	sst s5  }
0xe: {  	[smem:$0x3FB3] =	sst s6  }
0xf: {  	[smem:$0x3FB4] =	sst s7  }
0x10: {  	[smem:$0x3FB5] =	sst s8  }
0x11: {  	[smem:$0x3FB6] =	sst s9;
	s0 =	simm.s32 @!p0 $0x0  }
0x12: {  	s1 =	sld [smem:$0x3F9C];
	s0 =	simm.s32 @p0 $0x1  }
0x13: {  	[smem:$0x3FB7] =	sst s0;
	s0 =	simm.s32 @!p1 $0x0  }
0x14: {  	s2 =	sld [smem:$0x3F9B];
	s0 =	simm.s32 @p1 $0x1  }
0x15: {  	[smem:$0x3FB8] =	sst s0;
	s0 =	simm.s32 @!p2 $0x0  }
0x16: {  	s3 =	sld [smem:$0x3FDB];
	s0 =	simm.s32 @p2 $0x1  }
0x17: {  	s4 =	simm.s32 $0x1BF5;
	[smem:$0x3FBA] =	sst s0  }
0x18: {  	s0 =	sld [smem:$0x3F9D];
	_ =	swait.ge [sflag:s4], $0x0  }
0x19: {  	s7 =	sld [smem:$0x3F9E]  }
0x1a: {  	s8 =	sadd.s32 $0xFFFFE003, lr  }
0x1b: {  	s9 =	sadd.s32 $0xFFFFFEF7, lr;
	s5 =	simm.s32 $0xFFFFFFFF;
	p2 =	slt.u32 s8, $0xFFFFF086  }
0x1c: {  	p1 =	slt.u32 s9, $0xF7A;
	s5 =	simm.s32 @!p2 $0x0  }
0x1d: {  	s5 =	simm.s32 @p1 $0x1;
	p0 =	seq.s32 s7, s2  }
0x1e: {  	s7 =	smul.u32 @!p0 $0xF7A, s2;
	p2 =	seq.s32 @!p0 s5, $0x0  }
0x1f: {  	s9 =	smul.u32 $0xF7A, s1;
	s8 =	simm.s32 @!p0 $0x1BF5;
	p2 =	por !p2, p0  }
0x20: {  	[sflag:s8] =	ssyncset.s32 @!p0 $0xFFFFF086;
	s6 =	sadd.s32 @!p0 s3, s7;
	s7 =	simm.s32 @!p0 $0x108  }
0x21: {  	s3 =	sadd.s32 s3, s9;
	s6 =	sadd.s32 @!p0 $0x88, s6;
	s7 =	simm.s32 @p2 $0x1082  }
0x22: {  	[simem:s7], [sflag:s8] =	dma.local @!p0 [hbm:s6], $0xF7A  }
0x23: {  	s9 =	sor.u32 $0xD0000000, s2;
	s6 =	simm.s32 $0x108;
	_ =	swait.ge @!p0 [sflag:s8], $0x0  }
0x24: {  	s3 =	sadd.s32 $0x88, s3;
	s6 =	simm.s32 @!p1 $0x1082;
	[sflag:s4] =	ssyncset.s32 $0xFFFFF086  }
0x25: {  	[simem:s6], [sflag:s4] =	dma.local [hbm:s3], $0xF7A  }
0x26: {  	[smem:$0x3F9E] =	sst s1;
	(tag) =	ssettag s2;
	_ =	strace s9  }
0x27: {  	s1 =	sld [smem:$0x3FAE]  }
0x28: {  	s2 =	sld [smem:$0x3FAF]  }
0x29: {  	s4 =	sld [smem:$0x3FB1]  }
0x2a: {  	p0 =	seq.s32 s5, $0x0;
	s5 =	sld [smem:$0x3FB2]  }
0x2b: {  	s6 =	sld [smem:$0x3FB3]  }
0x2c: {  	s7 =	sld [smem:$0x3FB4]  }
0x2d: {  	s3 =	simm.s32 $0x108;
	s8 =	sld [smem:$0x3FB5]  }
0x2e: {  	s3 =	simm.s32 @!p0 $0x1082;
	s9 =	sld [smem:$0x3FB6]  }
0x2f: {  	lr =	sadd.s32 s0, s3;
	s0 =	sld [smem:$0x3FAD]  }
0x30: {  	s3 =	sld [smem:$0x3FB0]  }
0x31: {  	[smem:$0x3FB9] =	sst s10  }
0x32: {  	s10 =	sld [smem:$0x3FB7];
	_ =	sdelay $0x3  }
0x33: {  	p0 =	seq.s32 s10, $0x1;
	s10 =	sld [smem:$0x3FB9];
	_ =	sdelay $0x3  }
0x34: {  	[smem:$0x3FB9] =	sst s10  }
0x35: {  	s10 =	sld [smem:$0x3FB8];
	_ =	sdelay $0x3  }
0x36: {  	p1 =	seq.s32 s10, $0x1;
	s10 =	sld [smem:$0x3FB9];
	_ =	sdelay $0x3  }
0x37: {  	[smem:$0x3FB9] =	sst s10  }
0x38: {  	s10 =	sld [smem:$0x3FBA]  }
0x39: {  	_ = 	snop;
	(pc) =	sbr.ind lr, $3  }
0x3a: {  	_ = 	snop  }
0x3b: {  	_ = 	snop  }
0x3c: {  	p2 =	seq.s32 s10, $0x1;
	s10 =	sld [smem:$0x3FB9]  }
0x3d: {  	_ =	shalt  }
0x3e: {  	_ =	shalt  }
0x3f: {  	_ =	shalt  }
0x40: {  	_ =	shalt  }
0x41: {  	_ =	shalt  }
0x42: {  	_ =	shalt  }
0x43: {  	_ =	shalt  }
0x44: {  	_ =	shalt  }
0x45: {  	_ =	shalt  }
0x46: {  	_ =	shalt  }
0x47: {  	_ =	shalt  }
0x48: {  	_ =	shalt  }
0x49: {  	_ =	shalt  }
0x4a: {  	_ =	shalt  }
0x4b: {  	_ =	shalt  }
0x4c: {  	_ =	shalt  }
0x4d: {  	_ =	shalt  }
0x4e: {  	_ =	shalt  }
0x4f: {  	_ =	shalt  }
0x50: {  	_ =	shalt  }
0x51: {  	_ =	shalt  }
0x52: {  	_ =	shalt  }
0x53: {  	_ =	shalt  }
0x54: {  	_ =	shalt  }
0x55: {  	_ =	shalt  }
0x56: {  	_ =	shalt  }
0x57: {  	_ =	shalt  }
0x58: {  	_ =	shalt  }
0x59: {  	_ =	shalt  }
0x5a: {  	_ =	shalt  }
0x5b: {  	_ =	shalt  }
0x5c: {  	_ =	shalt  }
0x5d: {  	_ =	shalt  }
0x5e: {  	_ =	shalt  }
0x5f: {  	_ =	shalt  }
0x60: {  	_ =	shalt  }
0x61: {  	_ =	shalt  }
0x62: {  	_ =	shalt  }
0x63: {  	_ =	shalt  }
0x64: {  	_ =	shalt  }
0x65: {  	_ =	shalt  }
0x66: {  	_ =	shalt  }
0x67: {  	_ =	shalt  }
0x68: {  	_ =	shalt  }
0x69: {  	_ =	shalt  }
0x6a: {  	_ =	shalt  }
0x6b: {  	_ =	shalt  }
0x6c: {  	_ =	shalt  }
0x6d: {  	_ =	shalt  }
0x6e: {  	_ =	shalt  }
0x6f: {  	_ =	shalt  }
0x70: {  	_ =	shalt  }
0x71: {  	_ =	shalt  }
0x72: {  	_ =	shalt  }
0x73: {  	_ =	shalt  }
0x74: {  	_ =	shalt  }
0x75: {  	_ =	shalt  }
0x76: {  	_ =	shalt  }
0x77: {  	_ =	shalt  }
0x78: {  	_ =	shalt  }
0x79: {  	_ =	shalt  }
0x7a: {  	_ =	shalt  }
0x7b: {  	_ =	shalt  }
0x7c: {  	_ =	shalt  }
0x7d: {  	_ =	shalt  }
0x7e: {  	_ =	shalt  }
0x7f: {  	_ =	shalt  }
0x80: {  	_ =	shalt  }
0x81: {  	_ =	shalt  }
0x82: {  	_ =	shalt  }
0x83: {  	_ =	shalt  }
0x84: {  	_ =	shalt  }
0x85: {  	_ =	shalt  }
0x86: {  	_ =	shalt  }
0x87: {  	_ =	shalt  }
.Lfunc_end0:
.L_simem_size_0:
called_computation_lowered:
.L_overlay_start_0:
0x88: {  	s2 =	sld [smem:$0x3FD9]  }
0x89: {  	s3 =	sld [smem:$0x3FFE];
	_ =	sdelay $0x1  }
0x8a: {  	s1 =	srdreg.scid  }
0x8b: {  	s0 =	sand.u32 $0x1, s1  }
0x8c: {  	s17 =	sshll.u32 s0, $0xA;
	s2 =	sadd.s32 s3, s2  }
0x8d: {  	s2 =	sadd.s32 s2, s17  }
0x8e: {  	[smem:$0x3FC5] =	sst s2  }
0x8f: {  	_ = 	snop  }
0x90: {  	s2 =	sld [smem:$0x3FC9]  }
0x91: {  	s18 =	sld [smem:$0x3FD0];
	(tm) =	ssettm $0x1  }
0x92: {  	s4 =	sld [smem:$0x3FFB];
	_ =	sdelay $0x3  }
0x93: {  	_ =	strace s4  }
0x94: {  	s4 =	sld [smem:$0x3FFC];
	_ =	sdelay $0x3  }
0x95: {  	_ =	strace s4  }
0x96: {  	s4 =	sld [smem:$0x3FFD];
	_ =	sdelay $0x3  }
0x97: {  	_ =	strace s4  }
0x98: {  	_ =	strace $0x8FFFFFFF  }
0x99: {  	s19 =	sld [smem:$0x3FDB];
	_ =	sdelay $0x1  }
0x9a: {  	s5 =	simm.s32 $_scs_section_size  }
0x9b: {  	s6 =	simm.s32 $_size__tile_overlayer_lowered;
	s7 =	simm.s32 $_tile_overlayer_lowered  }
0x9c: {  	s22 =	simm.s32 $0x1BFF;
	s21 =	sshll.u32 s7, $0x1;
	s4 =	sadd.s32 s5, s19  }
0x9d: {  	s8 =	simm.s32 $0x0;
	s20 =	sshll.u32 s6, $0x1;
	s6 =	sadd.s32 s21, s4  }
0x9e: {  	[timem:s8], [sflag:s22] =	dma.local [hbm:s6], s20  }
0x9f: {  	_ =	swait.ge [sflag:s22], s20  }
0xa0: {  	s5 =	ssub.s32 $0x0, s20;
	[sflag:s22] =	ssyncset.done $0x0  }
0xa1: {  	[sflag:s22] =	ssyncadd.s32 s5;
	_ =	sdelay $0x1  }
0xa2: {  	s23 =	simm.s32 $0x1B8B  }
0xa3: {  	_ =	swait.ge [sflag:s23], $0x1  }
0xa4: {  	[sflag:s23] =	ssyncset.done $0x0  }
0xa5: {  	s25 =	simm.s32 $0x1B8E;
	s24 =	sld [smem:$0x3FFE];
	[sflag:s23] =	ssyncadd.s32 $0xFFFFFFFF  }
0xa6: {  	s26 =	simm.s32 $execute0_lowered;
	[smem:$0x3FD2] =	sst s25  }
0xa7: {  	s6 =	sshll.u32 s26, $0x1;
	_ =	strace $0x80000046;
	[dreg:$0x1] =	wrdreg $0xFFFFFFFF  }
0xa8: {  	s28 =	simm.s32 $_size_execute0_lowered;
	s4 =	sadd.s32 s4, s6;
	[dreg:$0x0] =	wrdreg $0x0  }
0xa9: {  	s6 =	sshll.u32 s28, $0x1;
	[dreg:$0x2] =	wrdreg s4  }
0xaa: {  	[dreg:$0x3] =	wrdreg s6  }
0xab: {  	[dreg:$0x4] =	wrdreg $0xC0  }
0xac: {  	_ =	task [dreg:s8], $0x5FFFF  }
0xad: {  	[dreg:$0x1] =	wrdreg $0xFFFFFFFF  }
0xae: {  	[dreg:$0x0] =	wrdreg $0x60  }
0xaf: {  	[dreg:$0x2] =	wrdreg s2  }
0xb0: {  	[dreg:$0x3] =	wrdreg s24  }
0xb1: {  	[dreg:$0x4] =	wrdreg s18  }
0xb2: {  	[dreg:$0x5] =	wrdreg $0x9  }
0xb3: {  	_ =	task.clear_ibuf [dreg:s8], $0x6FFFF;
	_ =	strace $0x90000046  }
0xb4: {  	s29 =	simm.s32 $0x9;
	_ =	strace $0x80000048  }
0xb5: {  	_ =	swait.ge [sflag:s29], $0x1  }
0xb6: {  	[sflag:s29] =	ssyncadd.s32 $0xFFFFFFFF  }
0xb7: {  	_ =	strace $0x90000048  }
0xb8: {  	_ =	sfence  }
0xb9: {  	s30 =	sld [smem:$0x0];
	_ =	sdelay $0x2  }
0xba: {  	s31 =	sshll.u32 s1, $0xD;
	s1 =	sshrl.u32 s1, $0x2  }
0xbb: {  	s3 =	sand.u32 $0x4000, s31;
	s1 =	sadd.s32 s1, s30  }
0xbc: {  	s0 =	sor.u32 s3, s0;
	s1 =	sshll.u32 s1, $0x11  }
0xbd: {  	s0 =	sor.u32 s1, s0  }
0xbe: {  	s0 =	sadd.s32 $0x8F2B, s0  }
0xbf: {  	[sflag:s0] =	ssyncadd.remote.s32 $0x1  }
0xc0: {  	_ =	sfence.sel $0xFFFF  }
0xc1: {  	[dreg:$0x0] =	wrdreg $0xFFFFFFFF;
	(pc) =	sbr.abs _section_cstart, $3  }
0xc2: {  	[dreg:$0x1] =	wrdreg $0xFFFFFFFF  }
0xc3: {  	_ =	task.clear_ibuf [dreg:s8], $0x2FFFF;
	_ =	strace $0x9FFFFFFF  }
0xc4: {  	(tm) =	ssettm $0x7FFFFFFF  }
0xc5: {  	_ =	shalt  }
tec
execute0_lowered:
.L_overlay_start_1:
0x0: {  	(tag) =	ssettag $0x1  }
0x1: {  	s8 =	rddreg [dreg:$0x0]  }
0x2: {  	s0 =	rddreg [dreg:$0x1]  }
0x3: {  	s6 =	stileid.u32;
	s9 =	rddreg [dreg:$0x2];
	s4 =	simm.s32 $0x0  }
0x4: {  	s5 =	srdreg.scid;
	s1 =	sshrl.u32 s6, $0x3;
	[smem:$0x7FF] =	sst s4  }
0x5: {  	s6 =	sshll.u32 s6, $0x1;
	s5 =	sand.u32 $0x1, s5;
	s2 =	smul.u32 $0x1980, s1  }
0x6: {  	s28 =	sadd.s32 $0x40, s8;
	s30 =	sadd.s32 $0x40, s9;
	s3 =	smul.u32 $0x1900, s1  }
0x7: {  	_ =	strace $0x80000047;
	s7 =	sshll.u32 s1, $0x7;
	s6 =	sand.u32 $0xE, s6  }
0x8: {  	s20 =	ssub.s32 $0x2, s5;
	s1 =	sshll.u32 s1, $0xD;
	[smem:$0x7F9] =	sst s28  }
0x9: {  	[smem:$0x7FC] =	sst s30;
	s5 =	sor.u32 s5, s6;
	s2 =	sadd.s32 s2, s0  }
0xa: {  	s21 =	sshrl.u32 s20, $0x1;
	s3 =	sadd.s32 s3, s0;
	s2 =	sadd.s32 $0xC00, s2  }
0xb: {  	s0 =	sadd.s32 s7, s0;
	s23 =	sadd.s32 $0x4000, s3;
	[dreg:$0x1c] =	wrdreg s2  }
0xc: {  	s5 =	sshll.u32 s5, $0x14;
	s24 =	sadd.s32 $0xA00, s0;
	[dreg:$0x1e] =	wrdreg s23  }
0xd: {  	s6 =	ssub.s32 s20, s21;
	s0 =	sadd.s32 $0x800, s0;
	[dreg:$0x1f] =	wrdreg s24  }
0xe: {  	s22 =	sor.u32 s1, s5;
	s31 =	smax.u32 s6, $0x1;
	[smem:$0x7F7] =	sst s0  }
.Ltmp0:
0xf: {  	v0 =	vlaneseq.u32;
	s3 =	simm.s32 $0x400;
	[dreg:$0x1d] =	wrdreg s22;
	(pc) =	sbr.rel .LBB2_1-.Ltmp0, $4  }
0x10: {  	v5 =	vmul.u32 $0x33, v0;
	s25 =	sshrl.u32 s22, $0x3;
	s29 =	sor.u32 $0x4000, s22;
	[smem:$0x7FD] =	sst s31  }
0x11: {  	v2 =	vmul.u32 $0x32, v0;
	s5 =	simm.s32 $0x3;
	s26 =	sadd.s32 s8, s25;
	[smem:$0x7FB] =	sst s29  }
0x12: {  	[tilespmem:$0x1FFE0] =	vst v5;
	s6 =	simm.s32 $0x4;
	s0 =	sadd.s32 s25, s28;
	[smem:$0x7F8] =	sst s26  }
0x13: {  	[tilespmem:$0x1FFF0] =	vst v2;
	s1 =	simm.s32 $0x0;
	s2 =	simm.s32 $0x200;
	[smem:$0x7FA] =	sst s0  }
.LBB2_12:
0x14: {  	s5 =	simm.s32 $0x3  }
0x15: {  	_ =	swait.ge [sflag:s5], $0x1000  }
0x16: {  	[sflag:s5] =	ssyncset.done $0x0  }
0x17: {  	s6 =	simm.s32 $0x4;
	[sflag:s5] =	ssyncadd.s32 $0xFFFFF000  }
0x18: {  	_ =	swait.ge [sflag:s6], $0x1000  }
0x19: {  	s1 =	sld [smem:$0x7F6]  }
0x1a: {  	s0 =	sld [smem:$0x7FD];
	_ =	sdelay $0x1  }
0x1b: {  	s1 =	sadd.s32 $0x1, s1  }
0x1c: {  	p0 =	sne.s32 s1, s0  }
.Ltmp1:
0x1d: {  	_ = 	snop;
	(pc) =	sbr.rel @!p0 .LBB2_13-.Ltmp1, $3  }
0x1e: {  	_ =	sdelay $0x1  }
0x1f: {  	[sflag:s6] =	ssyncset.done $0x0;
	v5 =	vld [tilespmem:$0x1FFE0]  }
0x20: {  	v2 =	vld [tilespmem:$0x1FFF0];
	[sflag:s6] =	ssyncadd.s32 $0xFFFFF000  }
.LBB2_1:
0x21: {  	s0 =	rddreg [dreg:$0x1c]  }
0x22: {  	s21 =	rddreg [dreg:$0x1e]  }
0x23: {  	[tilespmem:s4], [sflag:$0x3] =	stream.linear.gather [hbm4b:s0+s4], $0xCC00, $0x38;
	[tilespmem:$0x1DC00] =	vst v63  }
0x24: {  	s22 =	simm.s32 $0xCC00;
	s23 =	rddreg [dreg:$0x1f]  }
0x25: {  	[tilespmem:s22], [sflag:$0x4] =	stream.linear.gather [hbm4b:s21+s4], $0xC800, $0x38;
	[tilespmem:$0x1DC00] =	vst v63  }
0x26: {  	s24 =	simm.s32 $0x19400;
	s25 =	sld [smem:$0x7F7]  }
0x27: {  	[tilespmem:s24], [sflag:$0x3] =	stream.linear.gather [hbm4b:s23+s4], $0x400, $0x38;
	[tilespmem:$0x1DC00] =	vst v63  }
0x28: {  	s26 =	simm.s32 $0x19800;
	s28 =	sld [smem:$0x7F8]  }
0x29: {  	[tilespmem:s26], [sflag:$0x4] =	stream.linear.gather [hbm4b:s25+s4], $0x400, $0x38;
	[tilespmem:$0x1DC00] =	vst v63  }
0x2a: {  	s29 =	simm.s32 $0x19C00;
	s30 =	sld [smem:$0x7FA]  }
0x2b: {  	[tilespmem:s29], [sflag:$0x1] =	stream.strided.gather [hbm4b:s28+s2], $0x1000, s3, s2, $0x38;
	[tilespmem:$0x1DC00] =	vst v63  }
0x2c: {  	[smem:$0x7F6] =	sst s1;
	s31 =	simm.s32 $0x1AC00  }
0x2d: {  	[tilespmem:s31], [sflag:$0x2] =	stream.strided.gather [hbm4b:s30+s2], $0x1000, s3, s2, $0x38;
	[tilespmem:$0x1DC00] =	vst v63  }
0x2e: {  	_ =	swait.ge [sflag:s5], $0xCC00  }
0x2f: {  	[sflag:s5] =	ssyncset.done $0x0  }
0x30: {  	[sflag:s5] =	ssyncadd.s32 $0xFFFF3400  }
0x31: {  	_ =	swait.ge [sflag:s6], $0xC800  }
0x32: {  	[sflag:s6] =	ssyncset.done $0x0  }
0x33: {  	[sflag:s6] =	ssyncadd.s32 $0xFFFF3800  }
0x34: {  	_ =	swait.ge [sflag:s5], $0x400  }
0x35: {  	[sflag:s5] =	ssyncset.done $0x0  }
0x36: {  	[sflag:s5] =	ssyncadd.s32 $0xFFFFFC00  }
0x37: {  	_ =	swait.ge [sflag:s6], $0x400  }
0x38: {  	[sflag:s6] =	ssyncset.done $0x0  }
0x39: {  	s5 =	simm.s32 $0x0;
	[sflag:s6] =	ssyncadd.s32 $0xFFFFFC00  }
.LBB2_2:
0x3a: {  	[smem:$0x7F4] =	sst s5;
	s0 =	simm.s32 $0x1  }
0x3b: {  	_ =	swait.ge [sflag:s0], $0x1000  }
0x3c: {  	p0 =	seq.s32 s5, $0x0;
	[sflag:s0] =	ssyncset.done $0x0  }
0x3d: {  	[sflag:s0] =	ssyncadd.s32 $0xFFFFF000;
	s0 =	simm.s32 @!p0 $0x3  }
0x3e: {  	s5 =	simm.s32 $0x0;
	_ =	swait.ge @!p0 [sflag:s0], $0x1000  }
0x3f: {  	s7 =	simm.s32 $0x20;
	s3 =	simm.s32 $0x0;
	[sflag:s0] =	ssyncset.done @!p0 $0x0  }
0x40: {  	s1 =	sand.u32 $0xE00, s5;
	[sflag:s0] =	ssyncadd.s32 @!p0 $0xFFFFF000;
	s0 =	sand.u32 $0x60, s7  }
0x41: {  	v3 =	vld [tilespmem:s3+$0x19420];
	s2 =	sor.u32 s1, s0  }
0x42: {  	v0 =	vld [tilespmem:s2+$0x19C00];
	_ =	sdelay $0x4  }
0x43: {  	v0 =	vmul.f32 v0, v3;
	_ =	sdelay $0x1  }
0x44: {  	v0 =	vadd.f32 $2.450000000e+01, v0;
	_ =	sdelay $0x1  }
0x45: {  	v1 =	vmax.f32 v0, $-5.000000000e-01  }
0x46: {  	v1 =	vmin.f32 v1, $4.900000000e+01  }
0x47: {  	s8 =	simm.s32 $0xB4C0D240;
	v1 =	vadd.f32 $1.258291200e+07, v1  }
0x48: {  	v41 =	vmov v2;
	v6 =	vadd.s32 s8, v2;
	v2 =	vld [tilespmem:s2+$0x19C80]  }
0x49: {  	s9 =	simm.s32 $0xB4C00660;
	v4 =	vadd.s32 v1, v6  }
0x4a: {  	s6 =	simm.s32 $0x0;
	v8 =	vadd.s32 s9, v5  }
0x4b: {  	s10 =	sand.u32 $0x40, s6;
	v23 =	vld [tilespmem:s3+$0x19400];
	v1 =	vadd.s32 v1, v8  }
0x4c: {  	s11 =	simm.s32 $0x10;
	s7 =	sor.u32 s10, s1;
	v20 =	vld [tilespmem:s3+$0x19410]  }
0x4d: {  	v28 =	vmov v5;
	s12 =	sand.u32 $0x50, s11;
	v5 =	vld [tilespmem:s7+$0x19C00];
	v2 =	vmul.f32 v2, v3  }
0x4e: {  	s10 =	sor.u32 s1, s12;
	v4 =	vld.idx.msk [tilespmem:v4+s4+$0x0], $0xffff  }
0x4f: {  	v7 =	vld [tilespmem:s10+$0x19C00];
	v2 =	vadd.f32 $2.450000000e+01, v2  }
0x50: {  	v1 =	vld.idx.msk [tilespmem:v1+s4+$0x0], $0xffff  }
0x51: {  	v9 =	vmax.f32 v2, $-5.000000000e-01  }
0x52: {  	s13 =	simm.s32 $0x30;
	v19 =	vld [tilespmem:s3+$0x19820];
	v9 =	vmin.f32 v9, $4.900000000e+01  }
0x53: {  	s0 =	sand.u32 $0x70, s13;
	v5 =	vmul.f32 v5, v23;
	v0 =	vmul.f32 v0, v4;
	v4 =	vadd.f32 $1.258291200e+07, v9  }
0x54: {  	v22 =	vld [tilespmem:s3+$0x19430];
	s8 =	sor.u32 s1, s0;
	v7 =	vmul.f32 v7, v20  }
0x55: {  	v5 =	vadd.f32 $2.450000000e+01, v5;
	v9 =	vld [tilespmem:s8+$0x19C00];
	v0 =	vadd.f32 v0, v1;
	v1 =	vadd.s32 v4, v6  }
0x56: {  	v7 =	vadd.f32 $2.450000000e+01, v7  }
0x57: {  	v10 =	vmax.f32 v5, $-5.000000000e-01;
	v4 =	vadd.s32 v4, v8;
	v0 =	vmul.f32 v0, v19  }
0x58: {  	s14 =	simm.s32 $0xB4C00000;
	s15 =	simm.s32 $0xB4C0CC00;
	v11 =	vld [tilespmem:s7+$0x19C80];
	v12 =	vmax.f32 v7, $-5.000000000e-01;
	v10 =	vmin.f32 v10, $4.900000000e+01  }
0x59: {  	s16 =	simm.s32 $0xB4C0CF20;
	v13 =	vld [tilespmem:s10+$0x19C80];
	v12 =	vmin.f32 v12, $4.900000000e+01;
	v14 =	vadd.f32 $1.258291200e+07, v10;
	[tilespmem:s2+$0x1BC00] =	vst v0  }
0x5a: {  	s17 =	simm.s32 $0x100;
	v24 =	vadd.s32 s15, v41;
	s9 =	simm.s32 $0x60;
	s13 =	simm.s32 $0x40;
	v0 =	vmul.f32 v9, v22;
	v9 =	vadd.f32 $1.258291200e+07, v12;
	v1 =	vld.idx.msk [tilespmem:v1+s4+$0x0], $0xffff  }
0x5b: {  	s19 =	simm.s32 $0xB4C00330;
	v21 =	vadd.s32 s16, v41;
	s6 =	sand.u32 $0xE00, s17;
	s18 =	sand.u32 $0x60, s9;
	v32 =	vld [tilespmem:s13+$0x19420];
	v56 =	vadd.s32 v14, v24  }
0x5c: {  	v25 =	vadd.s32 s14, v28;
	v29 =	vadd.s32 s19, v28;
	s0 =	sor.u32 s6, s18;
	v4 =	vld.idx.msk [tilespmem:v4+s4+$0x0], $0xffff;
	v15 =	vadd.s32 v9, v21  }
0x5d: {  	v16 =	vld [tilespmem:s0+$0x19C00];
	v14 =	vadd.s32 v14, v25;
	[tilespmem:$0x1FD40] =	vst v29  }
0x5e: {  	v9 =	vadd.s32 v9, v29;
	v18 =	vld [tilespmem:s8+$0x19C80];
	[tilespmem:$0x1FC10] =	vst v23  }
0x5f: {  	s21 =	simm.s32 $0xB4C00990;
	s24 =	simm.s32 $0xB4C0DEC0;
	v0 =	vadd.f32 $2.450000000e+01, v0;
	[tilespmem:$0x1FC60] =	vst v20;
	v1 =	vmul.f32 v2, v1  }
0x60: {  	v27 =	vadd.s32 s21, v28;
	v40 =	vadd.s32 s24, v41;
	v11 =	vmul.f32 v11, v23;
	v12 =	vld.idx.msk [tilespmem:v56+s4+$0x0], $0xffff  }
0x61: {  	s22 =	sand.u32 $0x3, s5;
	v13 =	vmul.f32 v13, v20;
	v17 =	vmax.f32 v0, $-5.000000000e-01;
	v15 =	vld.idx.msk [tilespmem:v15+s4+$0x0], $0xffff;
	v1 =	vadd.f32 v1, v4  }
0x62: {  	s1 =	sshll.u32 s22, $0x5;
	v11 =	vadd.f32 $2.450000000e+01, v11;
	v16 =	vmul.f32 v16, v32;
	v14 =	vld.idx.msk [tilespmem:v14+s4+$0x0], $0xffff;
	v17 =	vmin.f32 v17, $4.900000000e+01;
	[tilespmem:$0x1FD80] =	vst v27  }
0x63: {  	s20 =	simm.s32 $0xB4C0D560;
	s1 =	sadd.s32 $0x0, s1;
	v13 =	vadd.f32 $2.450000000e+01, v13;
	v2 =	vadd.f32 $1.258291200e+07, v17;
	v9 =	vld.idx.msk [tilespmem:v9+s4+$0x0], $0xffff;
	[tilespmem:$0x1FCD0] =	vst v19;
	v1 =	vmul.f32 v1, v19  }
0x64: {  	s1 =	sadd.s32 $0x20, s1;
	v36 =	vmovc v23;
	v49 =	vmovc v20;
	v16 =	vadd.f32 $2.450000000e+01, v16;
	v23 =	vadd.s32 s20, v41;
	v17 =	vmax.f32 v11, $-5.000000000e-01;
	v20 =	vld [tilespmem:s3+$0x19800]  }
0x65: {  	s23 =	sor.u32 $0x100, s1;
	v17 =	vmin.f32 v17, $4.900000000e+01;
	v4 =	vadd.s32 v2, v23;
	v2 =	vadd.s32 v2, v27;
	v10 =	vld [tilespmem:s3+$0x19810];
	[tilespmem:s2+$0x1BC80] =	vst v1  }
0x66: {  	v30 =	vmovc v19;
	v5 =	vmul.f32 v5, v12;
	v19 =	vmax.f32 v13, $-5.000000000e-01;
	v1 =	vmul.f32 v7, v15;
	v15 =	vld [tilespmem:s23+$0x19C00];
	[tilespmem:$0x1FD10] =	vst v24  }
0x67: {  	v57 =	vadd.f32 $1.258291200e+07, v17;
	v17 =	vmax.f32 v16, $-5.000000000e-01;
	v19 =	vmin.f32 v19, $4.900000000e+01;
	v35 =	vld [tilespmem:s3+$0x19830];
	[tilespmem:$0x1FD30] =	vst v21  }
0x68: {  	v58 =	vmin.f32 v17, $4.900000000e+01;
	v5 =	vadd.f32 v5, v14;
	v7 =	vadd.f32 $1.258291200e+07, v19;
	[tilespmem:$0x1FCF0] =	vst v22  }
0x69: {  	v18 =	vmul.f32 v18, v22;
	v1 =	vadd.f32 v1, v9;
	v9 =	vadd.f32 $1.258291200e+07, v58;
	[tilespmem:$0x1FE80] =	vst v20  }
0x6a: {  	v19 =	vadd.s32 v57, v24;
	v17 =	vadd.s32 v7, v21;
	v5 =	vmul.f32 v5, v20;
	v59 =	vmovc v20;
	v20 =	vld [tilespmem:s0+$0x19C80]  }
0x6b: {  	s25 =	simm.s32 $0xB4C01320;
	v60 =	vmov v21;
	v4 =	vld.idx.msk [tilespmem:v4+s4+$0x0], $0xffff;
	[tilespmem:$0x1FF10] =	vst v10;
	v1 =	vmul.f32 v1, v10;
	v21 =	vadd.s32 v9, v40  }
0x6c: {  	v26 =	vadd.s32 s25, v28;
	v2 =	vld.idx.msk [tilespmem:v2+s4+$0x0], $0xffff;
	[tilespmem:s7+$0x1BC00] =	vst v5  }
0x6d: {  	v18 =	vadd.f32 $2.450000000e+01, v18;
	v48 =	vld [tilespmem:s13+$0x19400];
	v5 =	vmul.f32 v15, v3;
	[tilespmem:s10+$0x1BC00] =	vst v1;
	v1 =	vadd.s32 v9, v26  }
0x6e: {  	v34 =	vld [tilespmem:s13+$0x19410]  }
0x6f: {  	v19 =	vld.idx.msk [tilespmem:v19+s4+$0x0], $0xffff;
	v9 =	vmax.f32 v18, $-5.000000000e-01;
	v5 =	vadd.f32 $2.450000000e+01, v5  }
0x70: {  	s26 =	simm.s32 $0x40;
	v9 =	vmin.f32 v9, $4.900000000e+01;
	v20 =	vmul.f32 v20, v32;
	v0 =	vmul.f32 v0, v4;
	v21 =	vld.idx.msk [tilespmem:v21+s4+$0x0], $0xffff  }
0x71: {  	v44 =	vmov v22;
	s3 =	sand.u32 $0x40, s26;
	v17 =	vld.idx.msk [tilespmem:v17+s4+$0x0], $0xffff;
	v9 =	vadd.f32 $1.258291200e+07, v9;
	v22 =	vmax.f32 v5, $-5.000000000e-01  }
0x72: {  	s29 =	simm.s32 $0x50;
	s3 =	sor.u32 s3, s6;
	v20 =	vadd.f32 $2.450000000e+01, v20;
	v0 =	vadd.f32 v0, v2;
	v4 =	vmin.f32 v22, $4.900000000e+01;
	v1 =	vld.idx.msk [tilespmem:v1+s4+$0x0], $0xffff;
	[tilespmem:$0x1FD70] =	vst v23  }
0x73: {  	s11 =	simm.s32 $0x70;
	s9 =	sand.u32 $0x50, s29;
	v12 =	vadd.s32 v57, v25;
	v4 =	vadd.f32 $1.258291200e+07, v4;
	v2 =	vld [tilespmem:s3+$0x19C00];
	[tilespmem:$0x1FD20] =	vst v25  }
0x74: {  	s12 =	sand.u32 $0x70, s11;
	s11 =	sor.u32 s6, s9;
	v62 =	vmovc v23;
	v22 =	vadd.s32 v9, v23;
	v23 =	vmax.f32 v20, $-5.000000000e-01;
	v0 =	vmul.f32 v0, v35;
	v37 =	vld [tilespmem:s13+$0x19820];
	[tilespmem:$0x1FBA0] =	vst v35  }
0x75: {  	v38 =	vmovc v24;
	v46 =	vmovc v25;
	s9 =	sor.u32 s6, s12;
	v23 =	vmin.f32 v23, $4.900000000e+01;
	v24 =	vadd.s32 v4, v6;
	v25 =	vld [tilespmem:s11+$0x19C00];
	v16 =	vmul.f32 v16, v21  }
0x76: {  	v21 =	vadd.f32 $1.258291200e+07, v23;
	v23 =	vld [tilespmem:s9+$0x19C00]  }
0x77: {  	v15 =	vmov v35;
	v4 =	vadd.s32 v4, v8;
	[tilespmem:s8+$0x1BC00] =	vst v0;
	v35 =	vld [tilespmem:s13+$0x19430];
	v0 =	vadd.f32 v16, v1  }
0x78: {  	v12 =	vld.idx.msk [tilespmem:v12+s4+$0x0], $0xffff;
	v1 =	vadd.s32 v21, v40  }
0x79: {  	v7 =	vadd.s32 v7, v29;
	v16 =	vld.idx.msk [tilespmem:v22+s4+$0x0], $0xffff;
	v0 =	vmul.f32 v0, v37  }
0x7a: {  	v21 =	vadd.s32 v21, v26;
	v22 =	vld.idx.msk [tilespmem:v24+s4+$0x0], $0xffff;
	[tilespmem:$0x1FBB0] =	vst v34  }
0x7b: {  	[tilespmem:s0+$0x1BC00] =	vst v0  }
0x7c: {  	v9 =	vadd.s32 v9, v27;
	v2 =	vmul.f32 v2, v48;
	v4 =	vld.idx.msk [tilespmem:v4+s4+$0x0], $0xffff;
	[tilespmem:$0x1FD60] =	vst v35  }
0x7d: {  	v13 =	vmul.f32 v13, v17;
	v24 =	vmul.f32 v25, v34;
	v1 =	vld.idx.msk [tilespmem:v1+s4+$0x0], $0xffff  }
0x7e: {  	s30 =	simm.s32 $0xB4C0D880;
	v2 =	vadd.f32 $2.450000000e+01, v2;
	v0 =	vmul.f32 v11, v19;
	v11 =	vmul.f32 v23, v35;
	v7 =	vld.idx.msk [tilespmem:v7+s4+$0x0], $0xffff  }
0x7f: {  	s14 =	simm.s32 $0x200;
	v43 =	vadd.s32 s30, v41;
	s6 =	simm.s32 $0x80;
	v16 =	vmul.f32 v18, v16;
	v19 =	vld.idx.msk [tilespmem:v21+s4+$0x0], $0xffff;
	v5 =	vmul.f32 v5, v22  }
0x80: {  	s15 =	simm.s32 $0xA0;
	s16 =	simm.s32 $0xB4C0DBA0;
	v17 =	vadd.f32 $2.450000000e+01, v24;
	v18 =	vmax.f32 v2, $-5.000000000e-01;
	v11 =	vadd.f32 $2.450000000e+01, v11;
	v39 =	vld [tilespmem:s6+$0x19420]  }
0x81: {  	s17 =	sand.u32 $0xE00, s14;
	s15 =	sand.u32 $0x60, s15;
	v47 =	vmovc v34;
	v34 =	vmovc v35;
	v35 =	vadd.s32 s16, v41;
	v18 =	vmin.f32 v18, $4.900000000e+01;
	v9 =	vld.idx.msk [tilespmem:v9+s4+$0x0], $0xffff;
	v4 =	vadd.f32 v5, v4  }
0x82: {  	s18 =	sor.u32 s17, s15;
	v23 =	vld [tilespmem:s3+$0x19C80];
	v21 =	vmax.f32 v17, $-5.000000000e-01;
	v22 =	vmax.f32 v11, $-5.000000000e-01;
	v5 =	vadd.f32 $1.258291200e+07, v18  }
0x83: {  	v21 =	vmin.f32 v21, $4.900000000e+01;
	v18 =	vld [tilespmem:s18+$0x19C00];
	v1 =	vmul.f32 v20, v1;
	v4 =	vmul.f32 v4, v30  }
0x84: {  	s19 =	simm.s32 $0x2;
	s20 =	simm.s32 $0xB4C0E1E0;
	v57 =	vld [tilespmem:s11+$0x19C80];
	v22 =	vmin.f32 v22, $4.900000000e+01;
	[tilespmem:$0x1FE20] =	vst v35;
	v20 =	vadd.f32 $1.258291200e+07, v21;
	v21 =	vadd.s32 v5, v43  }
0x85: {  	s21 =	sand.u32 $0x3, s19;
	v24 =	vadd.s32 s20, v41;
	v22 =	vadd.f32 $1.258291200e+07, v22;
	v1 =	vadd.f32 v1, v19;
	[tilespmem:s23+$0x1BC00] =	vst v4  }
0x86: {  	s12 =	sshll.u32 s21, $0x5;
	v29 =	vmov v37;
	v27 =	vld [tilespmem:s9+$0x19C80];
	v19 =	vadd.s32 v20, v35;
	[tilespmem:$0x1FE40] =	vst v24  }
0x87: {  	s22 =	sadd.s32 $0x100, s12;
	s1 =	sor.u32 $0x180, s1;
	v4 =	vadd.s32 v22, v24;
	v1 =	vmul.f32 v1, v29;
	[tilespmem:$0x1FD00] =	vst v29  }
0x88: {  	s24 =	simm.s32 $0xB4C01650;
	s15 =	sadd.s32 $0x20, s22;
	v18 =	vmul.f32 v18, v39;
	v58 =	vld [tilespmem:s1+$0x19C00]  }
0x89: {  	s25 =	simm.s32 $0xB4C00CC0;
	v50 =	vadd.s32 s24, v28;
	v21 =	vld.idx.msk [tilespmem:v21+s4+$0x0], $0xffff;
	[tilespmem:s0+$0x1BC80] =	vst v1;
	s0 =	sor.u32 $0x100, s15  }
0x8a: {  	v55 =	vadd.s32 s25, v28;
	s29 =	simm.s32 $0xB4C0EB40;
	s20 =	simm.s32 $0xB4C0E500;
	v0 =	vadd.f32 v0, v12;
	v18 =	vadd.f32 $2.450000000e+01, v18;
	v1 =	vld [tilespmem:s0+$0x19C00]  }
0x8b: {  	v33 =	vmovc v28;
	v42 =	vadd.s32 s29, v41;
	v45 =	vadd.s32 s20, v41;
	v7 =	vadd.f32 v13, v7;
	v19 =	vld.idx.msk [tilespmem:v19+s4+$0x0], $0xffff  }
0x8c: {  	s26 =	simm.s32 $0x80;
	v9 =	vadd.f32 v16, v9;
	v16 =	vmul.f32 v0, v59;
	v0 =	vmax.f32 v18, $-5.000000000e-01;
	v4 =	vld.idx.msk [tilespmem:v4+s4+$0x0], $0xffff;
	[tilespmem:$0x1FDF0] =	vst v55  }
0x8d: {  	s19 =	simm.s32 $0xB4C01FE0;
	s2 =	sand.u32 $0x40, s26;
	v25 =	vmovc v24;
	v23 =	vmul.f32 v23, v48;
	v12 =	vmul.f32 v57, v47;
	v0 =	vmin.f32 v0, $4.900000000e+01;
	v24 =	vld [tilespmem:s6+$0x19400];
	[tilespmem:$0x1FD50] =	vst v48  }
0x8e: {  	s16 =	sor.u32 s2, s17;
	v47 =	vadd.s32 s19, v33;
	s23 =	simm.s32 $0xB4C00FF0;
	[tilespmem:$0x1FE50] =	vst v50;
	v3 =	vmul.f32 v58, v3;
	v59 =	vadd.f32 $1.258291200e+07, v0  }
0x8f: {  	p1 =	por $0x0, $0x0;
	s30 =	simm.s32 $0x90;
	s12 =	simm.s32 $0x1;
	v5 =	vadd.s32 v5, v55;
	v7 =	vmul.f32 v7, v10;
	v52 =	vadd.s32 s23, v28;
	v28 =	vld [tilespmem:s16+$0x19C00]  }
0x90: {  	s14 =	sand.u32 $0x50, s30;
	s12 =	simm.s32 @!p1 $0x0;
	v61 =	vmovc v29;
	v30 =	vld [tilespmem:s18+$0x19C80];
	v10 =	vadd.f32 $2.450000000e+01, v3;
	v3 =	vmul.f32 v1, v32;
	v29 =	vadd.s32 v59, v42  }
0x91: {  	s14 =	sor.u32 s17, s14;
	s12 =	sshll.u32 s12, $0x6;
	v9 =	vmul.f32 v9, v15;
	v22 =	vadd.s32 v22, v50;
	v27 =	vmul.f32 v27, v34;
	v0 =	vld [tilespmem:s6+$0x19410]  }
0x92: {  	s25 =	sadd.s32 $0x0, s12;
	v1 =	vadd.f32 $2.450000000e+01, v23;
	v13 =	vadd.s32 v59, v47;
	v23 =	vadd.f32 $2.450000000e+01, v3;
	v3 =	vld [tilespmem:s14+$0x19C00]  }
0x93: {  	s2 =	sor.u32 $0x100, s25;
	v20 =	vadd.s32 v20, v52;
	[tilespmem:s7+$0x1BC80] =	vst v16;
	v15 =	vld [tilespmem:s13+$0x19800];
	v21 =	vmul.f32 v2, v21;
	v17 =	vmul.f32 v17, v19  }
0x94: {  	v31 =	vld [tilespmem:s2+$0x19C00];
	v4 =	vmul.f32 v11, v4;
	v28 =	vmul.f32 v28, v24;
	v2 =	vmax.f32 v23, $-5.000000000e-01  }
0x95: {  	v16 =	vmax.f32 v10, $-5.000000000e-01;
	v30 =	vmul.f32 v30, v39;
	v2 =	vmin.f32 v2, $4.900000000e+01;
	v29 =	vld.idx.msk [tilespmem:v29+s4+$0x0], $0xffff;
	[tilespmem:$0x1FBC0] =	vst v39  }
0x96: {  	v16 =	vmin.f32 v16, $4.900000000e+01;
	v19 =	vadd.f32 $2.450000000e+01, v28;
	v37 =	vld [tilespmem:s13+$0x19810];
	v2 =	vadd.f32 $1.258291200e+07, v2;
	[tilespmem:$0x1FF50] =	vst v0  }
0x97: {  	v16 =	vadd.f32 $1.258291200e+07, v16;
	v63 =	vadd.f32 $2.450000000e+01, v30;
	v3 =	vmul.f32 v3, v0;
	v11 =	vld.idx.msk [tilespmem:v13+s4+$0x0], $0xffff  }
0x98: {  	s5 =	sand.u32 $0x7, s5;
	v5 =	vld.idx.msk [tilespmem:v5+s4+$0x0], $0xffff;
	v28 =	vadd.s32 v2, v40;
	v30 =	vadd.s32 v2, v26;
	v2 =	vmax.f32 v19, $-5.000000000e-01  }
0x99: {  	s5 =	sshll.u32 s5, $0x4;
	v20 =	vld.idx.msk [tilespmem:v20+s4+$0x0], $0xffff;
	v51 =	vadd.f32 $2.450000000e+01, v3;
	v2 =	vmin.f32 v2, $4.900000000e+01;
	v3 =	vmax.f32 v63, $-5.000000000e-01  }
0x9a: {  	s5 =	sadd.s32 $0x0, s5;
	v53 =	vld [tilespmem:s6+$0x19820];
	v54 =	vadd.f32 $1.258291200e+07, v2;
	v2 =	vmin.f32 v3, $4.900000000e+01;
	v3 =	vmul.f32 v18, v29  }
0x9b: {  	s7 =	sadd.s32 $0x10, s5;
	v6 =	vadd.s32 v16, v6;
	[tilespmem:s10+$0x1BC80] =	vst v7;
	v59 =	vld [tilespmem:s13+$0x19830];
	v7 =	vmax.f32 v51, $-5.000000000e-01;
	v18 =	vadd.f32 $1.258291200e+07, v2  }
0x9c: {  	s12 =	sor.u32 $0x100, s7;
	v56 =	vld.idx.msk [tilespmem:v22+s4+$0x0], $0xffff;
	v7 =	vmin.f32 v7, $4.900000000e+01;
	v3 =	vadd.f32 v3, v11;
	v11 =	vadd.s32 v54, v45  }
0x9d: {  	s21 =	simm.s32 $0xB4C0E820;
	v14 =	vmovc v42;
	v8 =	vadd.s32 v16, v8;
	v29 =	vld [tilespmem:s12+$0x19C00];
	[tilespmem:$0x1FBD0] =	vst v42;
	v7 =	vadd.f32 $1.258291200e+07, v7;
	v22 =	vadd.s32 v18, v42  }
0x9e: {  	s5 =	sadd.s32 $0x30, s5;
	[tilespmem:s8+$0x1BC80] =	vst v9;
	v9 =	vadd.f32 v21, v5;
	v17 =	vadd.f32 v17, v20;
	v5 =	vld.idx.msk [tilespmem:v28+s4+$0x0], $0xffff;
	v42 =	vadd.s32 s21, v41  }
0x9f: {  	v34 =	vmax.f32 v1, $-5.000000000e-01;
	s10 =	sor.u32 $0x100, s5;
	v20 =	vld.idx.msk [tilespmem:v30+s4+$0x0], $0xffff;
	[tilespmem:$0x1FBE0] =	vst v47;
	v28 =	vmul.f32 v3, v53;
	v21 =	vadd.s32 v7, v42  }
0xa0: {  	v16 =	vmul.f32 v31, v36;
	v2 =	vadd.f32 $2.450000000e+01, v12;
	v18 =	vadd.s32 v18, v47;
	v30 =	vld [tilespmem:s10+$0x19C00]  }
0xa1: {  	v12 =	vadd.f32 v4, v56;
	v3 =	vadd.f32 $2.450000000e+01, v27;
	v27 =	vmin.f32 v34, $4.900000000e+01;
	[tilespmem:s18+$0x1BC00] =	vst v28;
	v11 =	vld.idx.msk [tilespmem:v11+s4+$0x0], $0xffff  }
0xa2: {  	v4 =	vadd.f32 $2.450000000e+01, v16;
	v9 =	vmul.f32 v9, v15;
	v27 =	vadd.f32 $1.258291200e+07, v27;
	v22 =	vld.idx.msk [tilespmem:v22+s4+$0x0], $0xffff;
	[tilespmem:$0x1FDE0] =	vst v43  }
0xa3: {  	s22 =	simm.s32 $0xB0;
	v28 =	vmax.f32 v2, $-5.000000000e-01;
	v31 =	vmax.f32 v3, $-5.000000000e-01;
	v23 =	vmul.f32 v23, v5;
	v5 =	vld.idx.msk [tilespmem:v6+s4+$0x0], $0xffff  }
0xa4: {  	s8 =	sand.u32 $0x70, s22;
	v28 =	vmin.f32 v28, $4.900000000e+01;
	v57 =	vadd.s32 v27, v43;
	v6 =	vmin.f32 v31, $4.900000000e+01;
	v21 =	vld.idx.msk [tilespmem:v21+s4+$0x0], $0xffff;
	[tilespmem:$0x1FCA0] =	vst v15  }
0xa5: {  	s17 =	sor.u32 s17, s8;
	v16 =	vadd.f32 $1.258291200e+07, v28;
	v6 =	vadd.f32 $1.258291200e+07, v6;
	v18 =	vld.idx.msk [tilespmem:v18+s4+$0x0], $0xffff;
	[tilespmem:s3+$0x1BC00] =	vst v9  }
0xa6: {  	v17 =	vmul.f32 v17, v37;
	v28 =	vld [tilespmem:s17+$0x19C00];
	[tilespmem:$0x1FCB0] =	vst v37  }
0xa7: {  	v19 =	vmul.f32 v19, v11;
	v11 =	vadd.s32 v16, v35;
	v58 =	vadd.s32 v6, v25;
	v25 =	vld [tilespmem:s6+$0x19430];
	[tilespmem:$0x1FCC0] =	vst v59  }
0xa8: {  	v20 =	vadd.f32 v23, v20;
	v23 =	vmax.f32 v4, $-5.000000000e-01;
	[tilespmem:s11+$0x1BC00] =	vst v17  }
0xa9: {  	v9 =	vmul.f32 v63, v22;
	v22 =	vmin.f32 v23, $4.900000000e+01;
	v23 =	vmul.f32 v29, v49;
	v29 =	vld.idx.msk [tilespmem:v57+s4+$0x0], $0xffff;
	[tilespmem:$0x1FE30] =	vst v52  }
0xaa: {  	v12 =	vmul.f32 v12, v59;
	v17 =	vadd.f32 $1.258291200e+07, v22;
	v22 =	vadd.s32 v27, v55;
	v27 =	vld [tilespmem:s16+$0x19C80]  }
0xab: {  	s23 =	simm.s32 $0x4;
	v16 =	vadd.s32 v16, v52;
	v6 =	vadd.s32 v6, v50;
	v8 =	vld.idx.msk [tilespmem:v8+s4+$0x0], $0xffff  }
0xac: {  	s24 =	simm.s32 $0xB4C01980;
	s8 =	sand.u32 $0x3, s23;
	v63 =	vmul.f32 v30, v44;
	[tilespmem:s9+$0x1BC00] =	vst v12;
	v9 =	vadd.f32 v9, v18;
	v31 =	vld.idx.msk [tilespmem:v11+s4+$0x0], $0xffff  }
0xad: {  	s8 =	sshll.u32 s8, $0x5;
	v44 =	vadd.s32 s24, v33;
	v23 =	vadd.f32 $2.450000000e+01, v23;
	v18 =	vadd.s32 v17, v46;
	v34 =	vld.idx.msk [tilespmem:v58+s4+$0x0], $0xffff;
	[tilespmem:$0x1FD90] =	vst v53  }
0xae: {  	s26 =	simm.s32 $0xB4C01CB0;
	s8 =	sadd.s32 $0x200, s8;
	v11 =	vmul.f32 v28, v25;
	v28 =	vadd.f32 $2.450000000e+01, v63;
	v9 =	vmul.f32 v9, v53;
	v63 =	vld [tilespmem:s14+$0x19C80]  }
0xaf: {  	s30 =	simm.s32 $0xB4C02310;
	s13 =	sadd.s32 $0x20, s8;
	v30 =	vadd.s32 v17, v38;
	v46 =	vadd.s32 v54, v44;
	v17 =	vadd.s32 s26, v33;
	v22 =	vld.idx.msk [tilespmem:v22+s4+$0x0], $0xffff;
	[tilespmem:$0x1FF30] =	vst v24  }
0xb0: {  	s19 =	sor.u32 $0x100, s13;
	v20 =	vmul.f32 v20, v61;
	v49 =	vadd.s32 s30, v33;
	v7 =	vadd.s32 v7, v17;
	[tilespmem:s18+$0x1BC80] =	vst v9  }
0xb1: {  	v21 =	vmul.f32 v51, v21;
	v55 =	vadd.f32 $2.450000000e+01, v11;
	v9 =	vmax.f32 v23, $-5.000000000e-01;
	v38 =	vld [tilespmem:s19+$0x19C00]  }
0xb2: {  	v16 =	vld.idx.msk [tilespmem:v16+s4+$0x0], $0xffff;
	v35 =	vmax.f32 v28, $-5.000000000e-01;
	v27 =	vmul.f32 v27, v24;
	v9 =	vmin.f32 v9, $4.900000000e+01  }
0xb3: {  	v6 =	vld.idx.msk [tilespmem:v6+s4+$0x0], $0xffff;
	v51 =	vmin.f32 v35, $4.900000000e+01;
	v57 =	vadd.f32 $1.258291200e+07, v9;
	v9 =	vmax.f32 v55, $-5.000000000e-01  }
0xb4: {  	v46 =	vld.idx.msk [tilespmem:v46+s4+$0x0], $0xffff;
	v27 =	vadd.f32 $2.450000000e+01, v27;
	v9 =	vmin.f32 v9, $4.900000000e+01;
	v13 =	vmul.f32 v63, v0  }
0xb5: {  	v58 =	vadd.f32 $1.258291200e+07, v51;
	v7 =	vld.idx.msk [tilespmem:v7+s4+$0x0], $0xffff;
	v56 =	vadd.f32 $1.258291200e+07, v9;
	v35 =	vadd.s32 v57, v60  }
0xb6: {  	s29 =	simm.s32 $0xB4C0EE60;
	v63 =	vmax.f32 v27, $-5.000000000e-01;
	v61 =	vadd.f32 $2.450000000e+01, v13;
	v54 =	vmul.f32 v38, v39;
	v38 =	vld [tilespmem:s6+$0x19800]  }
0xb7: {  	v30 =	vld.idx.msk [tilespmem:v30+s4+$0x0], $0xffff;
	v62 =	vadd.s32 v58, v62;
	v13 =	vadd.s32 s29, v41;
	v9 =	vmin.f32 v63, $4.900000000e+01  }
0xb8: {  	v18 =	vld.idx.msk [tilespmem:v18+s4+$0x0], $0xffff;
	v63 =	vadd.s32 v56, v13;
	v60 =	vadd.f32 $1.258291200e+07, v9;
	v0 =	vmax.f32 v61, $-5.000000000e-01  }
0xb9: {  	s15 =	sor.u32 $0x180, s15;
	[tilespmem:s0+$0x1BC00] =	vst v20;
	v19 =	vadd.f32 v19, v46;
	v39 =	vadd.s32 v56, v49;
	v46 =	vld [tilespmem:s6+$0x19810];
	v0 =	vmin.f32 v0, $4.900000000e+01  }
0xba: {  	v7 =	vadd.f32 v21, v7;
	v21 =	vld [tilespmem:s15+$0x19C00];
	v56 =	vadd.f32 $1.258291200e+07, v0;
	v0 =	vadd.s32 v60, v45  }
0xbb: {  	v1 =	vmul.f32 v1, v29;
	v20 =	vld.idx.msk [tilespmem:v35+s4+$0x0], $0xffff;
	v19 =	vmul.f32 v19, v38  }
0xbc: {  	v54 =	vadd.f32 $2.450000000e+01, v54;
	v29 =	vld.idx.msk [tilespmem:v62+s4+$0x0], $0xffff;
	[tilespmem:$0x1FED0] =	vst v38  }
0xbd: {  	v1 =	vadd.f32 v1, v22;
	v22 =	vld.idx.msk [tilespmem:v63+s4+$0x0], $0xffff;
	[tilespmem:s16+$0x1BC00] =	vst v19  }
0xbe: {  	v35 =	vmax.f32 v54, $-5.000000000e-01;
	v12 =	vadd.s32 v56, v42;
	v19 =	vld.idx.msk [tilespmem:v39+s4+$0x0], $0xffff;
	[tilespmem:$0x1FEE0] =	vst v46  }
0xbf: {  	p1 =	por !p1, !p1;
	s0 =	simm.s32 $0x1;
	v62 =	vmin.f32 v35, $4.900000000e+01;
	v7 =	vmul.f32 v7, v46;
	v63 =	vld.idx.msk [tilespmem:v0+s4+$0x0], $0xffff;
	v0 =	vmul.f32 v21, v32  }
0xc0: {  	v5 =	vmul.f32 v10, v5;
	s0 =	simm.s32 @!p1 $0x0;
	v1 =	vmul.f32 v1, v15;
	v39 =	vadd.f32 $1.258291200e+07, v62  }
0xc1: {  	s0 =	sshll.u32 s0, $0x6;
	[tilespmem:s14+$0x1BC00] =	vst v7;
	v21 =	vld [tilespmem:s17+$0x19C80];
	v9 =	vadd.f32 $2.450000000e+01, v0  }
0xc2: {  	s18 =	sadd.s32 $0x100, s0;
	v62 =	vadd.s32 v39, v14;
	[tilespmem:s3+$0x1BC80] =	vst v1;
	v0 =	vadd.f32 v5, v8  }
0xc3: {  	s8 =	simm.s32 $0xE0;
	v2 =	vmul.f32 v2, v31;
	s21 =	sor.u32 $0x100, s18;
	s3 =	simm.s32 $0x300;
	v10 =	vadd.s32 v39, v47;
	v1 =	vld.idx.msk [tilespmem:v12+s4+$0x0], $0xffff;
	[tilespmem:$0x1FC30] =	vst v9  }
0xc4: {  	s22 =	simm.s32 $0xC0;
	s0 =	sand.u32 $0xE00, s3;
	s3 =	sand.u32 $0x60, s8;
	v31 =	vld [tilespmem:s21+$0x19C00];
	[tilespmem:$0x1FCE0] =	vst v0  }
0xc5: {  	v2 =	vadd.f32 v2, v16;
	s24 =	sor.u32 s0, s3;
	v0 =	vmul.f32 v3, v34;
	v7 =	vld [tilespmem:s22+$0x19420]  }
0xc6: {  	v3 =	vmul.f32 v4, v30;
	v4 =	vmax.f32 v9, $-5.000000000e-01;
	v16 =	vmul.f32 v21, v25;
	v5 =	vld [tilespmem:s24+$0x19C00];
	[tilespmem:$0x1FF80] =	vst v25  }
0xc7: {  	v4 =	vmin.f32 v4, $4.900000000e+01;
	v8 =	vadd.f32 v0, v6;
	v21 =	vld.idx.msk [tilespmem:v62+s4+$0x0], $0xffff;
	v0 =	vmul.f32 v28, v29  }
0xc8: {  	v62 =	vadd.f32 v3, v18;
	v3 =	vadd.f32 $1.258291200e+07, v4;
	v4 =	vld.idx.msk [tilespmem:v10+s4+$0x0], $0xffff  }
0xc9: {  	[tilespmem:$0x1FBF0] =	vst v0;
	v0 =	vld [tilespmem:$0x1FD40];
	_ =	sdelay $0x4  }
0xca: {  	v18 =	vmul.f32 v55, v22;
	v22 =	vadd.s32 v57, v0;
	v0 =	vld [tilespmem:$0x1FD80];
	_ =	sdelay $0x2  }
0xcb: {  	v32 =	vadd.f32 $2.450000000e+01, v16;
	v16 =	vmul.f32 v31, v48;
	_ =	sdelay $0x1  }
0xcc: {  	v6 =	vld [tilespmem:s6+$0x19830];
	v29 =	vadd.s32 v58, v0;
	v0 =	vadd.f32 $2.450000000e+01, v16  }
0xcd: {  	v14 =	vld [tilespmem:s22+$0x19400]  }
0xce: {  	v11 =	vld [tilespmem:s22+$0x19410];
	[tilespmem:$0x1FC70] =	vst v0  }
0xcf: {  	s20 =	simm.s32 $0xC0;
	v48 =	vld [tilespmem:s22+$0x19430]  }
0xd0: {  	s23 =	simm.s32 $0xD0;
	s3 =	sand.u32 $0x40, s20  }
0xd1: {  	s26 =	simm.s32 $0xF0;
	v39 =	vmul.f32 v23, v20;
	s20 =	sand.u32 $0x50, s23;
	v23 =	vmax.f32 v32, $-5.000000000e-01;
	s6 =	sor.u32 s3, s0  }
0xd2: {  	s29 =	sand.u32 $0x70, s26;
	s8 =	sor.u32 s0, s20;
	v20 =	vadd.s32 v3, v40;
	v16 =	vmin.f32 v23, $4.900000000e+01;
	v23 =	vld [tilespmem:s6+$0x19C00]  }
0xd3: {  	s3 =	sor.u32 s0, s29;
	v34 =	vld [tilespmem:s8+$0x19C00]  }
0xd4: {  	v18 =	vadd.f32 v18, v19;
	v19 =	vmul.f32 v54, v21;
	v21 =	vld [tilespmem:s3+$0x19C00];
	[tilespmem:$0x1FF40] =	vst v48  }
0xd5: {  	v30 =	vadd.f32 $1.258291200e+07, v16;
	v16 =	vmul.f32 v61, v1;
	v61 =	vld.idx.msk [tilespmem:v22+s4+$0x0], $0xffff  }
0xd6: {  	v35 =	vmul.f32 v27, v63;
	v63 =	vld.idx.msk [tilespmem:v29+s4+$0x0], $0xffff;
	[tilespmem:$0x1FF20] =	vst v6  }
0xd7: {  	v31 =	vmax.f32 v0, $-5.000000000e-01;
	v0 =	vld.idx.msk [tilespmem:v20+s4+$0x0], $0xffff  }
0xd8: {  	v3 =	vadd.s32 v3, v26;
	_ =	sdelay $0x2  }
0xd9: {  	v5 =	vmul.f32 v5, v7;
	[tilespmem:$0x1FDB0] =	vst v14  }
0xda: {  	[tilespmem:$0x1FC40] =	vst v0  }
0xdb: {  	v26 =	vadd.f32 $2.450000000e+01, v5;
	v1 =	vld.idx.msk [tilespmem:v3+s4+$0x0], $0xffff  }
0xdc: {  	v54 =	vadd.s32 v30, v13  }
0xdd: {  	v12 =	vmax.f32 v26, $-5.000000000e-01;
	v18 =	vmul.f32 v18, v6  }
0xde: {  	v9 =	vmovc v7;
	v7 =	vadd.f32 v19, v4;
	v19 =	vmin.f32 v31, $4.900000000e+01;
	v22 =	vmin.f32 v12, $4.900000000e+01  }
0xdf: {  	v29 =	vadd.s32 v60, v44;
	v60 =	vadd.f32 $1.258291200e+07, v19;
	[tilespmem:s17+$0x1BC00] =	vst v18;
	v3 =	vmul.f32 v34, v11  }
0xe0: {  	v40 =	vadd.s32 v56, v17;
	v22 =	vadd.f32 $1.258291200e+07, v22;
	[tilespmem:$0x1FC90] =	vst v1  }
0xe1: {  	s30 =	simm.s32 $0xB4C0F7C0;
	v20 =	vmul.f32 v23, v14;
	v12 =	vld.idx.msk [tilespmem:v54+s4+$0x0], $0xffff;
	v54 =	vadd.f32 $2.450000000e+01, v3;
	v3 =	vadd.s32 v60, v43  }
0xe2: {  	v58 =	vadd.s32 s30, v41  }
0xe3: {  	s23 =	simm.s32 $0xB4C02CA0;
	v18 =	vadd.s32 v22, v58;
	v34 =	vadd.f32 $2.450000000e+01, v20;
	v20 =	vmul.f32 v21, v48;
	v21 =	vld [tilespmem:s24+$0x19C80]  }
0xe4: {  	v2 =	vmul.f32 v2, v37;
	v0 =	vadd.s32 s23, v33;
	v29 =	vld.idx.msk [tilespmem:v29+s4+$0x0], $0xffff  }
0xe5: {  	v55 =	vld.idx.msk [tilespmem:v40+s4+$0x0], $0xffff;
	[tilespmem:$0x1FDA0] =	vst v0  }
0xe6: {  	s20 =	simm.s32 $0x4;
	v19 =	vadd.s32 v30, v49;
	[tilespmem:s11+$0x1BC80] =	vst v2;
	v2 =	vld.idx.msk [tilespmem:v3+s4+$0x0], $0xffff  }
0xe7: {  	s0 =	sand.u32 $0x7, s20  }
0xe8: {  	v50 =	vmov v24;
	v47 =	vmov v25;
	s0 =	sshll.u32 s0, $0x4;
	v25 =	vadd.s32 v22, v0;
	v24 =	vld.idx.msk [tilespmem:v18+s4+$0x0], $0xffff  }
0xe9: {  	v36 =	vmov v59;
	s0 =	sadd.s32 $0x100, s0;
	v28 =	vadd.f32 $2.450000000e+01, v20;
	v20 =	vmax.f32 v34, $-5.000000000e-01  }
0xea: {  	s26 =	simm.s32 $0xB4C0F180;
	v8 =	vmul.f32 v8, v36;
	v30 =	vmov v17;
	s23 =	sadd.s32 $0x10, s0;
	v20 =	vmin.f32 v20, $4.900000000e+01  }
0xeb: {  	s30 =	sadd.s32 $0x30, s0;
	v17 =	vadd.s32 s26, v41;
	v22 =	vmovc v0;
	s0 =	sor.u32 $0x100, s23;
	v0 =	vadd.f32 $1.258291200e+07, v20;
	v31 =	vld.idx.msk [tilespmem:v19+s4+$0x0], $0xffff;
	v3 =	vmul.f32 v21, v9;
	[tilespmem:$0x1FC80] =	vst v2  }
0xec: {  	v18 =	vmax.f32 v28, $-5.000000000e-01;
	v23 =	vmax.f32 v54, $-5.000000000e-01;
	v2 =	vmul.f32 v7, v53;
	v4 =	vld [tilespmem:s0+$0x19C00]  }
0xed: {  	s29 =	simm.s32 $0xB4C0F4A0;
	s31 =	sor.u32 $0x100, s30;
	v23 =	vmin.f32 v23, $4.900000000e+01;
	v27 =	vadd.f32 $2.450000000e+01, v3;
	v3 =	vmul.f32 v26, v24;
	[tilespmem:s9+$0x1BC80] =	vst v8;
	v24 =	vld.idx.msk [tilespmem:v25+s4+$0x0], $0xffff  }
0xee: {  	v59 =	vmovc v44;
	v44 =	vmovc v11;
	v11 =	vadd.s32 s29, v41;
	s29 =	simm.s32 $0xB4C02640;
	v19 =	vmin.f32 v18, $4.900000000e+01;
	v1 =	vadd.f32 $1.258291200e+07, v23;
	v8 =	vld [tilespmem:s31+$0x19C00];
	[tilespmem:s19+$0x1BC00] =	vst v2  }
0xef: {  	s26 =	simm.s32 $0xB4C0FAE0;
	v43 =	vadd.s32 s29, v33;
	v5 =	vadd.s32 v0, v17;
	v7 =	vadd.f32 $1.258291200e+07, v19;
	v51 =	vld [tilespmem:$0x1FBB0]  }
0xf0: {  	s13 =	sor.u32 $0x180, s13;
	v56 =	vmovc v9;
	v57 =	vmovc v6;
	v20 =	vmov v42;
	v42 =	vadd.s32 s26, v41;
	v6 =	vadd.s32 v1, v11;
	[tilespmem:$0x1FF70] =	vst v43;
	v9 =	vld [tilespmem:$0x1FD60]  }
0xf1: {  	s19 =	simm.s32 $0xB4C02970;
	v25 =	vadd.s32 v7, v42;
	v26 =	vld [tilespmem:s13+$0x19C00]  }
0xf2: {  	v36 =	vmov v13;
	v2 =	vadd.s32 v0, v43;
	v10 =	vadd.s32 s19, v33;
	v13 =	vld [tilespmem:s22+$0x19820]  }
0xf3: {  	v1 =	vadd.s32 v1, v10;
	v24 =	vadd.f32 v3, v24;
	v3 =	vld [tilespmem:$0x1FBC0]  }
0xf4: {  	v5 =	vld.idx.msk [tilespmem:v5+s4+$0x0], $0xffff;
	[tilespmem:$0x1FFB0] =	vst v42;
	v4 =	vmul.f32 v4, v51  }
0xf5: {  	v21 =	vmov v45;
	v45 =	vld.idx.msk [tilespmem:v6+s4+$0x0], $0xffff;
	v8 =	vmul.f32 v8, v9  }
0xf6: {  	v6 =	vadd.f32 $2.450000000e+01, v4;
	v4 =	vld.idx.msk [tilespmem:v25+s4+$0x0], $0xffff;
	[tilespmem:$0x1FF00] =	vst v58  }
0xf7: {  	v24 =	vmul.f32 v24, v13;
	v9 =	vadd.f32 $2.450000000e+01, v8;
	v2 =	vld.idx.msk [tilespmem:v2+s4+$0x0], $0xffff  }
0xf8: {  	v19 =	vmax.f32 v27, $-5.000000000e-01;
	v8 =	vmul.f32 v26, v3;
	v1 =	vld.idx.msk [tilespmem:v1+s4+$0x0], $0xffff;
	[tilespmem:$0x1FE00] =	vst v13;
	v26 =	vmax.f32 v6, $-5.000000000e-01  }
0xf9: {  	v0 =	vmin.f32 v19, $4.900000000e+01;
	v19 =	vld [tilespmem:$0x1FBA0];
	v3 =	vmax.f32 v9, $-5.000000000e-01;
	[tilespmem:s24+$0x1BC00] =	vst v24;
	v26 =	vmin.f32 v26, $4.900000000e+01  }
0xfa: {  	v24 =	vadd.f32 $1.258291200e+07, v26;
	v26 =	vmin.f32 v3, $4.900000000e+01;
	v3 =	vld [tilespmem:$0x1FDF0]  }
0xfb: {  	s20 =	simm.s32 $0xB4C02FD0  }
0xfc: {  	v18 =	vadd.s32 s20, v33  }
0xfd: {  	v7 =	vadd.s32 v7, v18;
	_ =	sdelay $0x1  }
0xfe: {  	v29 =	vadd.f32 v35, v29;
	v0 =	vadd.f32 $1.258291200e+07, v0;
	v35 =	vadd.s32 v60, v3;
	v3 =	vld [tilespmem:$0x1FE20];
	_ =	sdelay $0x1  }
0xff: {  	v29 =	vmul.f32 v29, v38;
	v25 =	vadd.s32 v0, v58  }
0x100: {  	p1 =	por !p1, !p1;
	v32 =	vmul.f32 v32, v12;
	s9 =	simm.s32 $0x1;
	v7 =	vld.idx.msk [tilespmem:v7+s4+$0x0], $0xffff;
	v53 =	vadd.f32 $2.450000000e+01, v8  }
0x101: {  	s9 =	simm.s32 @!p1 $0x0;
	v0 =	vadd.s32 v0, v22;
	v8 =	vld [tilespmem:s6+$0x19C80];
	[tilespmem:s16+$0x1BC80] =	vst v29  }
0x102: {  	v31 =	vadd.f32 v32, v31;
	s9 =	sshll.u32 s9, $0x6;
	v60 =	vmax.f32 v53, $-5.000000000e-01;
	v32 =	vadd.s32 v24, v3;
	v3 =	vld [tilespmem:$0x1FE40]  }
0x103: {  	s9 =	sadd.s32 $0x200, s9;
	v29 =	vmin.f32 v60, $4.900000000e+01;
	v60 =	vld [tilespmem:s8+$0x19C80]  }
0x104: {  	s11 =	sor.u32 $0x100, s9;
	v25 =	vld.idx.msk [tilespmem:v25+s4+$0x0], $0xffff  }
0x105: {  	v5 =	vmul.f32 v34, v5;
	v54 =	vmul.f32 v54, v45;
	v26 =	vadd.f32 $1.258291200e+07, v26;
	v45 =	vld [tilespmem:s11+$0x19C00]  }
0x106: {  	v0 =	vld.idx.msk [tilespmem:v0+s4+$0x0], $0xffff;
	v4 =	vmul.f32 v28, v4  }
0x107: {  	v15 =	vmovc v33;
	v33 =	vadd.f32 v16, v55;
	v2 =	vadd.f32 v5, v2;
	v12 =	vadd.s32 v26, v3;
	v3 =	vld [tilespmem:$0x1FBD0]  }
0x108: {  	v7 =	vadd.f32 v4, v7;
	v24 =	vadd.s32 v24, v52;
	v4 =	vmul.f32 v60, v44  }
0x109: {  	v54 =	vadd.f32 v54, v1;
	v5 =	vmul.f32 v8, v14;
	v8 =	vld [tilespmem:s3+$0x19C80];
	v1 =	vmul.f32 v27, v25  }
0x10a: {  	s26 =	simm.s32 $0x8;
	v29 =	vadd.f32 $1.258291200e+07, v29;
	v25 =	vmul.f32 v45, v50;
	v45 =	vadd.f32 $2.450000000e+01, v4;
	v4 =	vld [tilespmem:s22+$0x19800]  }
0x10b: {  	s16 =	sand.u32 $0x7, s26;
	v35 =	vld.idx.msk [tilespmem:v35+s4+$0x0], $0xffff;
	v52 =	vadd.f32 $2.450000000e+01, v5  }
0x10c: {  	s16 =	sshll.u32 s16, $0x4;
	v0 =	vadd.f32 v1, v0;
	v1 =	vmul.f32 v33, v46;
	v38 =	vadd.s32 v29, v3;
	v3 =	vld [tilespmem:$0x1FBE0]  }
0x10d: {  	s16 =	sadd.s32 $0x200, s16;
	v33 =	vld.idx.msk [tilespmem:v24+s4+$0x0], $0xffff;
	v24 =	vmax.f32 v52, $-5.000000000e-01  }
0x10e: {  	s29 =	simm.s32 $0x6;
	s20 =	sadd.s32 $0x10, s16;
	v32 =	vld.idx.msk [tilespmem:v32+s4+$0x0], $0xffff;
	[tilespmem:s14+$0x1BC80] =	vst v1  }
0x10f: {  	s26 =	sand.u32 $0x3, s29;
	s29 =	sor.u32 $0x100, s20;
	v34 =	vld.idx.msk [tilespmem:v12+s4+$0x0], $0xffff;
	[tilespmem:$0x1FE90] =	vst v4  }
0x110: {  	v5 =	vmul.f32 v31, v57;
	v1 =	vmul.f32 v8, v48;
	v8 =	vmin.f32 v24, $4.900000000e+01;
	v24 =	vmovc v49;
	v49 =	vld [tilespmem:s29+$0x19C00]  }
0x111: {  	v29 =	vadd.s32 v29, v3;
	v3 =	vld [tilespmem:$0x1FE50]  }
0x112: {  	v8 =	vadd.f32 $1.258291200e+07, v8;
	v22 =	vld [tilespmem:s22+$0x19810];
	[tilespmem:s17+$0x1BC80] =	vst v5  }
0x113: {  	s19 =	sadd.s32 $0x30, s16;
	v0 =	vmul.f32 v0, v13;
	v23 =	vadd.f32 $2.450000000e+01, v1;
	v1 =	vld [tilespmem:$0x1FE80]  }
0x114: {  	v14 =	vmov v44;
	s28 =	sor.u32 $0x100, s19;
	v2 =	vmul.f32 v2, v4;
	s14 =	sshll.u32 s26, $0x5;
	v13 =	vld [tilespmem:s22+$0x19830];
	v44 =	vadd.s32 v8, v17  }
0x115: {  	s14 =	sadd.s32 $0x300, s14;
	v57 =	vld [tilespmem:s28+$0x19C00];
	[tilespmem:s24+$0x1BC80] =	vst v0  }
0x116: {  	s14 =	sadd.s32 $0x20, s14;
	v31 =	vadd.s32 v26, v3;
	v3 =	vld [tilespmem:$0x1FF50];
	[tilespmem:s6+$0x1BC00] =	vst v2  }
0x117: {  	v40 =	vadd.f32 v39, v61;
	v50 =	vadd.f32 $2.450000000e+01, v25;
	s16 =	sor.u32 $0x100, s14;
	v2 =	vld [tilespmem:$0x1FF10]  }
0x118: {  	v46 =	vmax.f32 v23, $-5.000000000e-01;
	v5 =	vmax.f32 v45, $-5.000000000e-01;
	v39 =	vmul.f32 v62, v1;
	v1 =	vld [tilespmem:s16+$0x19C00]  }
0x119: {  	v61 =	vmin.f32 v46, $4.900000000e+01;
	v5 =	vmin.f32 v5, $4.900000000e+01;
	v54 =	vmul.f32 v54, v22;
	v25 =	vld.idx.msk [tilespmem:v44+s4+$0x0], $0xffff  }
0x11a: {  	s25 =	sor.u32 $0x180, s25;
	v0 =	vadd.f32 $1.258291200e+07, v5;
	v5 =	vmax.f32 v50, $-5.000000000e-01;
	v47 =	vmul.f32 v57, v47;
	v57 =	vld.idx.msk [tilespmem:v29+s4+$0x0], $0xffff;
	[tilespmem:s2+$0x1BC00] =	vst v39  }
0x11b: {  	v61 =	vadd.f32 $1.258291200e+07, v61;
	v5 =	vmin.f32 v5, $4.900000000e+01;
	[tilespmem:s8+$0x1BC00] =	vst v54;
	v29 =	vld [tilespmem:s25+$0x19C00];
	v37 =	vmul.f32 v49, v3  }
0x11c: {  	v3 =	vadd.s32 v0, v11;
	v2 =	vmul.f32 v40, v2;
	v40 =	vadd.f32 $1.258291200e+07, v5;
	v5 =	vld [tilespmem:$0x1FBF0]  }
0x11d: {  	v48 =	vadd.s32 v0, v10;
	v31 =	vld.idx.msk [tilespmem:v31+s4+$0x0], $0xffff;
	v0 =	vmul.f32 v7, v13;
	v1 =	vmul.f32 v1, v56  }
0x11e: {  	s26 =	sor.u32 $0x180, s7;
	v49 =	vld.idx.msk [tilespmem:v38+s4+$0x0], $0xffff;
	v4 =	vadd.f32 $2.450000000e+01, v37;
	v37 =	vadd.s32 v61, v42;
	[tilespmem:s12+$0x1BC00] =	vst v2  }
0x11f: {  	v8 =	vadd.s32 v8, v43;
	[tilespmem:s3+$0x1BC00] =	vst v0;
	v7 =	vadd.f32 $2.450000000e+01, v1;
	v1 =	vld [tilespmem:s26+$0x19C00]  }
0x120: {  	v0 =	vld [tilespmem:$0x1FC10]  }
0x121: {  	v26 =	vmov v17;
	v17 =	vld.idx.msk [tilespmem:v3+s4+$0x0], $0xffff;
	[tilespmem:$0x1FC00] =	vst v59;
	v12 =	vadd.f32 v5, v63  }
0x122: {  	v42 =	vld.idx.msk [tilespmem:v48+s4+$0x0], $0xffff  }
0x123: {  	v63 =	vld.idx.msk [tilespmem:v37+s4+$0x0], $0xffff;
	v46 =	vmul.f32 v12, v19  }
0x124: {  	v12 =	vld.idx.msk [tilespmem:v8+s4+$0x0], $0xffff;
	[tilespmem:$0x1FC20] =	vst v20  }
0x125: {  	[tilespmem:s10+$0x1BC00] =	vst v46  }
0x126: {  	v29 =	vmul.f32 v29, v0;
	v0 =	vld [tilespmem:$0x1FC30]  }
0x127: {  	v5 =	vld [tilespmem:$0x1FC40]  }
0x128: {  	v62 =	vadd.f32 $2.450000000e+01, v47;
	_ =	sdelay $0x1  }
0x129: {  	v38 =	vmax.f32 v62, $-5.000000000e-01;
	v2 =	vadd.s32 v61, v18  }
0x12a: {  	v43 =	vmin.f32 v38, $4.900000000e+01  }
0x12b: {  	v61 =	vadd.f32 $1.258291200e+07, v43;
	v43 =	vmul.f32 v0, v5;
	v0 =	vld [tilespmem:$0x1FC60];
	_ =	sdelay $0x2  }
0x12c: {  	v46 =	vld.idx.msk [tilespmem:v2+s4+$0x0], $0xffff  }
0x12d: {  	v2 =	vld [tilespmem:$0x1FC80]  }
0x12e: {  	v1 =	vmul.f32 v1, v0;
	v0 =	vld [tilespmem:$0x1FC70];
	_ =	sdelay $0x3  }
0x12f: {  	v39 =	vadd.s32 v40, v21  }
0x130: {  	v2 =	vmul.f32 v0, v2;
	v0 =	vld [tilespmem:$0x1FC90];
	_ =	sdelay $0x2  }
0x131: {  	[tilespmem:$0x1FC50] =	vst v36  }
0x132: {  	v40 =	vadd.s32 v40, v59;
	v59 =	vld.idx.msk [tilespmem:v39+s4+$0x0], $0xffff  }
0x133: {  	v54 =	vmov v56;
	v56 =	vmax.f32 v4, $-5.000000000e-01;
	v39 =	vadd.f32 v43, v0;
	v0 =	vld [tilespmem:$0x1FCA0]  }
0x134: {  	v3 =	vmin.f32 v56, $4.900000000e+01;
	v47 =	vmax.f32 v7, $-5.000000000e-01  }
0x135: {  	v3 =	vadd.f32 $1.258291200e+07, v3;
	v37 =	vmin.f32 v47, $4.900000000e+01  }
0x136: {  	v56 =	vadd.f32 $1.258291200e+07, v37;
	v37 =	vadd.s32 v61, v36;
	v36 =	vadd.f32 v2, v35  }
0x137: {  	v60 =	vadd.s32 v3, v20  }
0x138: {  	v48 =	vadd.s32 v3, v30;
	v3 =	vmul.f32 v6, v32;
	v32 =	vmul.f32 v36, v0;
	v0 =	vld [tilespmem:$0x1FCB0];
	_ =	sdelay $0x1  }
0x139: {  	s12 =	sor.u32 $0x180, s5  }
0x13a: {  	v33 =	vadd.f32 v3, v33;
	v43 =	vld.idx.msk [tilespmem:v40+s4+$0x0], $0xffff;
	[dreg:$0x6] =	wrdreg s12  }
0x13b: {  	[tilespmem:s21+$0x1BC00] =	vst v32  }
0x13c: {  	v33 =	vmul.f32 v33, v0;
	v0 =	vld [tilespmem:$0x1FCC0]  }
0x13d: {  	v34 =	vmul.f32 v9, v34;
	_ =	sdelay $0x1  }
0x13e: {  	v31 =	vadd.f32 v34, v31  }
0x13f: {  	v55 =	vadd.f32 $2.450000000e+01, v1;
	v1 =	vld [tilespmem:$0x1FCE0]  }
0x140: {  	v31 =	vmul.f32 v31, v0;
	v0 =	vld [tilespmem:$0x1FCD0]  }
0x141: {  	v6 =	vadd.s32 v56, v58  }
0x142: {  	v9 =	vadd.f32 $2.450000000e+01, v29;
	v29 =	vld [tilespmem:s12+$0x19C00]  }
0x143: {  	v27 =	vld.idx.msk [tilespmem:v60+s4+$0x0], $0xffff  }
0x144: {  	v47 =	vld.idx.msk [tilespmem:v37+s4+$0x0], $0xffff  }
0x145: {  	v44 =	vld.idx.msk [tilespmem:v48+s4+$0x0], $0xffff;
	v0 =	vmul.f32 v1, v0  }
0x146: {  	v6 =	vld.idx.msk [tilespmem:v6+s4+$0x0], $0xffff  }
0x147: {  	[tilespmem:$0x1FFA0] =	vst v0;
	v0 =	vld [tilespmem:$0x1FCF0];
	_ =	sdelay $0x3  }
0x148: {  	[tilespmem:s0+$0x1BC00] =	vst v33  }
0x149: {  	v29 =	vmul.f32 v29, v0;
	v0 =	vld [tilespmem:$0x1FD00];
	_ =	sdelay $0x3  }
0x14a: {  	s17 =	sor.u32 $0x180, s18  }
0x14b: {  	[dreg:$0xa] =	wrdreg s17;
	v0 =	vmul.f32 v39, v0  }
0x14c: {  	v33 =	vld [tilespmem:s17+$0x19C00]  }
0x14d: {  	[tilespmem:$0x1FFC0] =	vst v0;
	v0 =	vld [tilespmem:$0x1FD10]  }
0x14e: {  	v38 =	vmax.f32 v9, $-5.000000000e-01  }
0x14f: {  	v34 =	vmin.f32 v38, $4.900000000e+01  }
0x150: {  	v34 =	vadd.f32 $1.258291200e+07, v34;
	_ =	sdelay $0x1  }
0x151: {  	v5 =	vadd.s32 v34, v0;
	v0 =	vld [tilespmem:$0x1FD20];
	_ =	sdelay $0x3  }
0x152: {  	[tilespmem:s31+$0x1BC00] =	vst v31  }
0x153: {  	v34 =	vadd.s32 v34, v0;
	v0 =	vld [tilespmem:$0x1FD30]  }
0x154: {  	v40 =	vmax.f32 v55, $-5.000000000e-01  }
0x155: {  	s18 =	sor.u32 $0x180, s23;
	v48 =	vmin.f32 v40, $4.900000000e+01;
	v8 =	vld [tilespmem:$0x1FD40]  }
0x156: {  	v2 =	vadd.f32 $1.258291200e+07, v48;
	s21 =	sor.u32 $0x180, s30;
	[dreg:$0x8] =	wrdreg s18;
	v20 =	vld [tilespmem:$0x1FD60]  }
0x157: {  	v58 =	vld [tilespmem:s18+$0x19C00];
	[dreg:$0x4] =	wrdreg s21  }
0x158: {  	s7 =	simm.s32 $0x400;
	s23 =	simm.s32 $0x120;
	s5 =	simm.s32 $0x100;
	v38 =	vadd.f32 $2.450000000e+01, v29;
	v3 =	vadd.s32 v2, v0;
	v0 =	vld [tilespmem:s21+$0x19C00]  }
0x159: {  	s2 =	sand.u32 $0x60, s23;
	s12 =	sand.u32 $0xE00, s7;
	v1 =	vmov v41;
	v40 =	vld [tilespmem:s5+$0x19400]  }
0x15a: {  	v37 =	vmov v1;
	s0 =	sor.u32 s12, s2;
	v1 =	vmax.f32 v38, $-5.000000000e-01;
	v16 =	vld [tilespmem:s5+$0x19420]  }
0x15b: {  	v60 =	vmin.f32 v1, $4.900000000e+01;
	v1 =	vld [tilespmem:s0+$0x19C00]  }
0x15c: {  	s24 =	simm.s32 $0xB4C10120;
	v8 =	vadd.s32 v2, v8;
	s21 =	simm.s32 $0x100;
	v2 =	vld [tilespmem:$0x1FD50]  }
0x15d: {  	v48 =	vadd.s32 s24, v41;
	s24 =	sand.u32 $0x40, s21;
	v29 =	vmul.f32 v0, v20;
	v0 =	vld [tilespmem:$0x1FD70]  }
0x15e: {  	v52 =	vmul.f32 v52, v25;
	v49 =	vmul.f32 v53, v49;
	v35 =	vmov v11;
	v11 =	vld [tilespmem:s5+$0x19410];
	s2 =	sor.u32 s24, s12  }
0x15f: {  	s23 =	simm.s32 $0x110;
	v45 =	vmul.f32 v45, v17;
	v17 =	vmov v10;
	v10 =	vmul.f32 v23, v63;
	s30 =	simm.s32 $0xB4C03960;
	v36 =	vld [tilespmem:s2+$0x19C00]  }
0x160: {  	v27 =	vmul.f32 v4, v27;
	v39 =	vadd.s32 s30, v15;
	s30 =	sand.u32 $0x50, s23;
	v53 =	vadd.f32 $1.258291200e+07, v60;
	v20 =	vld [tilespmem:$0x1FD80]  }
0x161: {  	v10 =	vadd.f32 v10, v46;
	s23 =	sor.u32 s12, s30;
	s18 =	simm.s32 $0xB4C03630;
	s21 =	simm.s32 $0x130;
	v33 =	vmul.f32 v33, v2;
	v2 =	vmul.f32 v58, v51;
	v51 =	vld [tilespmem:$0x1FDA0]  }
0x162: {  	v31 =	vadd.s32 s18, v15;
	v1 =	vmul.f32 v1, v16;
	s18 =	sand.u32 $0x70, s21;
	v63 =	vadd.s32 v53, v0;
	v0 =	vld [tilespmem:s23+$0x19C00]  }
0x163: {  	v52 =	vadd.f32 v52, v12;
	v59 =	vmul.f32 v50, v59;
	v12 =	vld [tilespmem:s5+$0x19430];
	s18 =	sor.u32 s12, s18  }
0x164: {  	v50 =	vld [tilespmem:s18+$0x19C00];
	[tilespmem:$0x1FEC0] =	vst v10;
	v10 =	vmul.f32 v62, v47;
	v47 =	vadd.f32 $2.450000000e+01, v1;
	v1 =	vadd.f32 v27, v44;
	_ =	sdelay $0x1  }
0x165: {  	v36 =	vmul.f32 v36, v40;
	[tilespmem:$0x1FEF0] =	vst v1;
	v1 =	vadd.s32 v56, v51  }
0x166: {  	v58 =	vadd.s32 v53, v20;
	v20 =	vld [tilespmem:$0x1FD90];
	v0 =	vmul.f32 v0, v11  }
0x167: {  	v6 =	vmul.f32 v7, v6;
	v7 =	vadd.f32 $2.450000000e+01, v36;
	v46 =	vmax.f32 v47, $-5.000000000e-01;
	v5 =	vld.idx.msk [tilespmem:v5+s4+$0x0], $0xffff  }
0x168: {  	v36 =	vadd.s32 v61, v24;
	v27 =	vld.idx.msk [tilespmem:v3+s4+$0x0], $0xffff;
	v56 =	vadd.f32 $2.450000000e+01, v0;
	v0 =	vmin.f32 v46, $4.900000000e+01  }
0x169: {  	s22 =	simm.s32 $0xB4C10440;
	v49 =	vadd.f32 v49, v57;
	v34 =	vld.idx.msk [tilespmem:v34+s4+$0x0], $0xffff;
	v0 =	vadd.f32 $1.258291200e+07, v0  }
0x16a: {  	v32 =	vadd.s32 s22, v41;
	v62 =	vmul.f32 v50, v12;
	v3 =	vadd.f32 $2.450000000e+01, v33;
	v1 =	vld.idx.msk [tilespmem:v1+s4+$0x0], $0xffff  }
0x16b: {  	s24 =	simm.s32 $0xB4C0FE00;
	v8 =	vld.idx.msk [tilespmem:v8+s4+$0x0], $0xffff;
	v53 =	vmul.f32 v49, v20;
	v49 =	vadd.f32 v59, v43;
	v59 =	vadd.s32 v0, v32  }
0x16c: {  	v43 =	vld.idx.msk [tilespmem:v63+s4+$0x0], $0xffff;
	[dreg:$0x19] =	wrdreg s24  }
0x16d: {  	v25 =	vmov v14;
	v57 =	vadd.f32 $2.450000000e+01, v62;
	v14 =	vmax.f32 v3, $-5.000000000e-01;
	v33 =	vld.idx.msk [tilespmem:v36+s4+$0x0], $0xffff;
	[tilespmem:$0x1FDC0] =	vst v3  }
0x16e: {  	v20 =	vadd.f32 $2.450000000e+01, v2;
	v2 =	vmin.f32 v14, $4.900000000e+01;
	v58 =	vld.idx.msk [tilespmem:v58+s4+$0x0], $0xffff  }
0x16f: {  	v63 =	vmax.f32 v57, $-5.000000000e-01;
	v6 =	vadd.f32 v6, v1;
	v1 =	vadd.f32 $1.258291200e+07, v2;
	v2 =	vld [tilespmem:s0+$0x19C80]  }
0x170: {  	v23 =	vadd.f32 $2.450000000e+01, v29;
	v46 =	vmin.f32 v63, $4.900000000e+01;
	v62 =	vmax.f32 v56, $-5.000000000e-01;
	v29 =	vld.idx.msk [tilespmem:v59+s4+$0x0], $0xffff  }
0x171: {  	v44 =	vmin.f32 v62, $4.900000000e+01;
	v62 =	vadd.f32 $1.258291200e+07, v46;
	v46 =	vmax.f32 v20, $-5.000000000e-01;
	[tilespmem:$0x1FDD0] =	vst v20;
	v20 =	vld [tilespmem:$0x1FDE0];
	_ =	sdelay $0x2  }
0x172: {  	v61 =	vmax.f32 v7, $-5.000000000e-01  }
0x173: {  	s22 =	simm.s32 $0xB4C03C90;
	v60 =	vadd.f32 v45, v42;
	v42 =	vmin.f32 v61, $4.900000000e+01  }
0x174: {  	v28 =	vadd.s32 s22, v15;
	s22 =	simm.s32 $0xB4C0FE00;
	v50 =	vadd.f32 $1.258291200e+07, v42;
	v45 =	vadd.s32 v1, v20;
	v20 =	vld [tilespmem:$0x1FDF0]  }
0x175: {  	v42 =	vadd.s32 s22, v37;
	v4 =	vadd.s32 v0, v39;
	v61 =	vadd.f32 $1.258291200e+07, v44  }
0x176: {  	v37 =	vadd.s32 v50, v42;
	v59 =	vmin.f32 v46, $4.900000000e+01;
	v46 =	vld [tilespmem:$0x1FE00]  }
0x177: {  	v0 =	vadd.s32 v61, v48  }
0x178: {  	s17 =	simm.s32 $0xB4C10760  }
0x179: {  	v41 =	vadd.s32 s17, v41;
	v1 =	vadd.s32 v1, v20  }
0x17a: {  	v3 =	vadd.s32 v62, v41;
	v4 =	vld.idx.msk [tilespmem:v4+s4+$0x0], $0xffff;
	[tilespmem:$0x1FF60] =	vst v1  }
0x17b: {  	v6 =	vmul.f32 v6, v46;
	v63 =	vld.idx.msk [tilespmem:v37+s4+$0x0], $0xffff  }
0x17c: {  	v5 =	vmul.f32 v9, v5;
	v9 =	vld.idx.msk [tilespmem:v0+s4+$0x0], $0xffff;
	[tilespmem:$0x1FE10] =	vst v23  }
0x17d: {  	v36 =	vld [tilespmem:$0x1FDB0];
	[tilespmem:s16+$0x1BC00] =	vst v6  }
0x17e: {  	v1 =	vld [tilespmem:$0x1FE20]  }
0x17f: {  	v37 =	vadd.f32 v10, v33;
	v33 =	vmul.f32 v2, v16;
	v2 =	vld.idx.msk [tilespmem:v3+s4+$0x0], $0xffff  }
0x180: {  	v3 =	vld [tilespmem:$0x1FE40]  }
0x181: {  	v59 =	vadd.f32 $1.258291200e+07, v59;
	v0 =	vmax.f32 v23, $-5.000000000e-01  }
0x182: {  	v0 =	vmin.f32 v0, $4.900000000e+01  }
0x183: {  	v0 =	vadd.f32 $1.258291200e+07, v0;
	v6 =	vadd.s32 v59, v1;
	v1 =	vld [tilespmem:$0x1FE30]  }
0x184: {  	s22 =	simm.s32 $0xB4C03300  }
0x185: {  	v14 =	vadd.s32 s22, v15;
	v23 =	vadd.s32 v0, v3;
	v3 =	vld [tilespmem:$0x1FE50]  }
0x186: {  	v15 =	vadd.s32 v50, v14;
	_ =	sdelay $0x1  }
0x187: {  	v1 =	vadd.s32 v59, v1  }
0x188: {  	v38 =	vmul.f32 v38, v43;
	s16 =	sor.u32 $0x180, s14;
	[tilespmem:$0x1FF90] =	vst v1  }
0x189: {  	v27 =	vmul.f32 v55, v27;
	v0 =	vadd.s32 v0, v3;
	v50 =	vld [tilespmem:s16+$0x19C00]  }
0x18a: {  	v1 =	vld.idx.msk [tilespmem:v15+s4+$0x0], $0xffff;
	[tilespmem:$0x1FE60] =	vst v0;
	v0 =	vadd.f32 v38, v58  }
0x18b: {  	v59 =	vadd.f32 v27, v8;
	v27 =	vld [tilespmem:s2+$0x19C80]  }
0x18c: {  	[tilespmem:$0x1FE70] =	vst v0;
	v0 =	vld [tilespmem:$0x1FE80];
	_ =	sdelay $0x2  }
0x18d: {  	v5 =	vadd.f32 v5, v34;
	v34 =	vadd.f32 $2.450000000e+01, v33;
	_ =	sdelay $0x1  }
0x18e: {  	v33 =	vmax.f32 v34, $-5.000000000e-01;
	v15 =	vmul.f32 v5, v0;
	v0 =	vld [tilespmem:$0x1FE90]  }
0x18f: {  	v33 =	vmin.f32 v33, $4.900000000e+01;
	v43 =	vld [tilespmem:s5+$0x19820]  }
0x190: {  	v29 =	vmul.f32 v47, v29;
	v47 =	vadd.s32 v61, v31;
	v61 =	vadd.f32 $1.258291200e+07, v33;
	v33 =	vld [tilespmem:s5+$0x19800]  }
0x191: {  	v44 =	vmov v39;
	v39 =	vld [tilespmem:s5+$0x19810]  }
0x192: {  	v10 =	vld [tilespmem:s5+$0x19830]  }
0x193: {  	v4 =	vadd.f32 v29, v4;
	v52 =	vmul.f32 v52, v0;
	v0 =	vld [tilespmem:$0x1FEC0]  }
0x194: {  	v55 =	vmul.f32 v50, v54;
	v50 =	vld [tilespmem:s18+$0x19C80]  }
0x195: {  	v7 =	vmul.f32 v7, v63;
	v5 =	vld [tilespmem:s23+$0x19C80];
	[tilespmem:$0x1FEA0] =	vst v22;
	v4 =	vmul.f32 v4, v43  }
0x196: {  	v8 =	vmul.f32 v57, v2;
	v57 =	vld.idx.msk [tilespmem:v47+s4+$0x0], $0xffff;
	[tilespmem:$0x1FEB0] =	vst v13  }
0x197: {  	v29 =	vmul.f32 v56, v9;
	v56 =	vadd.s32 v61, v32;
	v2 =	vadd.f32 v7, v1;
	[tilespmem:s0+$0x1BC00] =	vst v4  }
0x198: {  	v7 =	vmul.f32 v60, v22;
	v60 =	vadd.s32 v61, v44;
	v61 =	vmul.f32 v0, v13;
	v0 =	vld [tilespmem:$0x1FED0]  }
0x199: {  	v58 =	vadd.s32 v62, v28;
	_ =	sdelay $0x1  }
0x19a: {  	[tilespmem:s6+$0x1BC80] =	vst v52  }
0x19b: {  	p1 =	por !p1, !p1;
	s5 =	simm.s32 $0x1;
	v27 =	vmul.f32 v27, v40;
	v1 =	vld [tilespmem:$0x1FEF0]  }
0x19c: {  	s5 =	simm.s32 @!p1 $0x0;
	v4 =	vmul.f32 v49, v0;
	v0 =	vld [tilespmem:$0x1FEE0]  }
0x19d: {  	s5 =	sshll.u32 s5, $0x6;
	v3 =	vadd.f32 $2.450000000e+01, v27;
	v27 =	vld.idx.msk [tilespmem:v58+s4+$0x0], $0xffff  }
0x19e: {  	s5 =	sadd.s32 $0x300, s5;
	v47 =	vld.idx.msk [tilespmem:v6+s4+$0x0], $0xffff  }
0x19f: {  	s30 =	simm.s32 $0xC;
	v55 =	vadd.f32 $2.450000000e+01, v55;
	s14 =	sor.u32 $0x100, s5;
	v56 =	vld.idx.msk [tilespmem:v56+s4+$0x0], $0xffff  }
0x1a0: {  	s12 =	sand.u32 $0x7, s30;
	v63 =	vmul.f32 v50, v12;
	v50 =	vld [tilespmem:s14+$0x19C00];
	[tilespmem:s8+$0x1BC80] =	vst v7  }
0x1a1: {  	s12 =	sshll.u32 s12, $0x4;
	v38 =	vmovc v31;
	v31 =	vmovc v12;
	v12 =	vmax.f32 v55, $-5.000000000e-01;
	v13 =	vmax.f32 v3, $-5.000000000e-01;
	v6 =	vmul.f32 v1, v0;
	v0 =	vld [tilespmem:$0x1FF00];
	[tilespmem:s3+$0x1BC80] =	vst v61  }
0x1a2: {  	s12 =	sadd.s32 $0x300, s12;
	v58 =	vmin.f32 v13, $4.900000000e+01;
	v49 =	vld.idx.msk [tilespmem:v45+s4+$0x0], $0xffff;
	v45 =	vmin.f32 v12, $4.900000000e+01;
	[tilespmem:s11+$0x1BC00] =	vst v4  }
0x1a3: {  	s30 =	sadd.s32 $0x10, s12;
	v52 =	vadd.f32 $1.258291200e+07, v58;
	v58 =	vld.idx.msk [tilespmem:v60+s4+$0x0], $0xffff;
	v45 =	vadd.f32 $1.258291200e+07, v45;
	[tilespmem:s29+$0x1BC00] =	vst v6  }
0x1a4: {  	s17 =	sadd.s32 $0x30, s12;
	s12 =	sor.u32 $0x100, s30;
	v5 =	vmul.f32 v5, v11;
	v9 =	vld [tilespmem:$0x1FF10]  }
0x1a5: {  	s10 =	sor.u32 $0x180, s9;
	s24 =	sor.u32 $0x100, s17;
	v2 =	vmul.f32 v2, v33;
	v61 =	vld [tilespmem:s12+$0x19C00];
	v4 =	vadd.s32 v45, v51;
	v6 =	vadd.f32 v29, v57  }
0x1a6: {  	v5 =	vadd.f32 $2.450000000e+01, v5;
	v8 =	vadd.f32 v8, v27;
	v60 =	vadd.s32 v45, v0;
	v45 =	vld [tilespmem:s24+$0x19C00];
	[dreg:$0xc] =	wrdreg s10  }
0x1a7: {  	v54 =	vmovc v40;
	v40 =	vmov v11;
	v11 =	vadd.f32 $2.450000000e+01, v63;
	s11 =	sor.u32 $0x180, s20;
	v6 =	vmul.f32 v6, v39;
	[tilespmem:s2+$0x1BC00] =	vst v2  }
0x1a8: {  	v20 =	vmovc v32;
	v32 =	vmax.f32 v5, $-5.000000000e-01;
	v8 =	vmul.f32 v8, v10;
	v29 =	vmul.f32 v34, v56;
	v34 =	vld [tilespmem:s10+$0x19C00];
	[dreg:$0xd] =	wrdreg s11  }
0x1a9: {  	v7 =	vmin.f32 v32, $4.900000000e+01;
	v0 =	vmax.f32 v11, $-5.000000000e-01;
	v12 =	vmul.f32 v59, v9;
	v9 =	vld [tilespmem:$0x1FF20];
	[tilespmem:s23+$0x1BC00] =	vst v6  }
0x1aa: {  	v7 =	vadd.f32 $1.258291200e+07, v7;
	v1 =	vadd.s32 v52, v42;
	v0 =	vmin.f32 v0, $4.900000000e+01;
	v63 =	vld.idx.msk [tilespmem:v4+s4+$0x0], $0xffff;
	[tilespmem:s18+$0x1BC00] =	vst v8  }
0x1ab: {  	v0 =	vadd.f32 $1.258291200e+07, v0;
	v4 =	vld [tilespmem:$0x1FF30]  }
0x1ac: {  	v56 =	vadd.s32 v7, v48;
	v7 =	vadd.s32 v7, v38  }
0x1ad: {  	v2 =	vld [tilespmem:s11+$0x19C00];
	v57 =	vadd.s32 v0, v41  }
0x1ae: {  	v52 =	vadd.s32 v52, v14;
	v29 =	vadd.f32 v29, v58;
	v58 =	vld.idx.msk [tilespmem:v60+s4+$0x0], $0xffff  }
0x1af: {  	v1 =	vld.idx.msk [tilespmem:v1+s4+$0x0], $0xffff  }
0x1b0: {  	v13 =	vmul.f32 v37, v9;
	v37 =	vmov v10;
	v10 =	vmul.f32 v34, v4;
	v4 =	vld [tilespmem:$0x1FF40]  }
0x1b1: {  	v7 =	vld.idx.msk [tilespmem:v7+s4+$0x0], $0xffff  }
0x1b2: {  	v60 =	vld.idx.msk [tilespmem:v57+s4+$0x0], $0xffff  }
0x1b3: {  	s9 =	sor.u32 $0x180, s19;
	[tilespmem:s28+$0x1BC00] =	vst v13;
	v55 =	vmul.f32 v55, v58;
	v58 =	vld.idx.msk [tilespmem:v52+s4+$0x0], $0xffff  }
0x1b4: {  	s29 =	sor.u32 $0x180, s30;
	v29 =	vmul.f32 v29, v43;
	v34 =	vld [tilespmem:s9+$0x19C00]  }
0x1b5: {  	v27 =	vmul.f32 v50, v36;
	v50 =	vmov v14;
	v14 =	vmul.f32 v45, v4;
	v45 =	vld.idx.msk [tilespmem:v56+s4+$0x0], $0xffff;
	[dreg:$0xe] =	wrdreg s29  }
0x1b6: {  	v51 =	vmov v4;
	v4 =	vld [tilespmem:$0x1FF50];
	[tilespmem:s0+$0x1BC80] =	vst v29  }
0x1b7: {  	v59 =	vadd.s32 v0, v28;
	v0 =	vld [tilespmem:$0x1FF60]  }
0x1b8: {  	v1 =	vmul.f32 v3, v1;
	v3 =	vld [tilespmem:$0x1FF80];
	_ =	sdelay $0x1  }
0x1b9: {  	v6 =	vmul.f32 v61, v25;
	_ =	sdelay $0x1  }
0x1ba: {  	v62 =	vadd.f32 $2.450000000e+01, v6  }
0x1bb: {  	v34 =	vmul.f32 v34, v3;
	v3 =	vld [tilespmem:$0x1FF90]  }
0x1bc: {  	v57 =	vmax.f32 v62, $-5.000000000e-01  }
0x1bd: {  	v27 =	vadd.f32 $2.450000000e+01, v27;
	v13 =	vmin.f32 v57, $4.900000000e+01;
	v57 =	vld.idx.msk [tilespmem:v0+s4+$0x0], $0xffff  }
0x1be: {  	v0 =	vld [tilespmem:$0x1FF70]  }
0x1bf: {  	s8 =	simm.s32 $0x8;
	v6 =	vmax.f32 v27, $-5.000000000e-01;
	v61 =	vadd.f32 $2.450000000e+01, v14  }
0x1c0: {  	s20 =	sand.u32 $0x3, s8;
	v6 =	vmin.f32 v6, $4.900000000e+01  }
0x1c1: {  	s3 =	sshll.u32 s20, $0x5;
	v6 =	vadd.f32 $1.258291200e+07, v6;
	v14 =	vmax.f32 v61, $-5.000000000e-01  }
0x1c2: {  	s3 =	sadd.s32 $0x400, s3;
	v52 =	vld.idx.msk [tilespmem:v23+s4+$0x0], $0xffff;
	v56 =	vmin.f32 v14, $4.900000000e+01  }
0x1c3: {  	v8 =	vadd.f32 $1.258291200e+07, v13;
	s0 =	sadd.s32 $0x20, s3;
	v23 =	vmovc v0;
	v13 =	vadd.s32 v6, v0;
	v0 =	vadd.f32 $1.258291200e+07, v56;
	v56 =	vld.idx.msk [tilespmem:v3+s4+$0x0], $0xffff  }
0x1c4: {  	s19 =	sor.u32 $0x100, s0;
	v3 =	vld [tilespmem:$0x1FFA0]  }
0x1c5: {  	v9 =	vmul.f32 v2, v4;
	v2 =	vadd.s32 v6, v26;
	v6 =	vadd.f32 v1, v58;
	v1 =	vld [tilespmem:s19+$0x19C00];
	_ =	sdelay $0x3  }
0x1c6: {  	[tilespmem:s1+$0x1BC00] =	vst v3  }
0x1c7: {  	[tilespmem:$0x1FFD0] =	vst v1;
	v1 =	vld [tilespmem:$0x1FFB0];
	_ =	sdelay $0x4  }
0x1c8: {  	v32 =	vmov v28;
	v28 =	vmov v1;
	v14 =	vadd.s32 v0, v1;
	v1 =	vld [tilespmem:$0x1FFC0];
	_ =	sdelay $0x2  }
0x1c9: {  	s20 =	simm.s32 $0x10  }
0x1ca: {  	s30 =	sand.u32 $0x7, s20  }
0x1cb: {  	s6 =	sshll.u32 s30, $0x4;
	s10 =	sor.u32 $0x180, s17;
	[tilespmem:s15+$0x1BC00] =	vst v1  }
0x1cc: {  	s1 =	sadd.s32 $0x400, s6;
	[dreg:$0x14] =	wrdreg s10  }
0x1cd: {  	v55 =	vadd.f32 v55, v63;
	s17 =	sadd.s32 $0x10, s1;
	[tilespmem:s13+$0x1BC00] =	vst v53  }
0x1ce: {  	v63 =	vmul.f32 v11, v60;
	s29 =	sor.u32 $0x180, s17;
	v60 =	vld.idx.msk [tilespmem:v59+s4+$0x0], $0xffff;
	[tilespmem:s25+$0x1BC00] =	vst v15  }
0x1cf: {  	v3 =	vmul.f32 v55, v46;
	v55 =	vld.idx.msk [tilespmem:v2+s4+$0x0], $0xffff;
	[dreg:$0xf] =	wrdreg s29  }
0x1d0: {  	[tilespmem:s26+$0x1BC00] =	vst v12  }
0x1d1: {  	v5 =	vmul.f32 v5, v45;
	v4 =	vadd.s32 v8, v35;
	[tilespmem:s16+$0x1BC00] =	vst v3  }
0x1d2: {  	p1 =	por !p1, !p1;
	s28 =	simm.s32 $0x1;
	v3 =	vld [tilespmem:$0x1FFD0]  }
0x1d3: {  	s11 =	sor.u32 $0x180, s5;
	s28 =	simm.s32 @!p1 $0x0;
	v29 =	vadd.f32 $2.450000000e+01, v10;
	v7 =	vadd.f32 v5, v7;
	s30 =	sld [smem:$0x7F4]  }
0x1d4: {  	p1 =	por !p1, !p1;
	v45 =	vadd.f32 $2.450000000e+01, v9;
	v34 =	vadd.f32 $2.450000000e+01, v34;
	s1 =	sadd.s32 $0x30, s1;
	s15 =	sshll.u32 s28, $0x6  }
0x1d5: {  	v5 =	vmax.f32 v29, $-5.000000000e-01;
	v58 =	vadd.s32 v0, v18;
	s31 =	sor.u32 $0x100, s17;
	s6 =	sor.u32 $0x180, s1;
	s5 =	sadd.s32 $0x400, s15;
	v59 =	vadd.s32 v8, v17;
	v0 =	vld.idx.msk [tilespmem:v13+s4+$0x0], $0xffff  }
0x1d6: {  	v5 =	vmin.f32 v5, $4.900000000e+01;
	v1 =	vmax.f32 v34, $-5.000000000e-01;
	s28 =	sor.u32 $0x100, s5;
	s13 =	sor.u32 $0x100, s1;
	v2 =	vld.idx.msk [tilespmem:v4+s4+$0x0], $0xffff;
	v4 =	vmax.f32 v45, $-5.000000000e-01;
	s1 =	sshll.u32 s30, $0xE  }
0x1d7: {  	v22 =	vmovc v16;
	v1 =	vmin.f32 v1, $4.900000000e+01;
	s25 =	sor.u32 $0x180, s5;
	v4 =	vmin.f32 v4, $4.900000000e+01;
	v8 =	vmul.f32 v3, v16;
	v3 =	vld.idx.msk [tilespmem:v14+s4+$0x0], $0xffff;
	[smem:$0x7F5] =	sst s1;
	s1 =	simm.s32 $0x10  }
.LBB2_3:
0x1d8: {  	v10 =	vadd.f32 $1.258291200e+07, v4  }
0x1d9: {  	v7 =	vmul.f32 v7, v39;
	v4 =	vadd.f32 $2.450000000e+01, v8;
	v8 =	vadd.f32 v63, v60  }
0x1da: {  	v9 =	vld.idx.msk [tilespmem:v59+s4+$0x0], $0xffff  }
0x1db: {  	[tilespmem:s23+$0x1BC80] =	vst v7;
	v7 =	vmul.f32 v8, v37;
	v8 =	vld [tilespmem:$0x1FC20];
	_ =	sdelay $0x3  }
0x1dc: {  	v6 =	vmul.f32 v6, v33  }
0x1dd: {  	v60 =	vadd.s32 v10, v8;
	v8 =	vmov v26;
	v26 =	vmov v42;
	v42 =	vld [tilespmem:$0x1FE90]  }
0x1de: {  	[tilespmem:s2+$0x1BC80] =	vst v6;
	v6 =	vmul.f32 v27, v55  }
0x1df: {  	v27 =	vadd.f32 $1.258291200e+07, v1;
	v1 =	vld [tilespmem:$0x1FE60]  }
0x1e0: {  	v12 =	vmax.f32 v4, $-5.000000000e-01;
	v0 =	vadd.f32 v6, v0  }
0x1e1: {  	[tilespmem:$0x1FB90] =	vst v8;
	v8 =	vmin.f32 v12, $4.900000000e+01  }
0x1e2: {  	v6 =	vadd.f32 $1.258291200e+07, v8;
	v8 =	vmul.f32 v0, v42;
	v0 =	vld [tilespmem:$0x1FC00];
	_ =	sdelay $0x2  }
0x1e3: {  	v5 =	vadd.f32 $1.258291200e+07, v5  }
0x1e4: {  	[tilespmem:$0x1FDB0] =	vst v36;
	v36 =	vld.idx.msk [tilespmem:v58+s4+$0x0], $0xffff  }
0x1e5: {  	v2 =	vmul.f32 v62, v2;
	v11 =	vld.idx.msk [tilespmem:v1+s4+$0x0], $0xffff;
	[tilespmem:s18+$0x1BC80] =	vst v7;
	v62 =	vadd.s32 v5, v0;
	v0 =	vmov v28  }
0x1e6: {  	v7 =	vld [tilespmem:$0x1FC50];
	[tilespmem:$0x1FC50] =	vst v0;
	v0 =	vadd.s32 v27, v24  }
0x1e7: {  	[tilespmem:$0x1FE60] =	vst v0;
	v0 =	vld [tilespmem:$0x1FDC0];
	_ =	sdelay $0x2  }
0x1e8: {  	[tilespmem:$0x1FF40] =	vst v51;
	v51 =	vmov v41;
	v41 =	vld [tilespmem:$0x1FEA0]  }
0x1e9: {  	s20 =	sadd.s32 $0x4, s20;
	s21 =	sadd.s32 $0x40, s21;
	s7 =	sadd.s32 $0x100, s7;
	v14 =	vld [tilespmem:$0x1FEB0]  }
0x1ea: {  	s16 =	sand.u32 $0x7, s20;
	s17 =	sshra.s32 s7, $0x2;
	s3 =	sand.u32 $0xE00, s7;
	v46 =	vld [tilespmem:s28+$0x19C00];
	v13 =	vmul.f32 v0, v49;
	v0 =	vmov v17  }
0x1eb: {  	s10 =	sadd.s32 $0xFFFFFFD0, s21;
	s15 =	sadd.s32 $0xFFFFFFE0, s21;
	s4 =	sadd.s32 $0xFFFFFFF0, s21;
	[tilespmem:$0x1FB80] =	vst v0;
	v0 =	vld [tilespmem:$0x1FDD0]  }
0x1ec: {  	s30 =	sshll.u32 s16, $0x4;
	s23 =	sand.u32 $0x40, s10;
	v55 =	vld [tilespmem:s17+$0x19400];
	v2 =	vadd.f32 v2, v9;
	s2 =	sand.u32 $0x60, s4  }
0x1ed: {  	s15 =	sand.u32 $0x50, s15;
	v58 =	vld [tilespmem:s17+$0x19410];
	s16 =	sor.u32 s3, s2;
	s2 =	sor.u32 s23, s3  }
0x1ee: {  	v2 =	vmul.f32 v2, v41;
	s23 =	sor.u32 s3, s15;
	v9 =	vld [tilespmem:s2+$0x19C00]  }
0x1ef: {  	[tilespmem:s14+$0x1BC00] =	vst v8;
	v8 =	vld [tilespmem:s23+$0x19C00]  }
0x1f0: {  	v59 =	vadd.s32 v5, v21;
	[tilespmem:s12+$0x1BC00] =	vst v2;
	v2 =	vmul.f32 v0, v47;
	v0 =	vld [tilespmem:$0x1FE10]  }
0x1f1: {  	s5 =	simm.s32 $0x1;
	v1 =	vmovc v35;
	v35 =	vadd.s32 v10, v30;
	v10 =	vmul.f32 v46, v54;
	v46 =	vld [tilespmem:$0x1FF20];
	v5 =	vadd.s32 v6, v20  }
0x1f2: {  	s5 =	simm.s32 @!p1 $0x0;
	v3 =	vmul.f32 v61, v3;
	[tilespmem:$0x1FC20] =	vst v1;
	v1 =	vld [tilespmem:s17+$0x19420];
	v6 =	vadd.s32 v6, v44  }
0x1f3: {  	[dreg:$0x18] =	wrdreg s7;
	s26 =	sand.u32 $0x70, s21;
	s5 =	sshll.u32 s5, $0x6;
	v63 =	vld [tilespmem:s17+$0x19430];
	v61 =	vadd.s32 v27, v7;
	v7 =	vmov v48  }
0x1f4: {  	s29 =	sadd.s32 s30, s7;
	v3 =	vadd.f32 v3, v36;
	s18 =	sor.u32 s3, s26;
	s3 =	sadd.s32 s5, s7;
	[tilespmem:$0x1FB70] =	vst v7;
	v7 =	vld [tilespmem:s16+$0x19C00]  }
0x1f5: {  	s7 =	smov.u32 s8;
	s8 =	smov.u32 s28;
	s28 =	simm.s32 $0x0;
	v27 =	vadd.f32 $2.450000000e+01, v10;
	v10 =	vmul.f32 v0, v52;
	v0 =	vld [tilespmem:$0x1FE70]  }
0x1f6: {  	v3 =	vmul.f32 v3, v14;
	v5 =	vld.idx.msk [tilespmem:v5+s28+$0x0], $0xffff  }
0x1f7: {  	s10 =	sadd.s32 $0x10, s29;
	s26 =	sadd.s32 $0x30, s29;
	v6 =	vld.idx.msk [tilespmem:v6+s28+$0x0], $0xffff  }
0x1f8: {  	s29 =	sor.u32 $0x100, s10;
	s5 =	sor.u32 $0x180, s10;
	s10 =	smov.u32 s0;
	v17 =	vld [tilespmem:s18+$0x19C00]  }
0x1f9: {  	s0 =	smov.u32 s29;
	s29 =	rddreg [dreg:$0x6];
	s30 =	sor.u32 $0x100, s3;
	v12 =	vmax.f32 v27, $-5.000000000e-01;
	v47 =	vld [tilespmem:$0x1FED0]  }
0x1fa: {  	[dreg:$0x1b] =	wrdreg s30;
	[tilespmem:s24+$0x1BC00] =	vst v3;
	v3 =	vmovc v14;
	v19 =	vmul.f32 v0, v19;
	v0 =	vadd.f32 v10, v11;
	v10 =	vld [tilespmem:$0x1FCC0];
	v11 =	vmin.f32 v12, $4.900000000e+01  }
0x1fb: {  	s4 =	smov.u32 s31;
	s30 =	sor.u32 $0x180, s3;
	s12 =	rddreg [dreg:$0x4];
	[tilespmem:$0x1FF20] =	vst v3;
	v5 =	vmul.f32 v4, v5;
	v3 =	vadd.f32 $1.258291200e+07, v11;
	v11 =	vld [tilespmem:$0x1FCA0]  }
0x1fc: {  	v53 =	vmov v43;
	v43 =	vmov v38;
	v38 =	vld [tilespmem:$0x1FEE0];
	s3 =	sor.u32 $0x180, s26;
	s14 =	sor.u32 $0x100, s26;
	s26 =	rddreg [dreg:$0x14];
	v9 =	vmul.f32 v9, v55  }
0x1fd: {  	s31 =	smov.u32 s14;
	s14 =	smov.u32 s9;
	s9 =	rddreg [dreg:$0xa];
	v24 =	vmovc v18;
	v18 =	vld [tilespmem:$0x1FFE0];
	v7 =	vmul.f32 v7, v1;
	v5 =	vadd.f32 v5, v6;
	v6 =	vmov v45  }
0x1fe: {  	[dreg:$0x4] =	wrdreg s14;
	v13 =	vadd.f32 v13, v57;
	[tilespmem:$0x1FDD0] =	vst v6;
	v2 =	vadd.f32 v2, v56;
	v56 =	vld [tilespmem:$0x1FCB0];
	v48 =	vmov v47  }
0x1ff: {  	s14 =	smov.u32 s25;
	s25 =	smov.u32 s3;
	s3 =	rddreg [dreg:$0x19];
	v7 =	vadd.f32 $2.450000000e+01, v7;
	v12 =	vld [tilespmem:$0x1FFF0];
	[tilespmem:$0x1FCA0] =	vst v48  }
0x200: {  	s24 =	smov.u32 s13;
	s13 =	smov.u32 s12;
	s12 =	rddreg [dreg:$0xc];
	v47 =	vadd.f32 $2.450000000e+01, v9;
	v9 =	vld [tilespmem:s23+$0x19C80];
	[tilespmem:$0x1FE70] =	vst v0;
	v0 =	vmov v10;
	v14 =	vmul.f32 v13, v11  }
0x201: {  	s22 =	sadd.s32 $0xCC0, s22;
	v49 =	vmax.f32 v7, $-5.000000000e-01;
	[dreg:$0x6] =	wrdreg s13;
	[tilespmem:s29+$0x1BC00] =	vst v19;
	v10 =	vld [tilespmem:s2+$0x19C80]  }
0x202: {  	v15 =	vmov v37;
	v8 =	vmul.f32 v8, v58;
	s13 =	smov.u32 s26;
	s29 =	smov.u32 s6;
	s6 =	sadd.s32 $0xC80, s3;
	v13 =	vmin.f32 v49, $4.900000000e+01;
	v49 =	vld [tilespmem:s18+$0x19C80];
	[tilespmem:s9+$0x1BC00] =	vst v14  }
0x203: {  	v37 =	vadd.s32 s22, v18;
	v57 =	vmul.f32 v2, v56;
	v2 =	vmovc v15;
	[dreg:$0x14] =	wrdreg s29;
	s29 =	sadd.s32 $0x640, s6;
	[tilespmem:$0x1FBA0] =	vst v0;
	v48 =	vadd.f32 $1.258291200e+07, v13;
	v0 =	vmovc v46;
	s9 =	smov.u32 s11;
	v46 =	vld [tilespmem:s17+$0x19800]  }
0x204: {  	v5 =	vmul.f32 v5, v53;
	v52 =	vadd.f32 $2.450000000e+01, v8;
	[tilespmem:$0x1FEB0] =	vst v2;
	v2 =	vadd.s32 s29, v12;
	v11 =	vmovc v41;
	[dreg:$0xc] =	wrdreg s9;
	v13 =	vld [tilespmem:s9+$0x19C00];
	s9 =	smov.u32 s13  }
0x205: {  	v30 =	vmovc v32;
	s26 =	smov.u32 s12;
	v8 =	vmul.f32 v17, v63;
	[dreg:$0x19] =	wrdreg s6;
	[tilespmem:$0x1FEE0] =	vst v11;
	v11 =	vmax.f32 v47, $-5.000000000e-01;
	v56 =	vadd.s32 v48, v2;
	v19 =	vld [tilespmem:s9+$0x19C00]  }
0x206: {  	v16 =	vmovc v42;
	v32 =	vmax.f32 v52, $-5.000000000e-01;
	s3 =	sadd.s32 $0x320, s6;
	s15 =	sadd.s32 $0x960, s6;
	v42 =	vadd.s32 s6, v12;
	s6 =	rddreg [dreg:$0x8];
	v11 =	vmin.f32 v11, $4.900000000e+01;
	[tilespmem:$0x1FCC0] =	vst v0;
	v0 =	vmovc v33;
	v33 =	vld [tilespmem:s17+$0x19810]  }
0x207: {  	[dreg:$0xa] =	wrdreg s26;
	v8 =	vadd.f32 $2.450000000e+01, v8;
	v6 =	vmin.f32 v32, $4.900000000e+01;
	v11 =	vadd.f32 $1.258291200e+07, v11;
	[tilespmem:s6+$0x1BC00] =	vst v57;
	s6 =	sadd.s32 $0x660, s22;
	v57 =	vld [tilespmem:s16+$0x19C80]  }
0x208: {  	v36 =	vmovc v50;
	v50 =	vmovc v29;
	v6 =	vadd.f32 $1.258291200e+07, v6;
	s11 =	rddreg [dreg:$0xd];
	v49 =	vmul.f32 v49, v63;
	v4 =	vadd.s32 s6, v18;
	v45 =	vld [tilespmem:s4+$0x19C00]  }
0x209: {  	s29 =	rddreg [dreg:$0xe];
	v41 =	vmax.f32 v8, $-5.000000000e-01;
	s12 =	smov.u32 s11;
	v14 =	vadd.s32 v11, v42;
	[tilespmem:$0x1FE90] =	vst v0;
	v29 =	vadd.s32 v48, v4;
	v48 =	vmovc v34;
	v34 =	vld [tilespmem:s24+$0x19C00]  }
0x20a: {  	s26 =	sadd.s32 $0x330, s22;
	[dreg:$0x8] =	wrdreg s12;
	s12 =	smov.u32 s29;
	v11 =	vadd.s32 v11, v37;
	v21 =	vadd.f32 $2.450000000e+01, v49;
	v0 =	vmovc v38;
	v38 =	vmin.f32 v41, $4.900000000e+01;
	[tilespmem:$0x1FE10] =	vst v48;
	v56 =	vld.idx.msk [tilespmem:v56+s28+$0x0], $0xffff  }
0x20b: {  	[dreg:$0xd] =	wrdreg s12;
	v48 =	vadd.s32 s3, v12;
	v41 =	vadd.s32 s15, v12;
	[tilespmem:s19+$0x1BC00] =	vst v5;
	v5 =	vmul.f32 v10, v55;
	v12 =	vld [tilespmem:s12+$0x19C00];
	s12 =	smov.u32 s4;
	s4 =	simm.s32 $0x0  }
0x20c: {  	[tilespmem:$0x1FDC0] =	vst v50;
	s29 =	sadd.s32 $0x990, s22;
	v50 =	vadd.f32 $1.258291200e+07, v38;
	v38 =	vadd.s32 s26, v18;
	s26 =	sor.u32 $0x180, s10;
	v49 =	vld.idx.msk [tilespmem:v59+s4+$0x0], $0xffff;
	v57 =	vmul.f32 v57, v1  }
0x20d: {  	[tilespmem:$0x1FB60] =	vst v25;
	v15 =	vmov v23;
	v32 =	vadd.s32 s29, v18;
	v17 =	vld [tilespmem:s26+$0x19C00]  }
0x20e: {  	v25 =	vmovc v20;
	[tilespmem:$0x1FC00] =	vst v15;
	v15 =	vadd.s32 v6, v48;
	v20 =	vadd.f32 $2.450000000e+01, v5;
	v5 =	vld [tilespmem:s17+$0x19820];
	v18 =	vadd.f32 $2.450000000e+01, v57  }
0x20f: {  	v9 =	vmul.f32 v9, v58;
	[tilespmem:$0x1FCB0] =	vst v0;
	v6 =	vadd.s32 v6, v38;
	v0 =	vmov v39;
	v29 =	vld.idx.msk [tilespmem:v29+s28+$0x0], $0xffff  }
0x210: {  	[tilespmem:$0x1FED0] =	vst v16;
	v14 =	vld.idx.msk [tilespmem:v14+s4+$0x0], $0xffff;
	v16 =	vadd.s32 v50, v41;
	v57 =	vmax.f32 v18, $-5.000000000e-01  }
0x211: {  	v9 =	vadd.f32 $2.450000000e+01, v9;
	v11 =	vld.idx.msk [tilespmem:v11+s4+$0x0], $0xffff;
	v10 =	vadd.s32 v50, v32;
	v57 =	vmin.f32 v57, $4.900000000e+01  }
0x212: {  	v45 =	vmul.f32 v45, v40;
	[tilespmem:$0x1FEA0] =	vst v0;
	v7 =	vmul.f32 v7, v56;
	v0 =	vmovc v44;
	v44 =	vld [tilespmem:s17+$0x19830];
	v56 =	vadd.f32 $1.258291200e+07, v57  }
0x213: {  	v28 =	vmovc v40;
	v40 =	vmax.f32 v9, $-5.000000000e-01;
	v50 =	vmax.f32 v21, $-5.000000000e-01;
	v15 =	vld.idx.msk [tilespmem:v15+s4+$0x0], $0xffff;
	v17 =	vmul.f32 v17, v22  }
0x214: {  	v39 =	vmovc v1;
	v1 =	vmax.f32 v20, $-5.000000000e-01;
	v6 =	vld.idx.msk [tilespmem:v6+s4+$0x0], $0xffff;
	v7 =	vadd.f32 v7, v29;
	v29 =	vadd.s32 v56, v2  }
0x215: {  	v23 =	vmin.f32 v40, $4.900000000e+01;
	v16 =	vld.idx.msk [tilespmem:v16+s4+$0x0], $0xffff;
	v17 =	vadd.f32 $2.450000000e+01, v17;
	v56 =	vadd.s32 v56, v4  }
0x216: {  	v1 =	vmin.f32 v1, $4.900000000e+01;
	v14 =	vmul.f32 v47, v14;
	v47 =	vld.idx.msk [tilespmem:v60+s4+$0x0], $0xffff;
	v7 =	vmul.f32 v7, v5  }
0x217: {  	v1 =	vadd.f32 $1.258291200e+07, v1;
	v10 =	vld.idx.msk [tilespmem:v10+s4+$0x0], $0xffff;
	v57 =	vmin.f32 v50, $4.900000000e+01;
	v22 =	vmax.f32 v17, $-5.000000000e-01  }
0x218: {  	v11 =	vadd.f32 v14, v11;
	v15 =	vmul.f32 v52, v15;
	v52 =	vld.idx.msk [tilespmem:v61+s4+$0x0], $0xffff;
	v22 =	vmin.f32 v22, $4.900000000e+01;
	[tilespmem:s16+$0x1BC00] =	vst v7  }
0x219: {  	v59 =	vadd.s32 v1, v42;
	v7 =	vadd.f32 $1.258291200e+07, v22;
	v22 =	vadd.f32 $1.258291200e+07, v23;
	v23 =	vld.idx.msk [tilespmem:v29+s4+$0x0], $0xffff  }
0x21a: {  	v1 =	vadd.s32 v1, v37;
	v11 =	vmul.f32 v11, v46;
	v8 =	vmul.f32 v8, v16;
	v40 =	vld.idx.msk [tilespmem:v56+s4+$0x0], $0xffff  }
0x21b: {  	v6 =	vadd.f32 v15, v6;
	v29 =	vadd.f32 $1.258291200e+07, v57;
	v16 =	vadd.s32 v7, v25;
	v57 =	vld.idx.msk [tilespmem:v62+s4+$0x0], $0xffff  }
0x21c: {  	v14 =	vadd.s32 v22, v48;
	v15 =	vadd.s32 v22, v38;
	v22 =	vmul.f32 v34, v31;
	v56 =	vld.idx.msk [tilespmem:v35+s4+$0x0], $0xffff  }
0x21d: {  	v35 =	vld [tilespmem:$0x1FB70]  }
0x21e: {  	v8 =	vadd.f32 v8, v10;
	[tilespmem:s2+$0x1BC00] =	vst v11;
	v60 =	vadd.s32 v29, v41;
	v61 =	vadd.f32 $2.450000000e+01, v22;
	v22 =	vld [tilespmem:$0x1FB60]  }
0x21f: {  	s6 =	rddreg [dreg:$0xf];
	v1 =	vld.idx.msk [tilespmem:v1+s4+$0x0], $0xffff  }
0x220: {  	s13 =	smov.u32 s31;
	s11 =	smov.u32 s6;
	s6 =	smov.u32 s25;
	v7 =	vadd.s32 v7, v0;
	v8 =	vmul.f32 v8, v44;
	v11 =	vld.idx.msk [tilespmem:v16+s4+$0x0], $0xffff  }
0x221: {  	s25 =	smov.u32 s5;
	s5 =	smov.u32 s7;
	[dreg:$0xe] =	wrdreg s11;
	v0 =	vmul.f32 v18, v23;
	v18 =	vld [tilespmem:$0x1FDB0]  }
0x222: {  	s11 =	smov.u32 s14;
	s14 =	smov.u32 s8;
	s8 =	sadd.s32 $0x2, s5;
	v6 =	vmul.f32 v6, v33;
	[tilespmem:s18+$0x1BC00] =	vst v8;
	v16 =	vld.idx.msk [tilespmem:v59+s4+$0x0], $0xffff  }
0x223: {  	[dreg:$0xf] =	wrdreg s25;
	s25 =	smov.u32 s30;
	s30 =	sand.u32 $0x3, s8;
	v62 =	vadd.f32 $2.450000000e+01, v45;
	v0 =	vadd.f32 v0, v40;
	v12 =	vmul.f32 v12, v22;
	v22 =	vld.idx.msk [tilespmem:v60+s4+$0x0], $0xffff  }
0x224: {  	s31 =	smov.u32 s0;
	s7 =	rddreg [dreg:$0x18];
	s0 =	sshll.u32 s30, $0x5;
	v10 =	vadd.s32 v29, v32;
	v60 =	vld [tilespmem:$0x1FF40]  }
0x225: {  	s0 =	sadd.s32 s7, s0;
	[tilespmem:s23+$0x1BC00] =	vst v6;
	v6 =	vadd.s32 v3, v36;
	v8 =	vmax.f32 v62, $-5.000000000e-01;
	v7 =	vld.idx.msk [tilespmem:v7+s4+$0x0], $0xffff;
	v0 =	vmul.f32 v0, v5  }
0x226: {  	s0 =	sadd.s32 $0x20, s0;
	v50 =	vmovc v37;
	v37 =	vmovc v44;
	v14 =	vld.idx.msk [tilespmem:v14+s4+$0x0], $0xffff;
	v8 =	vmin.f32 v8, $4.900000000e+01;
	v13 =	vmul.f32 v13, v18;
	v18 =	vmax.f32 v61, $-5.000000000e-01  }
0x227: {  	s19 =	sor.u32 $0x100, s0;
	v3 =	vadd.s32 v3, v26;
	v23 =	vmovc v36;
	v15 =	vld.idx.msk [tilespmem:v15+s4+$0x0], $0xffff;
	v8 =	vadd.f32 $1.258291200e+07, v8;
	v18 =	vmin.f32 v18, $4.900000000e+01;
	[tilespmem:s16+$0x1BC80] =	vst v0  }
0x228: {  	v36 =	vmovc v54;
	v54 =	vmovc v55;
	v45 =	vadd.f32 $2.450000000e+01, v12;
	v0 =	vmul.f32 v17, v11;
	v55 =	vadd.f32 $1.258291200e+07, v18;
	v12 =	vld [tilespmem:s19+$0x19C00]  }
0x229: {  	v34 =	vmovc v51;
	v29 =	vadd.f32 $2.450000000e+01, v13;
	v13 =	vmul.f32 v19, v60;
	v19 =	vadd.s32 v8, v35;
	v60 =	vld.idx.msk [tilespmem:v10+s4+$0x0], $0xffff  }
0x22a: {  	s1 =	sadd.s32 $0x4, s1;
	v25 =	vmovc v28;
	v51 =	vmovc v31;
	v31 =	vmov v63;
	v11 =	vmul.f32 v20, v16;
	v63 =	vmul.f32 v21, v22;
	v21 =	vld [tilespmem:$0x1FB90]  }
0x22b: {  	p2 =	slt.u32 s1, $0x3C;
	v44 =	vmovc v4;
	v20 =	vmov v2;
	v2 =	vadd.f32 v0, v7;
	v0 =	vld.idx.msk [tilespmem:v6+s4+$0x0], $0xffff;
	v16 =	vadd.s32 v55, v34  }
.Ltmp2:
0x22c: {  	v40 =	vmovc v58;
	v59 =	vadd.s32 v8, v43;
	v4 =	vmax.f32 v45, $-5.000000000e-01;
	v58 =	vadd.s32 v55, v30;
	v55 =	vld.idx.msk [tilespmem:v3+s4+$0x0], $0xffff;
	(pc) =	sbr.rel @p2 .LBB2_3-.Ltmp2, $4  }
0x22d: {  	v28 =	vmovc v34;
	v4 =	vmin.f32 v4, $4.900000000e+01;
	v7 =	vmul.f32 v9, v14;
	v18 =	vmovc v30;
	v34 =	vadd.f32 $2.450000000e+01, v13;
	v30 =	vld [tilespmem:$0x1FB80]  }
0x22e: {  	v17 =	vmovc v43;
	v6 =	vadd.f32 v11, v1;
	v3 =	vmax.f32 v29, $-5.000000000e-01;
	v9 =	vmul.f32 v2, v53;
	v2 =	vld.idx.msk [tilespmem:v19+s4+$0x0], $0xffff  }
0x22f: {  	v43 =	vmovc v5;
	v22 =	vmovc v39;
	v5 =	vmin.f32 v3, $4.900000000e+01;
	v7 =	vadd.f32 v7, v15;
	v10 =	vmax.f32 v34, $-5.000000000e-01;
	v19 =	vld [tilespmem:$0x1FBA0]  }
0x230: {  	p1 =	por !p1, !p1;
	s28 =	rddreg [dreg:$0x1b];
	v8 =	vmul.f32 v12, v39;
	v39 =	vmovc v33;
	v33 =	vmov v46;
	[tilespmem:s26+$0x1BC00] =	vst v9;
	v1 =	vmin.f32 v10, $4.900000000e+01;
	v3 =	vld.idx.msk [tilespmem:v16+s4+$0x0], $0xffff  }
0x231: {  	_ = 	snop  }
0x232: {  	v6 =	vmul.f32 v6, v33;
	v53 =	vadd.f32 $2.450000000e+01, v8  }
0x233: {  	v46 =	vmul.f32 v7, v39  }
0x234: {  	[tilespmem:s2+$0x1BC80] =	vst v6;
	v16 =	vmax.f32 v53, $-5.000000000e-01  }
0x235: {  	[tilespmem:s23+$0x1BC80] =	vst v46;
	v6 =	vmin.f32 v16, $4.900000000e+01  }
0x236: {  	v46 =	vld [tilespmem:s31+$0x19C00];
	v6 =	vadd.f32 $1.258291200e+07, v6;
	_ =	sdelay $0x1  }
0x237: {  	v11 =	vadd.s32 v6, v20;
	_ =	sdelay $0x1  }
0x238: {  	v6 =	vadd.s32 v6, v44  }
0x239: {  	v9 =	vadd.f32 v63, v60;
	v8 =	vmul.f32 v46, v40  }
0x23a: {  	v15 =	vld [tilespmem:s28+$0x19C00]  }
0x23b: {  	v14 =	vmul.f32 v9, v37;
	v8 =	vadd.f32 $2.450000000e+01, v8;
	v11 =	vld.idx.msk [tilespmem:v11+s4+$0x0], $0xffff;
	_ =	sdelay $0x1  }
0x23c: {  	[tilespmem:s18+$0x1BC80] =	vst v14;
	v13 =	vmax.f32 v8, $-5.000000000e-01;
	v6 =	vld.idx.msk [tilespmem:v6+s4+$0x0], $0xffff  }
0x23d: {  	v10 =	vld [tilespmem:s13+$0x19C00];
	v13 =	vmin.f32 v13, $4.900000000e+01  }
0x23e: {  	v13 =	vadd.f32 $1.258291200e+07, v13  }
0x23f: {  	v9 =	vmul.f32 v15, v54;
	v7 =	vmul.f32 v53, v11  }
0x240: {  	v53 =	vadd.s32 v13, v48  }
0x241: {  	v9 =	vadd.f32 $2.450000000e+01, v9;
	v6 =	vadd.f32 v7, v6  }
0x242: {  	v10 =	vmul.f32 v10, v31  }
0x243: {  	v12 =	vmax.f32 v9, $-5.000000000e-01;
	v6 =	vmul.f32 v6, v43  }
0x244: {  	v10 =	vadd.f32 $2.450000000e+01, v10;
	v12 =	vmin.f32 v12, $4.900000000e+01  }
0x245: {  	v12 =	vadd.f32 $1.258291200e+07, v12;
	v11 =	vld.idx.msk [tilespmem:v53+s4+$0x0], $0xffff;
	[tilespmem:s19+$0x1BC00] =	vst v6  }
0x246: {  	v14 =	vmax.f32 v10, $-5.000000000e-01;
	v53 =	vld [tilespmem:$0x1FE90]  }
0x247: {  	v16 =	vld.idx.msk [tilespmem:v59+s4+$0x0], $0xffff;
	v59 =	vmul.f32 v27, v55;
	v14 =	vmin.f32 v14, $4.900000000e+01;
	v15 =	vadd.s32 v12, v42  }
0x248: {  	v12 =	vadd.s32 v12, v50;
	v14 =	vadd.f32 $1.258291200e+07, v14  }
0x249: {  	v0 =	vadd.f32 v59, v0  }
0x24a: {  	v63 =	vadd.s32 v14, v41  }
0x24b: {  	v46 =	vld.idx.msk [tilespmem:v58+s4+$0x0], $0xffff;
	v0 =	vmul.f32 v0, v53  }
0x24c: {  	v13 =	vadd.s32 v13, v38;
	v15 =	vld.idx.msk [tilespmem:v15+s4+$0x0], $0xffff  }
0x24d: {  	v14 =	vadd.s32 v14, v32;
	v12 =	vld.idx.msk [tilespmem:v12+s4+$0x0], $0xffff;
	[tilespmem:s14+$0x1BC00] =	vst v0  }
0x24e: {  	v3 =	vmul.f32 v61, v3;
	v58 =	vmovc v35;
	v35 =	vmov v18;
	v18 =	vmov v44;
	v44 =	vld [tilespmem:$0x1FEA0]  }
0x24f: {  	v2 =	vmul.f32 v62, v2;
	v6 =	vld.idx.msk [tilespmem:v63+s4+$0x0], $0xffff  }
0x250: {  	v3 =	vadd.f32 v3, v46;
	v46 =	vmov v41;
	v41 =	vmov v43;
	v43 =	vld [tilespmem:$0x1FEB0]  }
0x251: {  	v2 =	vadd.f32 v2, v16;
	v7 =	vld.idx.msk [tilespmem:v13+s4+$0x0], $0xffff  }
0x252: {  	v27 =	vld.idx.msk [tilespmem:v14+s4+$0x0], $0xffff  }
0x253: {  	v60 =	vmovc v31;
	s0 =	sor.u32 $0x180, s0;
	v31 =	vmov v17;
	v17 =	vmul.f32 v9, v15;
	v63 =	vmul.f32 v2, v44  }
0x254: {  	v62 =	vld [tilespmem:s0+$0x19C00];
	v8 =	vmul.f32 v8, v11  }
0x255: {  	v6 =	vmul.f32 v10, v6;
	v59 =	vld [tilespmem:s11+$0x19C00];
	v3 =	vmul.f32 v3, v43;
	v2 =	vadd.f32 v17, v12;
	[tilespmem:s12+$0x1BC00] =	vst v63  }
0x256: {  	v7 =	vadd.f32 v8, v7;
	v0 =	vld [tilespmem:$0x1FC00]  }
0x257: {  	v6 =	vadd.f32 v6, v27;
	v2 =	vmul.f32 v2, v33;
	v55 =	vld [tilespmem:$0x1FDC0];
	[tilespmem:s24+$0x1BC00] =	vst v3  }
0x258: {  	v7 =	vmul.f32 v7, v39;
	s2 =	rddreg [dreg:$0xe];
	v16 =	vld [tilespmem:$0x1FC20]  }
0x259: {  	v61 =	vmul.f32 v62, v22;
	v6 =	vmul.f32 v6, v37;
	s8 =	rddreg [dreg:$0x14];
	[tilespmem:s28+$0x1BC00] =	vst v2;
	v62 =	vld [tilespmem:s2+$0x19C00]  }
0x25a: {  	v5 =	vadd.f32 $1.258291200e+07, v5;
	[tilespmem:s31+$0x1BC00] =	vst v7;
	v63 =	vld [tilespmem:s8+$0x19C00]  }
0x25b: {  	v27 =	vld [tilespmem:$0x1FC50];
	[tilespmem:s13+$0x1BC00] =	vst v6  }
0x25c: {  	v9 =	vadd.s32 v5, v21;
	v0 =	vadd.s32 v5, v0;
	v5 =	vmul.f32 v55, v49;
	v55 =	vld [tilespmem:$0x1FE60]  }
0x25d: {  	v17 =	vmul.f32 v59, v36;
	v36 =	vld [tilespmem:$0x1FE70]  }
0x25e: {  	v3 =	vadd.f32 $2.450000000e+01, v61  }
0x25f: {  	v12 =	vmul.f32 v62, v25;
	v25 =	vmul.f32 v63, v51  }
0x260: {  	v21 =	vmax.f32 v3, $-5.000000000e-01  }
0x261: {  	v11 =	vmin.f32 v21, $4.900000000e+01;
	v7 =	vadd.f32 $2.450000000e+01, v25  }
0x262: {  	v11 =	vadd.f32 $1.258291200e+07, v11;
	v14 =	vmul.f32 v36, v19  }
0x263: {  	s1 =	rddreg [dreg:$0x6];
	v61 =	vmax.f32 v7, $-5.000000000e-01  }
0x264: {  	v2 =	vadd.f32 $2.450000000e+01, v17;
	s3 =	rddreg [dreg:$0xf];
	v49 =	vadd.s32 v11, v20;
	[tilespmem:s1+$0x1BC00] =	vst v14;
	v20 =	vmin.f32 v61, $4.900000000e+01;
	v17 =	vld.idx.msk [tilespmem:v55+s4+$0x0], $0xffff  }
0x265: {  	v20 =	vadd.f32 $1.258291200e+07, v20;
	v55 =	vld [tilespmem:$0x1FCA0];
	_ =	sdelay $0x1  }
0x266: {  	v36 =	vadd.s32 v20, v28  }
0x267: {  	v5 =	vadd.f32 v5, v57;
	v6 =	vadd.f32 $2.450000000e+01, v12  }
0x268: {  	v14 =	vld [tilespmem:$0x1FDD0]  }
0x269: {  	v22 =	vld [tilespmem:s25+$0x19C00];
	v59 =	vmax.f32 v6, $-5.000000000e-01;
	v5 =	vmul.f32 v5, v55  }
0x26a: {  	v57 =	vmax.f32 v2, $-5.000000000e-01;
	s1 =	rddreg [dreg:$0xa];
	v19 =	vmin.f32 v59, $4.900000000e+01;
	v59 =	vld [tilespmem:$0x1FE10]  }
0x26b: {  	v4 =	vadd.f32 $1.258291200e+07, v4;
	v11 =	vadd.s32 v11, v18;
	v18 =	vmin.f32 v57, $4.900000000e+01;
	v57 =	vld.idx.msk [tilespmem:v36+s4+$0x0], $0xffff;
	[tilespmem:s1+$0x1BC00] =	vst v5  }
0x26c: {  	v36 =	vld [tilespmem:$0x1FCB0]  }
0x26d: {  	v10 =	vadd.s32 v4, v16;
	v4 =	vadd.s32 v4, v30;
	v30 =	vld [tilespmem:s3+$0x19C00];
	v14 =	vmul.f32 v14, v47  }
0x26e: {  	v1 =	vadd.f32 $1.258291200e+07, v1;
	v15 =	vld.idx.msk [tilespmem:v49+s4+$0x0], $0xffff  }
0x26f: {  	v51 =	vld [tilespmem:s6+$0x19C00];
	v13 =	vmul.f32 v22, v54;
	v14 =	vadd.f32 v14, v56  }
0x270: {  	v8 =	vadd.s32 v1, v27;
	v18 =	vadd.f32 $1.258291200e+07, v18;
	v11 =	vld.idx.msk [tilespmem:v11+s4+$0x0], $0xffff  }
0x271: {  	v9 =	vld.idx.msk [tilespmem:v9+s4+$0x0], $0xffff;
	v1 =	vadd.s32 v1, v24;
	v13 =	vadd.f32 $2.450000000e+01, v13;
	v14 =	vmul.f32 v14, v36  }
0x272: {  	v0 =	vld.idx.msk [tilespmem:v0+s4+$0x0], $0xffff;
	v12 =	vmul.f32 v30, v40;
	v62 =	vadd.s32 v18, v26;
	v18 =	vadd.s32 v18, v23;
	s1 =	rddreg [dreg:$0x8]  }
0x273: {  	v10 =	vld.idx.msk [tilespmem:v10+s4+$0x0], $0xffff;
	v40 =	vmax.f32 v13, $-5.000000000e-01;
	v19 =	vadd.f32 $1.258291200e+07, v19;
	v3 =	vmul.f32 v3, v15;
	[tilespmem:s1+$0x1BC00] =	vst v14  }
0x274: {  	v16 =	vmul.f32 v51, v60;
	v27 =	vmin.f32 v40, $4.900000000e+01;
	v12 =	vadd.f32 $2.450000000e+01, v12;
	v14 =	vld [tilespmem:$0x1FCC0]  }
0x275: {  	v4 =	vld.idx.msk [tilespmem:v4+s4+$0x0], $0xffff;
	v63 =	vadd.s32 v19, v58;
	v60 =	vmul.f32 v59, v52;
	v3 =	vadd.f32 v3, v11  }
0x276: {  	v8 =	vld.idx.msk [tilespmem:v8+s4+$0x0], $0xffff;
	v27 =	vadd.f32 $1.258291200e+07, v27;
	v16 =	vadd.f32 $2.450000000e+01, v16;
	v19 =	vadd.s32 v19, v31  }
0x277: {  	v1 =	vld.idx.msk [tilespmem:v1+s4+$0x0], $0xffff;
	v49 =	vmax.f32 v12, $-5.000000000e-01;
	v17 =	vadd.f32 v60, v17;
	v3 =	vmul.f32 v3, v41  }
0x278: {  	v20 =	vadd.s32 v20, v35;
	v54 =	vadd.s32 v27, v42;
	v30 =	vmin.f32 v49, $4.900000000e+01;
	v21 =	vld.idx.msk [tilespmem:v62+s4+$0x0], $0xffff  }
0x279: {  	v51 =	vmax.f32 v16, $-5.000000000e-01;
	v18 =	vld.idx.msk [tilespmem:v18+s4+$0x0], $0xffff;
	v30 =	vadd.f32 $1.258291200e+07, v30;
	[tilespmem:s0+$0x1BC00] =	vst v3;
	v14 =	vmul.f32 v17, v14  }
0x27a: {  	v62 =	vadd.s32 v27, v50;
	v31 =	vmin.f32 v51, $4.900000000e+01;
	v22 =	vld.idx.msk [tilespmem:v63+s4+$0x0], $0xffff;
	s0 =	rddreg [dreg:$0x4]  }
0x27b: {  	v31 =	vadd.f32 $1.258291200e+07, v31;
	v58 =	vadd.s32 v30, v48;
	v63 =	vld.idx.msk [tilespmem:v19+s4+$0x0], $0xffff;
	[tilespmem:s0+$0x1BC00] =	vst v14  }
0x27c: {  	v38 =	vadd.s32 v30, v38;
	v47 =	vld [tilespmem:$0x1FED0]  }
0x27d: {  	v9 =	vmul.f32 v29, v9;
	v61 =	vadd.s32 v31, v46;
	v20 =	vld.idx.msk [tilespmem:v20+s4+$0x0], $0xffff  }
0x27e: {  	v41 =	vld.idx.msk [tilespmem:v54+s4+$0x0], $0xffff  }
0x27f: {  	v0 =	vadd.f32 v9, v0;
	v5 =	vld.idx.msk [tilespmem:v62+s4+$0x0], $0xffff  }
0x280: {  	v40 =	vadd.s32 v31, v32;
	v2 =	vmul.f32 v2, v21;
	v42 =	vld.idx.msk [tilespmem:v58+s4+$0x0], $0xffff  }
0x281: {  	v49 =	vld.idx.msk [tilespmem:v38+s4+$0x0], $0xffff;
	v48 =	vmul.f32 v6, v22;
	v0 =	vmul.f32 v0, v47  }
0x282: {  	v2 =	vadd.f32 v2, v18;
	v46 =	vld.idx.msk [tilespmem:v61+s4+$0x0], $0xffff;
	v7 =	vmul.f32 v7, v57;
	s0 =	rddreg [dreg:$0xc]  }
0x283: {  	v54 =	vmul.f32 v13, v41;
	v52 =	vadd.f32 v48, v63;
	v50 =	vld [tilespmem:$0x1FEE0];
	[tilespmem:s0+$0x1BC00] =	vst v0  }
0x284: {  	v10 =	vmul.f32 v45, v10;
	v2 =	vmul.f32 v2, v53;
	v55 =	vadd.f32 v7, v20;
	v0 =	vld [tilespmem:$0x1FF20]  }
0x285: {  	v45 =	vmul.f32 v34, v8;
	v51 =	vld.idx.msk [tilespmem:v40+s4+$0x0], $0xffff;
	v57 =	vmul.f32 v52, v44;
	v3 =	vadd.f32 v54, v5  }
0x286: {  	v4 =	vadd.f32 v10, v4;
	v59 =	vmul.f32 v55, v43;
	s0 =	rddreg [dreg:$0xd];
	[tilespmem:s11+$0x1BC00] =	vst v2  }
0x287: {  	v1 =	vadd.f32 v45, v1;
	v56 =	vmul.f32 v12, v42;
	v62 =	vmul.f32 v3, v33;
	[tilespmem:s2+$0x1BC00] =	vst v57  }
0x288: {  	v58 =	vmul.f32 v16, v46;
	v4 =	vmul.f32 v4, v50;
	[tilespmem:s8+$0x1BC00] =	vst v59  }
0x289: {  	v60 =	vadd.f32 v56, v49;
	[tilespmem:s25+$0x1BC00] =	vst v62;
	v0 =	vmul.f32 v1, v0  }
0x28a: {  	v61 =	vadd.f32 v58, v51;
	[tilespmem:s0+$0x1BC00] =	vst v4  }
0x28b: {  	v63 =	vmul.f32 v60, v39;
	[tilespmem:s9+$0x1BC00] =	vst v0  }
0x28c: {  	v0 =	vmul.f32 v61, v37;
	s0 =	rddreg [dreg:$0x1d]  }
0x28d: {  	s5 =	sld [smem:$0x7F5];
	[tilespmem:s3+$0x1BC00] =	vst v63  }
0x28e: {  	[tilespmem:s6+$0x1BC00] =	vst v0  }
0x28f: {  	s31 =	sld [smem:$0x7F4];
	_ =	sdelay $0x2  }
0x290: {  	p1 =	sne.s32 s31, $0x3F  }
.Ltmp3:
0x291: {  	_ = 	snop;
	(pc) =	sbr.rel @p1 .LBB2_6-.Ltmp3, $4  }
0x292: {  	s29 =	rddreg [dreg:$0x2];
	s0 =	sor.u32 s5, s0  }
0x293: {  	s30 =	simm.s32 $0x1BC00;
	s2 =	simm.s32 $0x200;
	s28 =	sshrl.u32 s0, $0x3  }
0x294: {  	s3 =	simm.s32 $0x400;
	[smem:$0x7F3] =	sst s28;
	s0 =	sadd.s32 s29, s28  }
0x295: {  	[hbm4b:s0+s2] =	stream.strided.scatter [tilespmem:s30], [sflag:$0x3], $0x1000, s3, s2, $0x38;
	[tilespmem:$0x1DC00] =	vst v63  }
.Ltmp4:
0x296: {  	(pc) =	sbr.rel .LBB2_7-.Ltmp4, $4  }
0x297: {  	s0 =	simm.s32 $0x2  }
0x298: {  	_ =	swait.ge [sflag:s0], $0x1000  }
0x299: {  	[sflag:s0] =	ssyncset.done $0x0;
	v5 =	vld [tilespmem:$0x1FFE0]  }
0x29a: {  	v50 =	vld [tilespmem:$0x1FFF0];
	[sflag:s0] =	ssyncadd.s32 $0xFFFFF000;
	s0 =	simm.s32 $0x4  }
.LBB2_6:
0x29b: {  	s0 =	sld [smem:$0x7FB];
	_ =	sdelay $0x2  }
0x29c: {  	s0 =	sadd.s32 s5, s0  }
0x29d: {  	s1 =	rddreg [dreg:$0x0];
	s30 =	simm.s32 $0x19C00;
	s0 =	sshrl.u32 s0, $0x3  }
.Ltmp5:
0x29e: {  	s31 =	simm.s32 $0x2;
	s0 =	sadd.s32 s1, s0;
	(pc) =	sbr.rel @p0 .LBB2_8-.Ltmp5, $4  }
0x29f: {  	[tilespmem:s30], [sflag:$0x1] =	stream.strided.gather [hbm4b:s0+s2], $0x1000, s3, s2, $0x38;
	[tilespmem:$0x1DC00] =	vst v63  }
0x2a0: {  	_ =	swait.ge [sflag:s31], $0x1000  }
0x2a1: {  	[sflag:s31] =	ssyncset.done $0x0;
	v5 =	vld [tilespmem:$0x1FFE0]  }
0x2a2: {  	s0 =	simm.s32 $0x4;
	v50 =	vld [tilespmem:$0x1FFF0];
	[sflag:s31] =	ssyncadd.s32 $0xFFFFF000  }
.LBB2_7:
0x2a3: {  	_ =	swait.ge [sflag:s0], $0x1000  }
0x2a4: {  	[sflag:s0] =	ssyncset.done $0x0  }
0x2a5: {  	[sflag:s0] =	ssyncadd.s32 $0xFFFFF000  }
.LBB2_8:
0x2a6: {  	s0 =	simm.s32 $0x0;
	s1 =	simm.s32 $0x20  }
0x2a7: {  	s6 =	simm.s32 $0x0;
	s2 =	sand.u32 $0xE00, s0;
	s1 =	sand.u32 $0x60, s1  }
0x2a8: {  	v3 =	vld [tilespmem:s6+$0x19420];
	s3 =	sor.u32 s2, s1  }
0x2a9: {  	v0 =	vld [tilespmem:s3+$0x1AC00];
	_ =	sdelay $0x4  }
0x2aa: {  	v0 =	vmul.f32 v0, v3;
	_ =	sdelay $0x1  }
0x2ab: {  	v0 =	vadd.f32 $2.450000000e+01, v0;
	_ =	sdelay $0x1  }
0x2ac: {  	v1 =	vmax.f32 v0, $-5.000000000e-01  }
0x2ad: {  	v1 =	vmin.f32 v1, $4.900000000e+01  }
0x2ae: {  	s14 =	simm.s32 $0xB4C0D240;
	v1 =	vadd.f32 $1.258291200e+07, v1  }
0x2af: {  	v2 =	vld [tilespmem:s3+$0x1AC80];
	v6 =	vadd.s32 s14, v50  }
0x2b0: {  	s15 =	simm.s32 $0xB4C00660;
	v4 =	vadd.s32 v1, v6  }
0x2b1: {  	s5 =	simm.s32 $0x0;
	v8 =	vadd.s32 s15, v5  }
0x2b2: {  	v23 =	vld [tilespmem:s6+$0x19400];
	s16 =	sand.u32 $0x40, s5;
	v1 =	vadd.s32 v1, v8  }
0x2b3: {  	s17 =	simm.s32 $0x10;
	v20 =	vld [tilespmem:s6+$0x19410];
	s7 =	sor.u32 s16, s2  }
0x2b4: {  	s18 =	sand.u32 $0x50, s17;
	v28 =	vmov v5;
	v5 =	vld [tilespmem:s7+$0x1AC00];
	v2 =	vmul.f32 v2, v3  }
0x2b5: {  	s10 =	sor.u32 s2, s18;
	v4 =	vld.idx.msk [tilespmem:v4+s4+$0x0], $0xffff  }
0x2b6: {  	v7 =	vld [tilespmem:s10+$0x1AC00];
	v2 =	vadd.f32 $2.450000000e+01, v2  }
0x2b7: {  	v1 =	vld.idx.msk [tilespmem:v1+s4+$0x0], $0xffff  }
0x2b8: {  	v9 =	vmax.f32 v2, $-5.000000000e-01  }
0x2b9: {  	s19 =	simm.s32 $0x30;
	v19 =	vld [tilespmem:s6+$0x19820];
	v9 =	vmin.f32 v9, $4.900000000e+01  }
0x2ba: {  	s1 =	sand.u32 $0x70, s19;
	v5 =	vmul.f32 v5, v23;
	v0 =	vmul.f32 v0, v4;
	v4 =	vadd.f32 $1.258291200e+07, v9  }
0x2bb: {  	v22 =	vld [tilespmem:s6+$0x19430];
	s5 =	sor.u32 s2, s1;
	v7 =	vmul.f32 v7, v20  }
0x2bc: {  	v5 =	vadd.f32 $2.450000000e+01, v5;
	v9 =	vld [tilespmem:s5+$0x1AC00];
	v0 =	vadd.f32 v0, v1;
	v1 =	vadd.s32 v4, v6  }
0x2bd: {  	v7 =	vadd.f32 $2.450000000e+01, v7  }
0x2be: {  	s12 =	simm.s32 $0x40;
	v10 =	vmax.f32 v5, $-5.000000000e-01;
	v4 =	vadd.s32 v4, v8;
	v0 =	vmul.f32 v0, v19  }
0x2bf: {  	s20 =	simm.s32 $0xB4C00000;
	v32 =	vld [tilespmem:s12+$0x19420];
	v12 =	vmax.f32 v7, $-5.000000000e-01;
	v10 =	vmin.f32 v10, $4.900000000e+01  }
0x2c0: {  	s21 =	simm.s32 $0xB4C0CC00;
	v11 =	vld [tilespmem:s7+$0x1AC80];
	v12 =	vmin.f32 v12, $4.900000000e+01;
	v14 =	vadd.f32 $1.258291200e+07, v10;
	[tilespmem:s3+$0x1CC00] =	vst v0  }
0x2c1: {  	s22 =	simm.s32 $0xB4C0CF20;
	s8 =	simm.s32 $0x100;
	s9 =	simm.s32 $0x60;
	v24 =	vadd.s32 s21, v50;
	v0 =	vmul.f32 v9, v22;
	v9 =	vadd.f32 $1.258291200e+07, v12;
	v1 =	vld.idx.msk [tilespmem:v1+s4+$0x0], $0xffff  }
0x2c2: {  	s24 =	simm.s32 $0xB4C00330;
	s8 =	sand.u32 $0xE00, s8;
	s23 =	sand.u32 $0x60, s9;
	v13 =	vld [tilespmem:s10+$0x1AC80];
	v21 =	vadd.s32 s22, v50;
	v12 =	vadd.s32 v14, v24  }
0x2c3: {  	s1 =	sor.u32 s8, s23;
	v25 =	vadd.s32 s20, v28;
	v29 =	vadd.s32 s24, v28;
	v4 =	vld.idx.msk [tilespmem:v4+s4+$0x0], $0xffff;
	v15 =	vadd.s32 v9, v21  }
0x2c4: {  	v16 =	vld [tilespmem:s1+$0x1AC00];
	v14 =	vadd.s32 v14, v25;
	[tilespmem:$0x1F870] =	vst v29  }
0x2c5: {  	v9 =	vadd.s32 v9, v29;
	v18 =	vld [tilespmem:s5+$0x1AC80];
	[tilespmem:$0x1F7B0] =	vst v23  }
0x2c6: {  	s26 =	simm.s32 $0xB4C00990;
	v11 =	vmul.f32 v11, v23;
	v0 =	vadd.f32 $2.450000000e+01, v0;
	[tilespmem:$0x1F7D0] =	vst v20;
	v1 =	vmul.f32 v2, v1  }
0x2c7: {  	v40 =	vadd.s32 s26, v28;
	v13 =	vmul.f32 v13, v20;
	v12 =	vld.idx.msk [tilespmem:v12+s4+$0x0], $0xffff  }
0x2c8: {  	s29 =	sand.u32 $0x3, s0;
	v11 =	vadd.f32 $2.450000000e+01, v11;
	v17 =	vmax.f32 v0, $-5.000000000e-01;
	v15 =	vld.idx.msk [tilespmem:v15+s4+$0x0], $0xffff;
	v1 =	vadd.f32 v1, v4  }
0x2c9: {  	s2 =	sshll.u32 s29, $0x5;
	v16 =	vmul.f32 v16, v32;
	v13 =	vadd.f32 $2.450000000e+01, v13;
	v17 =	vmin.f32 v17, $4.900000000e+01;
	v14 =	vld.idx.msk [tilespmem:v14+s4+$0x0], $0xffff  }
0x2ca: {  	s25 =	simm.s32 $0xB4C0D560;
	s2 =	sadd.s32 $0x0, s2;
	v2 =	vadd.f32 $1.258291200e+07, v17;
	v17 =	vmax.f32 v11, $-5.000000000e-01;
	v9 =	vld.idx.msk [tilespmem:v9+s4+$0x0], $0xffff;
	[tilespmem:$0x1F800] =	vst v19;
	v1 =	vmul.f32 v1, v19  }
0x2cb: {  	s2 =	sadd.s32 $0x20, s2;
	v36 =	vmovc v23;
	v57 =	vmovc v20;
	v16 =	vadd.f32 $2.450000000e+01, v16;
	v23 =	vadd.s32 s25, v50;
	v17 =	vmin.f32 v17, $4.900000000e+01;
	v20 =	vld [tilespmem:s6+$0x19800]  }
0x2cc: {  	s30 =	sor.u32 $0x100, s2;
	v4 =	vadd.s32 v2, v23;
	v2 =	vadd.s32 v2, v40;
	v10 =	vld [tilespmem:s6+$0x19810];
	v5 =	vmul.f32 v5, v12;
	[tilespmem:s3+$0x1CC80] =	vst v1  }
0x2cd: {  	v12 =	vadd.f32 $1.258291200e+07, v17;
	v17 =	vmax.f32 v16, $-5.000000000e-01;
	v1 =	vmul.f32 v7, v15;
	v15 =	vld [tilespmem:s30+$0x1AC00];
	[tilespmem:$0x1F840] =	vst v24  }
0x2ce: {  	v31 =	vmovc v19;
	v19 =	vmax.f32 v13, $-5.000000000e-01;
	v5 =	vadd.f32 v5, v14;
	v14 =	vmin.f32 v17, $4.900000000e+01;
	v35 =	vld [tilespmem:s6+$0x19830];
	[tilespmem:$0x1F860] =	vst v21  }
0x2cf: {  	s15 =	simm.s32 $0xB4C01320;
	v19 =	vmin.f32 v19, $4.900000000e+01;
	[tilespmem:$0x1F820] =	vst v22  }
0x2d0: {  	v26 =	vadd.s32 s15, v28;
	v7 =	vadd.f32 $1.258291200e+07, v19;
	v1 =	vadd.f32 v1, v9;
	[tilespmem:$0x1F9E0] =	vst v20  }
0x2d1: {  	s14 =	simm.s32 $0xB4C0DEC0;
	v19 =	vadd.s32 v12, v24;
	v9 =	vadd.f32 $1.258291200e+07, v14;
	v5 =	vmul.f32 v5, v20;
	v14 =	vmovc v20;
	v20 =	vld [tilespmem:s1+$0x1AC80]  }
0x2d2: {  	v33 =	vadd.s32 s14, v50;
	v17 =	vadd.s32 v7, v21;
	v4 =	vld.idx.msk [tilespmem:v4+s4+$0x0], $0xffff;
	[tilespmem:$0x1FAB0] =	vst v10;
	v1 =	vmul.f32 v1, v10  }
0x2d3: {  	v61 =	vmov v21;
	v18 =	vmul.f32 v18, v22;
	v21 =	vadd.s32 v9, v33;
	v2 =	vld.idx.msk [tilespmem:v2+s4+$0x0], $0xffff;
	[tilespmem:s7+$0x1CC00] =	vst v5  }
0x2d4: {  	v48 =	vld [tilespmem:s12+$0x19400];
	v5 =	vmul.f32 v15, v3;
	[tilespmem:s10+$0x1CC00] =	vst v1;
	v1 =	vadd.s32 v9, v26  }
0x2d5: {  	v18 =	vadd.f32 $2.450000000e+01, v18;
	v34 =	vld [tilespmem:s12+$0x19410]  }
0x2d6: {  	v19 =	vld.idx.msk [tilespmem:v19+s4+$0x0], $0xffff;
	v5 =	vadd.f32 $2.450000000e+01, v5  }
0x2d7: {  	s16 =	simm.s32 $0x40;
	v9 =	vmax.f32 v18, $-5.000000000e-01;
	v17 =	vld.idx.msk [tilespmem:v17+s4+$0x0], $0xffff;
	v20 =	vmul.f32 v20, v32  }
0x2d8: {  	v46 =	vmovc v22;
	s6 =	sand.u32 $0x40, s16;
	v9 =	vmin.f32 v9, $4.900000000e+01;
	v0 =	vmul.f32 v0, v4;
	v21 =	vld.idx.msk [tilespmem:v21+s4+$0x0], $0xffff;
	v22 =	vmax.f32 v5, $-5.000000000e-01  }
0x2d9: {  	s17 =	simm.s32 $0x50;
	s6 =	sor.u32 s6, s8;
	v9 =	vadd.f32 $1.258291200e+07, v9;
	v20 =	vadd.f32 $2.450000000e+01, v20;
	v4 =	vmin.f32 v22, $4.900000000e+01;
	v1 =	vld.idx.msk [tilespmem:v1+s4+$0x0], $0xffff;
	[tilespmem:$0x1F8B0] =	vst v23  }
0x2da: {  	s11 =	simm.s32 $0x70;
	s9 =	sand.u32 $0x50, s17;
	v12 =	vadd.s32 v12, v25;
	v0 =	vadd.f32 v0, v2;
	v4 =	vadd.f32 $1.258291200e+07, v4;
	v2 =	vld [tilespmem:s6+$0x1AC00];
	[tilespmem:$0x1F850] =	vst v25  }
0x2db: {  	s13 =	sand.u32 $0x70, s11;
	s11 =	sor.u32 s8, s9;
	v62 =	vmov v23;
	v22 =	vadd.s32 v9, v23;
	v23 =	vmax.f32 v20, $-5.000000000e-01;
	v37 =	vld [tilespmem:s12+$0x19820];
	[tilespmem:$0x1F790] =	vst v35  }
0x2dc: {  	v44 =	vmovc v24;
	v56 =	vmov v25;
	s8 =	sor.u32 s8, s13;
	v23 =	vmin.f32 v23, $4.900000000e+01;
	v24 =	vadd.s32 v4, v6;
	v25 =	vld [tilespmem:s11+$0x1AC00]  }
0x2dd: {  	v0 =	vmul.f32 v0, v35;
	v16 =	vmul.f32 v16, v21;
	v21 =	vadd.f32 $1.258291200e+07, v23;
	v23 =	vld [tilespmem:s8+$0x1AC00]  }
0x2de: {  	v15 =	vmov v35;
	v35 =	vld [tilespmem:s12+$0x19430]  }
0x2df: {  	v4 =	vadd.s32 v4, v8;
	[tilespmem:s5+$0x1CC00] =	vst v0;
	v12 =	vld.idx.msk [tilespmem:v12+s4+$0x0], $0xffff;
	v0 =	vadd.f32 v16, v1  }
0x2e0: {  	v1 =	vadd.s32 v21, v33;
	v16 =	vld.idx.msk [tilespmem:v22+s4+$0x0], $0xffff  }
0x2e1: {  	v7 =	vadd.s32 v7, v29;
	v0 =	vmul.f32 v0, v37;
	v22 =	vld.idx.msk [tilespmem:v24+s4+$0x0], $0xffff;
	[tilespmem:$0x1F8C0] =	vst v40  }
0x2e2: {  	v21 =	vadd.s32 v21, v26;
	[tilespmem:$0x1F890] =	vst v34  }
0x2e3: {  	[tilespmem:s1+$0x1CC00] =	vst v0  }
0x2e4: {  	s18 =	simm.s32 $0xB4C0D880;
	v9 =	vadd.s32 v9, v40;
	v2 =	vmul.f32 v2, v48;
	v4 =	vld.idx.msk [tilespmem:v4+s4+$0x0], $0xffff;
	[tilespmem:$0x1F8A0] =	vst v35  }
0x2e5: {  	v43 =	vadd.s32 s18, v50;
	v13 =	vmul.f32 v13, v17;
	v24 =	vmul.f32 v25, v34;
	v1 =	vld.idx.msk [tilespmem:v1+s4+$0x0], $0xffff  }
0x2e6: {  	v2 =	vadd.f32 $2.450000000e+01, v2;
	v0 =	vmul.f32 v11, v19;
	v11 =	vmul.f32 v23, v35;
	v7 =	vld.idx.msk [tilespmem:v7+s4+$0x0], $0xffff  }
0x2e7: {  	s9 =	simm.s32 $0x80;
	s21 =	simm.s32 $0xB4C0DBA0;
	v16 =	vmul.f32 v18, v16;
	v17 =	vadd.f32 $2.450000000e+01, v24;
	v19 =	vld.idx.msk [tilespmem:v21+s4+$0x0], $0xffff;
	v5 =	vmul.f32 v5, v22  }
0x2e8: {  	v59 =	vmovc v35;
	v18 =	vmax.f32 v2, $-5.000000000e-01;
	v35 =	vadd.s32 s21, v50;
	v11 =	vadd.f32 $2.450000000e+01, v11;
	v39 =	vld [tilespmem:s9+$0x19420]  }
0x2e9: {  	s15 =	simm.s32 $0xA0;
	s14 =	simm.s32 $0x200;
	v18 =	vmin.f32 v18, $4.900000000e+01;
	v9 =	vld.idx.msk [tilespmem:v9+s4+$0x0], $0xffff;
	v0 =	vadd.f32 v0, v12;
	v4 =	vadd.f32 v5, v4  }
0x2ea: {  	s20 =	sand.u32 $0x60, s15;
	s19 =	sand.u32 $0xE00, s14;
	v23 =	vld [tilespmem:s6+$0x1AC80];
	v21 =	vmax.f32 v17, $-5.000000000e-01;
	v22 =	vmax.f32 v11, $-5.000000000e-01;
	v5 =	vadd.f32 $1.258291200e+07, v18  }
0x2eb: {  	s17 =	sor.u32 s19, s20;
	v12 =	vld [tilespmem:s11+$0x1AC80];
	v21 =	vmin.f32 v21, $4.900000000e+01;
	v1 =	vmul.f32 v20, v1;
	v4 =	vmul.f32 v4, v31  }
0x2ec: {  	s23 =	simm.s32 $0xB4C0E1E0;
	s22 =	simm.s32 $0x2;
	v22 =	vmin.f32 v22, $4.900000000e+01;
	v18 =	vld [tilespmem:s17+$0x1AC00];
	[tilespmem:$0x1F980] =	vst v35;
	v20 =	vadd.f32 $1.258291200e+07, v21;
	v21 =	vadd.s32 v5, v43  }
0x2ed: {  	s24 =	sand.u32 $0x3, s22;
	v24 =	vadd.s32 s23, v50;
	v22 =	vadd.f32 $1.258291200e+07, v22;
	v1 =	vadd.f32 v1, v19;
	[tilespmem:s30+$0x1CC00] =	vst v4  }
0x2ee: {  	s13 =	sshll.u32 s24, $0x5;
	v29 =	vmov v37;
	v27 =	vld [tilespmem:s8+$0x1AC80];
	v19 =	vadd.s32 v20, v35;
	[tilespmem:$0x1F9A0] =	vst v24  }
0x2ef: {  	s18 =	sor.u32 $0x180, s2;
	s25 =	sadd.s32 $0x100, s13;
	v4 =	vadd.s32 v22, v24;
	v1 =	vmul.f32 v1, v29;
	[tilespmem:$0x1F830] =	vst v29  }
0x2f0: {  	s15 =	sadd.s32 $0x20, s25;
	v7 =	vadd.f32 v13, v7;
	v13 =	vld [tilespmem:s18+$0x1AC00]  }
0x2f1: {  	s26 =	simm.s32 $0xB4C00FF0;
	s16 =	sor.u32 $0x100, s15;
	v18 =	vmul.f32 v18, v39;
	v21 =	vld.idx.msk [tilespmem:v21+s4+$0x0], $0xffff;
	[tilespmem:s1+$0x1CC80] =	vst v1  }
0x2f2: {  	v52 =	vadd.s32 s26, v28;
	s30 =	simm.s32 $0xB4C00CC0;
	v1 =	vld [tilespmem:s16+$0x1AC00]  }
0x2f3: {  	s29 =	simm.s32 $0xB4C01650;
	s22 =	simm.s32 $0xB4C0E820;
	v47 =	vadd.s32 s30, v28;
	v18 =	vadd.f32 $2.450000000e+01, v18;
	v19 =	vld.idx.msk [tilespmem:v19+s4+$0x0], $0xffff;
	[tilespmem:$0x1F990] =	vst v52  }
0x2f4: {  	v53 =	vadd.s32 s29, v28;
	s2 =	simm.s32 $0x80;
	v41 =	vadd.s32 s22, v50;
	v4 =	vld.idx.msk [tilespmem:v4+s4+$0x0], $0xffff;
	[tilespmem:$0x1F950] =	vst v47  }
0x2f5: {  	s3 =	simm.s32 $0xB4C0EB40;
	v25 =	vmovc v24;
	v9 =	vadd.f32 v16, v9;
	v16 =	vmul.f32 v0, v14;
	s1 =	sand.u32 $0x40, s2;
	v0 =	vmax.f32 v18, $-5.000000000e-01;
	v24 =	vld [tilespmem:s9+$0x19400];
	[tilespmem:$0x1F880] =	vst v48  }
0x2f6: {  	v38 =	vadd.s32 s3, v50;
	v58 =	vmovc v34;
	v23 =	vmul.f32 v23, v48;
	s14 =	sor.u32 s1, s19;
	v0 =	vmin.f32 v0, $4.900000000e+01;
	[tilespmem:$0x1F9B0] =	vst v53  }
0x2f7: {  	s21 =	simm.s32 $0xB4C01FE0;
	v14 =	vmovc v28;
	v12 =	vmul.f32 v12, v58;
	v3 =	vmul.f32 v13, v3;
	v13 =	vadd.f32 $1.258291200e+07, v0;
	v28 =	vld [tilespmem:s14+$0x1AC00]  }
0x2f8: {  	p0 =	por $0x0, $0x0;
	s13 =	simm.s32 $0x90;
	v45 =	vadd.s32 s21, v14;
	v7 =	vmul.f32 v7, v10;
	v9 =	vmul.f32 v9, v15;
	s2 =	simm.s32 $0x1;
	v30 =	vld [tilespmem:s17+$0x1AC80]  }
0x2f9: {  	s3 =	sand.u32 $0x50, s13;
	v60 =	vmovc v29;
	s2 =	simm.s32 @!p0 $0x0;
	v0 =	vld [tilespmem:s9+$0x19410];
	v10 =	vadd.f32 $2.450000000e+01, v3;
	v3 =	vmul.f32 v1, v32;
	v29 =	vadd.s32 v13, v38  }
0x2fa: {  	v20 =	vadd.s32 v20, v52;
	v22 =	vadd.s32 v22, v53;
	v5 =	vadd.s32 v5, v47;
	s1 =	sor.u32 s19, s3;
	s20 =	sshll.u32 s2, $0x6;
	v58 =	vld [tilespmem:s12+$0x19800]  }
0x2fb: {  	s2 =	sadd.s32 $0x0, s20;
	s20 =	simm.s32 $0xB4C0E500;
	v1 =	vadd.f32 $2.450000000e+01, v23;
	v13 =	vadd.s32 v13, v45;
	v23 =	vadd.f32 $2.450000000e+01, v3;
	v3 =	vld [tilespmem:s1+$0x1AC00]  }
0x2fc: {  	v27 =	vmul.f32 v27, v59;
	s3 =	sor.u32 $0x100, s2;
	[tilespmem:s7+$0x1CC80] =	vst v16;
	v15 =	vld [tilespmem:s12+$0x19810];
	v42 =	vadd.s32 s20, v50;
	v21 =	vmul.f32 v2, v21  }
0x2fd: {  	v31 =	vld [tilespmem:s3+$0x1AC00];
	v17 =	vmul.f32 v17, v19;
	v28 =	vmul.f32 v28, v24;
	v2 =	vmax.f32 v23, $-5.000000000e-01  }
0x2fe: {  	v4 =	vmul.f32 v11, v4;
	v30 =	vmul.f32 v30, v39;
	v2 =	vmin.f32 v2, $4.900000000e+01;
	v29 =	vld.idx.msk [tilespmem:v29+s4+$0x0], $0xffff;
	[tilespmem:$0x1FAF0] =	vst v0  }
0x2ff: {  	v16 =	vmax.f32 v10, $-5.000000000e-01;
	v19 =	vadd.f32 $2.450000000e+01, v28;
	v2 =	vadd.f32 $1.258291200e+07, v2;
	v55 =	vld [tilespmem:s12+$0x19830]  }
0x300: {  	s0 =	sand.u32 $0x7, s0;
	v16 =	vmin.f32 v16, $4.900000000e+01;
	v11 =	vld.idx.msk [tilespmem:v13+s4+$0x0], $0xffff;
	v13 =	vadd.f32 $2.450000000e+01, v30;
	v3 =	vmul.f32 v3, v0  }
0x301: {  	s0 =	sshll.u32 s0, $0x4;
	v5 =	vld.idx.msk [tilespmem:v5+s4+$0x0], $0xffff;
	v28 =	vadd.s32 v2, v33;
	v30 =	vadd.s32 v2, v26;
	v2 =	vmax.f32 v19, $-5.000000000e-01  }
0x302: {  	s0 =	sadd.s32 $0x0, s0;
	v20 =	vld.idx.msk [tilespmem:v20+s4+$0x0], $0xffff;
	v51 =	vadd.f32 $2.450000000e+01, v3;
	v2 =	vmin.f32 v2, $4.900000000e+01;
	v3 =	vmax.f32 v13, $-5.000000000e-01  }
0x303: {  	s7 =	sadd.s32 $0x10, s0;
	v49 =	vld [tilespmem:s9+$0x19820];
	[tilespmem:s10+$0x1CC80] =	vst v7;
	v54 =	vadd.f32 $1.258291200e+07, v2;
	v2 =	vmin.f32 v3, $4.900000000e+01;
	v3 =	vmul.f32 v18, v29  }
0x304: {  	s13 =	sor.u32 $0x100, s7;
	v16 =	vadd.f32 $1.258291200e+07, v16;
	[tilespmem:$0x1F780] =	vst v55;
	v7 =	vmax.f32 v51, $-5.000000000e-01;
	v18 =	vadd.f32 $1.258291200e+07, v2  }
0x305: {  	v29 =	vld [tilespmem:s13+$0x1AC00];
	v7 =	vmin.f32 v7, $4.900000000e+01;
	v3 =	vadd.f32 v3, v11;
	v11 =	vadd.s32 v54, v42  }
0x306: {  	v2 =	vadd.f32 $2.450000000e+01, v12;
	v12 =	vld.idx.msk [tilespmem:v22+s4+$0x0], $0xffff;
	v7 =	vadd.f32 $1.258291200e+07, v7;
	v22 =	vadd.s32 v18, v38  }
0x307: {  	v63 =	vmax.f32 v1, $-5.000000000e-01;
	v6 =	vadd.s32 v16, v6;
	[tilespmem:s5+$0x1CC80] =	vst v9;
	s5 =	sadd.s32 $0x30, s0;
	v9 =	vadd.f32 v21, v5;
	v5 =	vld.idx.msk [tilespmem:v28+s4+$0x0], $0xffff  }
0x308: {  	v17 =	vadd.f32 v17, v20;
	s12 =	sor.u32 $0x100, s5;
	v20 =	vld.idx.msk [tilespmem:v30+s4+$0x0], $0xffff;
	v28 =	vmul.f32 v3, v49;
	v21 =	vadd.s32 v7, v41  }
0x309: {  	v8 =	vadd.s32 v16, v8;
	v18 =	vadd.s32 v18, v45;
	v3 =	vadd.f32 $2.450000000e+01, v27;
	v30 =	vld [tilespmem:s12+$0x1AC00]  }
0x30a: {  	v16 =	vmul.f32 v31, v36;
	v27 =	vmin.f32 v63, $4.900000000e+01;
	v9 =	vmul.f32 v9, v58;
	[tilespmem:s17+$0x1CC00] =	vst v28;
	v11 =	vld.idx.msk [tilespmem:v11+s4+$0x0], $0xffff  }
0x30b: {  	v27 =	vadd.f32 $1.258291200e+07, v27;
	v28 =	vmax.f32 v2, $-5.000000000e-01;
	v31 =	vmax.f32 v3, $-5.000000000e-01;
	v22 =	vld.idx.msk [tilespmem:v22+s4+$0x0], $0xffff;
	[tilespmem:$0x1F940] =	vst v43  }
0x30c: {  	s23 =	simm.s32 $0xB0;
	v12 =	vadd.f32 v4, v12;
	v28 =	vmin.f32 v28, $4.900000000e+01;
	v23 =	vmul.f32 v23, v5;
	v5 =	vld.idx.msk [tilespmem:v6+s4+$0x0], $0xffff  }
0x30d: {  	s0 =	sand.u32 $0x70, s23;
	v59 =	vadd.s32 v27, v43;
	v4 =	vadd.f32 $2.450000000e+01, v16;
	v6 =	vmin.f32 v31, $4.900000000e+01;
	v21 =	vld.idx.msk [tilespmem:v21+s4+$0x0], $0xffff;
	[tilespmem:$0x1F7E0] =	vst v58  }
0x30e: {  	s0 =	sor.u32 s19, s0;
	v16 =	vadd.f32 $1.258291200e+07, v28;
	v6 =	vadd.f32 $1.258291200e+07, v6;
	v18 =	vld.idx.msk [tilespmem:v18+s4+$0x0], $0xffff;
	[tilespmem:s6+$0x1CC00] =	vst v9  }
0x30f: {  	v17 =	vmul.f32 v17, v15;
	v28 =	vld [tilespmem:s0+$0x1AC00];
	v19 =	vmul.f32 v19, v11;
	[tilespmem:$0x1F7F0] =	vst v15  }
0x310: {  	v11 =	vadd.s32 v16, v35;
	v9 =	vmul.f32 v13, v22;
	v13 =	vadd.s32 v6, v25;
	v25 =	vld [tilespmem:s9+$0x19430]  }
0x311: {  	v12 =	vmul.f32 v12, v55;
	v20 =	vadd.f32 v23, v20;
	v23 =	vmax.f32 v4, $-5.000000000e-01  }
0x312: {  	v16 =	vadd.s32 v16, v52;
	v22 =	vmin.f32 v23, $4.900000000e+01;
	v23 =	vmul.f32 v29, v57;
	v29 =	vld.idx.msk [tilespmem:v59+s4+$0x0], $0xffff  }
0x313: {  	s25 =	simm.s32 $0xB4C01980;
	v20 =	vmul.f32 v20, v60;
	[tilespmem:s11+$0x1CC00] =	vst v17;
	v8 =	vld.idx.msk [tilespmem:v8+s4+$0x0], $0xffff;
	v17 =	vadd.f32 $1.258291200e+07, v22;
	v22 =	vadd.s32 v27, v47  }
0x314: {  	[tilespmem:s8+$0x1CC00] =	vst v12;
	v6 =	vadd.s32 v6, v53;
	v12 =	vmul.f32 v30, v46;
	v46 =	vadd.s32 s25, v14;
	v27 =	vld [tilespmem:s14+$0x1AC80]  }
0x315: {  	s24 =	simm.s32 $0x4;
	v23 =	vadd.f32 $2.450000000e+01, v23;
	v9 =	vadd.f32 v9, v18;
	v31 =	vld.idx.msk [tilespmem:v11+s4+$0x0], $0xffff;
	v11 =	vmul.f32 v28, v25  }
0x316: {  	s26 =	simm.s32 $0xB4C01CB0;
	s10 =	sand.u32 $0x3, s24;
	v21 =	vmul.f32 v51, v21;
	v34 =	vld.idx.msk [tilespmem:v13+s4+$0x0], $0xffff;
	v28 =	vadd.f32 $2.450000000e+01, v12;
	v12 =	vadd.s32 v54, v46;
	[tilespmem:$0x1F8D0] =	vst v49  }
0x317: {  	s10 =	sshll.u32 s10, $0x5;
	v9 =	vmul.f32 v9, v49;
	v13 =	vld [tilespmem:s1+$0x1AC80];
	v55 =	vadd.f32 $2.450000000e+01, v11;
	v11 =	vadd.s32 s26, v14  }
0x318: {  	s10 =	sadd.s32 $0x200, s10;
	v18 =	vadd.s32 v17, v56;
	v22 =	vld.idx.msk [tilespmem:v22+s4+$0x0], $0xffff;
	[tilespmem:$0x1FAE0] =	vst v24;
	v7 =	vadd.s32 v7, v11  }
0x319: {  	s30 =	simm.s32 $0xB4C02310;
	s20 =	sadd.s32 $0x20, s10;
	v30 =	vadd.s32 v17, v44;
	v27 =	vmul.f32 v27, v24;
	[tilespmem:s17+$0x1CC80] =	vst v9;
	v16 =	vld.idx.msk [tilespmem:v16+s4+$0x0], $0xffff;
	v9 =	vmax.f32 v23, $-5.000000000e-01  }
0x31a: {  	s22 =	sor.u32 $0x100, s20;
	v17 =	vadd.s32 s30, v14;
	v63 =	vmax.f32 v28, $-5.000000000e-01;
	v6 =	vld.idx.msk [tilespmem:v6+s4+$0x0], $0xffff;
	v9 =	vmin.f32 v9, $4.900000000e+01  }
0x31b: {  	v27 =	vadd.f32 $2.450000000e+01, v27;
	v35 =	vld [tilespmem:s22+$0x1AC00];
	v57 =	vadd.f32 $1.258291200e+07, v9;
	v9 =	vmax.f32 v55, $-5.000000000e-01  }
0x31c: {  	v51 =	vmin.f32 v63, $4.900000000e+01;
	v9 =	vmin.f32 v9, $4.900000000e+01;
	v37 =	vld.idx.msk [tilespmem:v12+s4+$0x0], $0xffff;
	v13 =	vmul.f32 v13, v0  }
0x31d: {  	v36 =	vmovc v58;
	v58 =	vadd.f32 $1.258291200e+07, v51;
	v12 =	vmax.f32 v27, $-5.000000000e-01;
	v44 =	vadd.f32 $1.258291200e+07, v9;
	v7 =	vld.idx.msk [tilespmem:v7+s4+$0x0], $0xffff  }
0x31e: {  	s29 =	simm.s32 $0xB4C0EE60;
	v53 =	vld [tilespmem:s9+$0x19800];
	v9 =	vmin.f32 v12, $4.900000000e+01;
	v59 =	vadd.s32 v57, v61;
	v61 =	vadd.f32 $2.450000000e+01, v13  }
0x31f: {  	v30 =	vld.idx.msk [tilespmem:v30+s4+$0x0], $0xffff;
	v62 =	vadd.s32 v58, v62;
	v60 =	vadd.f32 $1.258291200e+07, v9;
	v13 =	vadd.s32 s29, v50  }
0x320: {  	v18 =	vld.idx.msk [tilespmem:v18+s4+$0x0], $0xffff;
	v54 =	vmul.f32 v35, v39;
	[tilespmem:$0x1F8F0] =	vst v17;
	v63 =	vadd.s32 v44, v13;
	v0 =	vmax.f32 v61, $-5.000000000e-01  }
0x321: {  	s30 =	sor.u32 $0x180, s15;
	v47 =	vadd.s32 v44, v17;
	[tilespmem:s16+$0x1CC00] =	vst v20;
	v19 =	vadd.f32 v19, v37;
	v37 =	vld [tilespmem:s9+$0x19810];
	v0 =	vmin.f32 v0, $4.900000000e+01  }
0x322: {  	v56 =	vadd.f32 $1.258291200e+07, v0;
	v0 =	vadd.s32 v60, v42;
	v7 =	vadd.f32 v21, v7;
	v21 =	vld [tilespmem:s30+$0x1AC00]  }
0x323: {  	v1 =	vmul.f32 v1, v29;
	v20 =	vld.idx.msk [tilespmem:v59+s4+$0x0], $0xffff;
	v19 =	vmul.f32 v19, v53  }
0x324: {  	v54 =	vadd.f32 $2.450000000e+01, v54;
	v29 =	vld.idx.msk [tilespmem:v62+s4+$0x0], $0xffff;
	[tilespmem:$0x1FA40] =	vst v53  }
0x325: {  	v1 =	vadd.f32 v1, v22;
	v22 =	vld.idx.msk [tilespmem:v63+s4+$0x0], $0xffff;
	[tilespmem:s14+$0x1CC00] =	vst v19  }
0x326: {  	v35 =	vmax.f32 v54, $-5.000000000e-01;
	v59 =	vadd.s32 v56, v41;
	v19 =	vld.idx.msk [tilespmem:v47+s4+$0x0], $0xffff;
	[tilespmem:$0x1FA80] =	vst v37  }
0x327: {  	p0 =	por !p0, !p0;
	s10 =	simm.s32 $0x1;
	v1 =	vmul.f32 v1, v36;
	v62 =	vmin.f32 v35, $4.900000000e+01;
	v47 =	vld.idx.msk [tilespmem:v0+s4+$0x0], $0xffff;
	v0 =	vmul.f32 v21, v32  }
0x328: {  	s10 =	simm.s32 @!p0 $0x0;
	v5 =	vmul.f32 v10, v5;
	v44 =	vadd.f32 $1.258291200e+07, v62;
	v7 =	vmul.f32 v7, v37  }
0x329: {  	s10 =	sshll.u32 s10, $0x6;
	[tilespmem:s6+$0x1CC80] =	vst v1;
	v9 =	vadd.f32 $2.450000000e+01, v0  }
0x32a: {  	s21 =	sadd.s32 $0x100, s10;
	v62 =	vadd.s32 v44, v38;
	[tilespmem:s1+$0x1CC00] =	vst v7;
	v21 =	vld [tilespmem:s0+$0x1AC80];
	v0 =	vadd.f32 v5, v8  }
0x32b: {  	s10 =	simm.s32 $0x300;
	s23 =	sor.u32 $0x100, s21;
	s15 =	simm.s32 $0xE0;
	v1 =	vld.idx.msk [tilespmem:v59+s4+$0x0], $0xffff;
	[tilespmem:$0x1F7C0] =	vst v9  }
0x32c: {  	s17 =	simm.s32 $0xC0;
	v2 =	vmul.f32 v2, v31;
	v10 =	vadd.s32 v44, v45;
	s6 =	sand.u32 $0xE00, s10;
	s10 =	sand.u32 $0x60, s15;
	v31 =	vld [tilespmem:s23+$0x1AC00];
	[tilespmem:$0x1F810] =	vst v0  }
0x32d: {  	s19 =	sor.u32 s6, s10;
	v0 =	vmul.f32 v3, v34;
	v7 =	vld [tilespmem:s17+$0x19420]  }
0x32e: {  	v2 =	vadd.f32 v2, v16;
	v3 =	vmul.f32 v4, v30;
	v4 =	vmax.f32 v9, $-5.000000000e-01;
	v5 =	vld [tilespmem:s19+$0x1AC00];
	[tilespmem:$0x1FB10] =	vst v25  }
0x32f: {  	v16 =	vmul.f32 v21, v25;
	v8 =	vadd.f32 v0, v6;
	v21 =	vld.idx.msk [tilespmem:v62+s4+$0x0], $0xffff;
	v0 =	vmul.f32 v28, v29  }
0x330: {  	v4 =	vmin.f32 v4, $4.900000000e+01;
	v6 =	vld [tilespmem:$0x1F870]  }
0x331: {  	v62 =	vadd.f32 v3, v18;
	v3 =	vadd.f32 $1.258291200e+07, v4;
	v4 =	vld.idx.msk [tilespmem:v10+s4+$0x0], $0xffff;
	[tilespmem:$0x1F7A0] =	vst v0  }
0x332: {  	v0 =	vld [tilespmem:s9+$0x19830]  }
0x333: {  	s24 =	simm.s32 $0xD0;
	s16 =	simm.s32 $0xC0;
	v36 =	vmul.f32 v23, v20;
	v32 =	vadd.f32 $2.450000000e+01, v16;
	v12 =	vld [tilespmem:s17+$0x19400]  }
0x334: {  	s26 =	sand.u32 $0x50, s24;
	s10 =	sand.u32 $0x40, s16;
	v18 =	vmul.f32 v55, v22;
	v29 =	vadd.s32 v58, v40;
	v16 =	vmul.f32 v31, v48;
	v10 =	vld [tilespmem:s17+$0x19410]  }
0x335: {  	s25 =	simm.s32 $0xF0;
	v20 =	vadd.s32 v3, v33;
	v23 =	vmax.f32 v32, $-5.000000000e-01;
	s9 =	sor.u32 s10, s6;
	s10 =	sor.u32 s6, s26;
	v48 =	vld [tilespmem:s17+$0x19430];
	v22 =	vadd.s32 v57, v6  }
0x336: {  	s15 =	sand.u32 $0x70, s25;
	v5 =	vmul.f32 v5, v7;
	v34 =	vld [tilespmem:s10+$0x1AC00];
	v59 =	vadd.f32 $2.450000000e+01, v16;
	v16 =	vmin.f32 v23, $4.900000000e+01  }
0x337: {  	v35 =	vmul.f32 v61, v1;
	v3 =	vadd.s32 v3, v26;
	s6 =	sor.u32 s6, s15;
	v23 =	vld [tilespmem:s9+$0x1AC00];
	v30 =	vadd.f32 $1.258291200e+07, v16  }
0x338: {  	s29 =	simm.s32 $0xB4C0F7C0;
	v18 =	vadd.f32 v18, v19;
	v19 =	vmul.f32 v54, v21;
	v21 =	vld [tilespmem:s6+$0x1AC00];
	v26 =	vadd.f32 $2.450000000e+01, v5  }
0x339: {  	v55 =	vadd.s32 v56, v11;
	v40 =	vadd.s32 s29, v50;
	v63 =	vld.idx.msk [tilespmem:v29+s4+$0x0], $0xffff;
	v44 =	vadd.s32 v30, v13  }
0x33a: {  	v33 =	vmul.f32 v27, v47;
	v47 =	vmax.f32 v26, $-5.000000000e-01;
	v18 =	vmul.f32 v18, v0;
	v61 =	vld.idx.msk [tilespmem:v22+s4+$0x0], $0xffff;
	[tilespmem:$0x1FAC0] =	vst v0  }
0x33b: {  	v29 =	vadd.s32 v60, v46;
	v31 =	vmax.f32 v59, $-5.000000000e-01;
	v22 =	vmin.f32 v47, $4.900000000e+01;
	v56 =	vld.idx.msk [tilespmem:v20+s4+$0x0], $0xffff;
	[tilespmem:$0x1F910] =	vst v12  }
0x33c: {  	v6 =	vmovc v7;
	v7 =	vadd.f32 v19, v4;
	v19 =	vmin.f32 v31, $4.900000000e+01;
	v22 =	vadd.f32 $1.258291200e+07, v22;
	[tilespmem:s0+$0x1CC00] =	vst v18;
	v58 =	vld.idx.msk [tilespmem:v3+s4+$0x0], $0xffff  }
0x33d: {  	v60 =	vadd.f32 $1.258291200e+07, v19;
	v19 =	vadd.s32 v30, v17;
	v20 =	vmul.f32 v23, v12;
	[tilespmem:$0x1F900] =	vst v10;
	v47 =	vld [tilespmem:$0x1F780]  }
0x33e: {  	v3 =	vmul.f32 v34, v10;
	v18 =	vadd.s32 v22, v40;
	v30 =	vld.idx.msk [tilespmem:v44+s4+$0x0], $0xffff  }
0x33f: {  	s24 =	simm.s32 $0xB4C02CA0;
	v34 =	vadd.f32 $2.450000000e+01, v20;
	v20 =	vmul.f32 v21, v48;
	v21 =	vld [tilespmem:s19+$0x1AC80]  }
0x340: {  	v9 =	vadd.s32 s24, v14;
	v54 =	vadd.f32 $2.450000000e+01, v3;
	v3 =	vadd.s32 v60, v43;
	v29 =	vld.idx.msk [tilespmem:v29+s4+$0x0], $0xffff  }
0x341: {  	s16 =	simm.s32 $0x4;
	v55 =	vld.idx.msk [tilespmem:v55+s4+$0x0], $0xffff;
	[tilespmem:$0x1F8E0] =	vst v9;
	v28 =	vadd.f32 $2.450000000e+01, v20  }
0x342: {  	v52 =	vmov v49;
	v2 =	vmul.f32 v2, v15;
	s15 =	sand.u32 $0x7, s16;
	v31 =	vld.idx.msk [tilespmem:v19+s4+$0x0], $0xffff  }
0x343: {  	v49 =	vmovc v24;
	v51 =	vmovc v25;
	s15 =	sshll.u32 s15, $0x4;
	v25 =	vadd.s32 v22, v9;
	v20 =	vmax.f32 v34, $-5.000000000e-01;
	v24 =	vld.idx.msk [tilespmem:v18+s4+$0x0], $0xffff;
	v18 =	vmax.f32 v28, $-5.000000000e-01  }
0x344: {  	s25 =	simm.s32 $0xB4C0F180;
	s15 =	sadd.s32 $0x100, s15;
	v20 =	vmin.f32 v20, $4.900000000e+01;
	v8 =	vmul.f32 v8, v47;
	v19 =	vmin.f32 v18, $4.900000000e+01;
	v18 =	vld [tilespmem:$0x1F790];
	[tilespmem:s11+$0x1CC80] =	vst v2  }
0x345: {  	s24 =	sadd.s32 $0x10, s15;
	v17 =	vmovc v13;
	v13 =	vadd.s32 s25, v50;
	s25 =	simm.s32 $0xB4C02640;
	v23 =	vmax.f32 v54, $-5.000000000e-01;
	v44 =	vld.idx.msk [tilespmem:v3+s4+$0x0], $0xffff;
	v2 =	vmul.f32 v7, v52;
	[tilespmem:$0x1F9F0] =	vst v6  }
0x346: {  	s26 =	sadd.s32 $0x30, s15;
	s15 =	simm.s32 $0xB4C0F4A0;
	s29 =	sor.u32 $0x100, s24;
	v57 =	vmovc v0;
	v43 =	vadd.s32 s25, v14;
	v23 =	vmin.f32 v23, $4.900000000e+01;
	v0 =	vadd.f32 $1.258291200e+07, v20;
	[tilespmem:s8+$0x1CC80] =	vst v8  }
0x347: {  	s16 =	simm.s32 $0xB4C0FAE0;
	v1 =	vadd.f32 $1.258291200e+07, v23;
	v20 =	vmovc v42;
	v3 =	vmul.f32 v21, v6;
	v42 =	vadd.s32 s15, v50;
	v4 =	vld [tilespmem:s29+$0x1AC00];
	[tilespmem:s22+$0x1CC00] =	vst v2  }
0x348: {  	v21 =	vmovc v11;
	v5 =	vadd.s32 v0, v13;
	v52 =	vadd.s32 s16, v50;
	v7 =	vadd.f32 $1.258291200e+07, v19;
	v11 =	vld [tilespmem:$0x1F890]  }
0x349: {  	v15 =	vmovc v6;
	s28 =	sor.u32 $0x100, s26;
	v6 =	vadd.s32 v1, v42;
	v27 =	vadd.f32 $2.450000000e+01, v3;
	v3 =	vmul.f32 v26, v24;
	v24 =	vld.idx.msk [tilespmem:v25+s4+$0x0], $0xffff  }
0x34a: {  	s16 =	simm.s32 $0xB4C02970;
	v8 =	vld [tilespmem:s28+$0x1AC00];
	v25 =	vadd.s32 v7, v52;
	[tilespmem:$0x1FB00] =	vst v43  }
0x34b: {  	s11 =	sor.u32 $0x180, s20;
	v16 =	vadd.s32 s16, v14;
	v2 =	vadd.s32 v0, v43;
	v19 =	vmax.f32 v27, $-5.000000000e-01;
	v22 =	vld [tilespmem:s17+$0x19820]  }
0x34c: {  	v1 =	vadd.s32 v1, v16;
	v26 =	vld [tilespmem:s11+$0x1AC00]  }
0x34d: {  	v5 =	vld.idx.msk [tilespmem:v5+s4+$0x0], $0xffff;
	v4 =	vmul.f32 v4, v11  }
0x34e: {  	v0 =	vmin.f32 v19, $4.900000000e+01;
	v19 =	vmovc v41;
	v41 =	vadd.f32 v36, v61;
	v61 =	vld.idx.msk [tilespmem:v6+s4+$0x0], $0xffff;
	v24 =	vadd.f32 v3, v24  }
0x34f: {  	v6 =	vadd.f32 $2.450000000e+01, v4;
	v4 =	vld.idx.msk [tilespmem:v25+s4+$0x0], $0xffff;
	[tilespmem:$0x1FAA0] =	vst v40  }
0x350: {  	v2 =	vld.idx.msk [tilespmem:v2+s4+$0x0], $0xffff;
	v24 =	vmul.f32 v24, v22  }
0x351: {  	v1 =	vld.idx.msk [tilespmem:v1+s4+$0x0], $0xffff;
	[tilespmem:$0x1F960] =	vst v22  }
0x352: {  	v11 =	vld [tilespmem:$0x1F8A0];
	[tilespmem:s19+$0x1CC00] =	vst v24  }
0x353: {  	v3 =	vld [tilespmem:$0x1F950];
	_ =	sdelay $0x2  }
0x354: {  	s20 =	simm.s32 $0xB4C02FD0;
	v29 =	vadd.f32 v33, v29  }
0x355: {  	v33 =	vadd.f32 v35, v55;
	v23 =	vadd.s32 s20, v14;
	v8 =	vmul.f32 v8, v11  }
0x356: {  	v7 =	vadd.s32 v7, v23;
	v0 =	vadd.f32 $1.258291200e+07, v0;
	v35 =	vadd.s32 v60, v3;
	v3 =	vld [tilespmem:$0x1F980]  }
0x357: {  	v36 =	vadd.f32 $2.450000000e+01, v8;
	v8 =	vmul.f32 v26, v39;
	v26 =	vmax.f32 v6, $-5.000000000e-01  }
0x358: {  	v29 =	vmul.f32 v29, v53;
	v25 =	vadd.s32 v0, v40;
	v26 =	vmin.f32 v26, $4.900000000e+01  }
0x359: {  	v32 =	vmul.f32 v32, v30;
	v24 =	vadd.f32 $1.258291200e+07, v26  }
0x35a: {  	p0 =	por !p0, !p0;
	s8 =	simm.s32 $0x1;
	[tilespmem:s14+$0x1CC80] =	vst v29  }
0x35b: {  	v31 =	vadd.f32 v32, v31;
	s8 =	simm.s32 @!p0 $0x0;
	v32 =	vadd.s32 v24, v3;
	v3 =	vld [tilespmem:$0x1F9A0]  }
0x35c: {  	s8 =	sshll.u32 s8, $0x6;
	v7 =	vld.idx.msk [tilespmem:v7+s4+$0x0], $0xffff;
	v30 =	vmax.f32 v36, $-5.000000000e-01  }
0x35d: {  	s15 =	sadd.s32 $0x200, s8;
	v0 =	vadd.s32 v0, v9;
	v25 =	vld.idx.msk [tilespmem:v25+s4+$0x0], $0xffff;
	v26 =	vmin.f32 v30, $4.900000000e+01  }
0x35e: {  	s20 =	sor.u32 $0x100, s15;
	v26 =	vadd.f32 $1.258291200e+07, v26;
	v60 =	vld [tilespmem:s10+$0x1AC80]  }
0x35f: {  	v11 =	vmov v40;
	v40 =	vld [tilespmem:s20+$0x1AC00]  }
0x360: {  	v5 =	vmul.f32 v34, v5;
	v34 =	vadd.s32 v26, v3;
	v3 =	vld [tilespmem:$0x1F990]  }
0x361: {  	v4 =	vmul.f32 v28, v4;
	v9 =	vadd.f32 $2.450000000e+01, v8;
	v8 =	vld [tilespmem:s9+$0x1AC80]  }
0x362: {  	v54 =	vmul.f32 v54, v61;
	v0 =	vld.idx.msk [tilespmem:v0+s4+$0x0], $0xffff  }
0x363: {  	v7 =	vadd.f32 v4, v7;
	v4 =	vmul.f32 v60, v10  }
0x364: {  	v54 =	vadd.f32 v54, v1;
	v1 =	vmul.f32 v27, v25  }
0x365: {  	v25 =	vmul.f32 v40, v49;
	v49 =	vadd.f32 $2.450000000e+01, v4;
	v4 =	vld [tilespmem:s17+$0x19800];
	v24 =	vadd.s32 v24, v3  }
0x366: {  	v2 =	vadd.f32 v5, v2;
	v5 =	vmul.f32 v8, v12;
	v8 =	vld [tilespmem:s6+$0x1AC80]  }
0x367: {  	v0 =	vadd.f32 v1, v0;
	v1 =	vmul.f32 v33, v37;
	v35 =	vld.idx.msk [tilespmem:v35+s4+$0x0], $0xffff  }
0x368: {  	v32 =	vld.idx.msk [tilespmem:v32+s4+$0x0], $0xffff  }
0x369: {  	[tilespmem:s1+$0x1CC80] =	vst v1;
	v34 =	vld.idx.msk [tilespmem:v34+s4+$0x0], $0xffff  }
0x36a: {  	s22 =	simm.s32 $0x8;
	v53 =	vadd.f32 $2.450000000e+01, v5;
	v5 =	vmul.f32 v31, v57;
	v33 =	vld.idx.msk [tilespmem:v24+s4+$0x0], $0xffff;
	[tilespmem:$0x1FA00] =	vst v4  }
0x36b: {  	s8 =	sand.u32 $0x7, s22;
	v1 =	vmul.f32 v8, v48;
	v10 =	vld [tilespmem:s17+$0x19810]  }
0x36c: {  	s8 =	sshll.u32 s8, $0x4;
	v55 =	vmax.f32 v9, $-5.000000000e-01;
	v3 =	vld [tilespmem:$0x1F9B0];
	[tilespmem:s0+$0x1CC80] =	vst v5  }
0x36d: {  	s8 =	sadd.s32 $0x200, s8;
	v29 =	vmin.f32 v55, $4.900000000e+01;
	v30 =	vadd.f32 $2.450000000e+01, v1;
	v1 =	vld [tilespmem:$0x1F9E0]  }
0x36e: {  	s25 =	simm.s32 $0x6;
	s16 =	sadd.s32 $0x10, s8;
	v29 =	vadd.f32 $1.258291200e+07, v29  }
0x36f: {  	s14 =	sand.u32 $0x3, s25;
	s25 =	sor.u32 $0x100, s16;
	v0 =	vmul.f32 v0, v22  }
0x370: {  	v38 =	vadd.s32 v29, v38;
	v29 =	vadd.s32 v29, v45;
	v2 =	vmul.f32 v2, v4;
	v45 =	vld [tilespmem:s25+$0x1AC00];
	[tilespmem:$0x1FA10] =	vst v10  }
0x371: {  	[tilespmem:s19+$0x1CC80] =	vst v0;
	v22 =	vld [tilespmem:s17+$0x19830]  }
0x372: {  	s22 =	sshll.u32 s14, $0x5;
	s1 =	sadd.s32 $0x30, s8;
	v31 =	vadd.s32 v26, v3;
	v5 =	vmax.f32 v49, $-5.000000000e-01;
	v39 =	vmul.f32 v62, v1;
	v3 =	vld [tilespmem:$0x1FAF0];
	[tilespmem:s9+$0x1CC00] =	vst v2  }
0x373: {  	s14 =	sadd.s32 $0x300, s22;
	s22 =	sor.u32 $0x100, s1;
	v5 =	vmin.f32 v5, $4.900000000e+01;
	v54 =	vmul.f32 v54, v10;
	v2 =	vld [tilespmem:$0x1FAB0]  }
0x374: {  	v55 =	vld [tilespmem:s22+$0x1AC00];
	v0 =	vadd.f32 $1.258291200e+07, v5;
	[tilespmem:s3+$0x1CC00] =	vst v39  }
0x375: {  	[tilespmem:s10+$0x1CC00] =	vst v54  }
0x376: {  	s14 =	sadd.s32 $0x20, s14;
	v26 =	vmov v42;
	v60 =	vadd.s32 v0, v16;
	v4 =	vld [tilespmem:$0x1F7A0]  }
0x377: {  	s31 =	sor.u32 $0x100, s14;
	v37 =	vmul.f32 v45, v3;
	v3 =	vadd.s32 v0, v26;
	v0 =	vmul.f32 v7, v22  }
0x378: {  	v24 =	vmax.f32 v53, $-5.000000000e-01;
	v1 =	vld [tilespmem:s31+$0x1AC00];
	v2 =	vmul.f32 v41, v2  }
0x379: {  	s0 =	sor.u32 $0x180, s2;
	v51 =	vmul.f32 v55, v51;
	v55 =	vld.idx.msk [tilespmem:v29+s4+$0x0], $0xffff;
	[tilespmem:s6+$0x1CC00] =	vst v0  }
0x37a: {  	v8 =	vmin.f32 v24, $4.900000000e+01;
	v29 =	vld [tilespmem:s0+$0x1AC00];
	[tilespmem:s13+$0x1CC00] =	vst v2  }
0x37b: {  	v24 =	vmovc v46;
	v46 =	vmax.f32 v30, $-5.000000000e-01;
	v62 =	vadd.f32 $2.450000000e+01, v51;
	v51 =	vadd.f32 v4, v63;
	v0 =	vld [tilespmem:$0x1F7B0]  }
0x37c: {  	v61 =	vmin.f32 v46, $4.900000000e+01  }
0x37d: {  	v61 =	vadd.f32 $1.258291200e+07, v61;
	v45 =	vmul.f32 v51, v18  }
0x37e: {  	v42 =	vadd.f32 $2.450000000e+01, v25  }
0x37f: {  	v8 =	vadd.f32 $1.258291200e+07, v8;
	v27 =	vadd.f32 $2.450000000e+01, v37;
	v37 =	vadd.s32 v61, v52;
	[tilespmem:s12+$0x1CC00] =	vst v45  }
0x380: {  	v5 =	vmax.f32 v42, $-5.000000000e-01;
	v1 =	vmul.f32 v1, v15;
	v29 =	vmul.f32 v29, v0;
	v0 =	vld [tilespmem:$0x1F7C0]  }
0x381: {  	v31 =	vld.idx.msk [tilespmem:v31+s4+$0x0], $0xffff;
	s19 =	sor.u32 $0x180, s7;
	v5 =	vmin.f32 v5, $4.900000000e+01  }
0x382: {  	v57 =	vadd.s32 v8, v13;
	v40 =	vadd.f32 $1.258291200e+07, v5;
	v5 =	vadd.f32 $2.450000000e+01, v1;
	v1 =	vld [tilespmem:s19+$0x1AC00]  }
0x383: {  	v8 =	vadd.s32 v8, v43;
	v43 =	vmax.f32 v27, $-5.000000000e-01;
	v54 =	vld.idx.msk [tilespmem:v3+s4+$0x0], $0xffff  }
0x384: {  	v3 =	vmin.f32 v43, $4.900000000e+01;
	v43 =	vmax.f32 v5, $-5.000000000e-01;
	v63 =	vld.idx.msk [tilespmem:v37+s4+$0x0], $0xffff  }
0x385: {  	v37 =	vmin.f32 v43, $4.900000000e+01;
	v43 =	vmul.f32 v0, v56;
	v0 =	vld [tilespmem:$0x1F7D0]  }
0x386: {  	v46 =	vld.idx.msk [tilespmem:v38+s4+$0x0], $0xffff;
	v2 =	vadd.s32 v61, v23  }
0x387: {  	v57 =	vld.idx.msk [tilespmem:v57+s4+$0x0], $0xffff;
	v39 =	vadd.s32 v40, v20;
	v3 =	vadd.f32 $1.258291200e+07, v3  }
0x388: {  	v28 =	vld.idx.msk [tilespmem:v8+s4+$0x0], $0xffff;
	v40 =	vadd.s32 v40, v24  }
0x389: {  	v12 =	vld.idx.msk [tilespmem:v60+s4+$0x0], $0xffff;
	v60 =	vadd.s32 v3, v19  }
0x38a: {  	v1 =	vmul.f32 v1, v0;
	v0 =	vld [tilespmem:$0x1F7E0]  }
0x38b: {  	v45 =	vld.idx.msk [tilespmem:v2+s4+$0x0], $0xffff;
	v2 =	vmul.f32 v59, v44  }
0x38c: {  	s17 =	sor.u32 $0x180, s5;
	v59 =	vld.idx.msk [tilespmem:v39+s4+$0x0], $0xffff  }
0x38d: {  	v51 =	vadd.s32 v3, v21;
	v3 =	vmul.f32 v6, v32;
	v32 =	vld.idx.msk [tilespmem:v40+s4+$0x0], $0xffff;
	[dreg:$0x7] =	wrdreg s17;
	v35 =	vadd.f32 v2, v35  }
0x38e: {  	v7 =	vld.idx.msk [tilespmem:v60+s4+$0x0], $0xffff  }
0x38f: {  	v60 =	vmul.f32 v35, v0;
	v0 =	vld [tilespmem:$0x1F7F0]  }
0x390: {  	v38 =	vmax.f32 v62, $-5.000000000e-01  }
0x391: {  	v41 =	vmin.f32 v38, $4.900000000e+01  }
0x392: {  	v61 =	vadd.f32 $1.258291200e+07, v41;
	v33 =	vadd.f32 v3, v33;
	[tilespmem:s23+$0x1CC00] =	vst v60  }
0x393: {  	v15 =	vmov v23;
	v56 =	vadd.f32 $1.258291200e+07, v37;
	v23 =	vadd.f32 $2.450000000e+01, v1;
	v1 =	vld [tilespmem:$0x1F810]  }
0x394: {  	v37 =	vadd.s32 v61, v17;
	v33 =	vmul.f32 v33, v0;
	v0 =	vld [tilespmem:$0x1F800]  }
0x395: {  	v34 =	vmul.f32 v36, v34;
	v6 =	vadd.s32 v56, v11;
	_ =	sdelay $0x1  }
0x396: {  	v31 =	vadd.f32 v34, v31;
	v51 =	vld.idx.msk [tilespmem:v51+s4+$0x0], $0xffff  }
0x397: {  	v39 =	vadd.f32 v43, v58;
	v58 =	vadd.f32 $2.450000000e+01, v29;
	v29 =	vld [tilespmem:s17+$0x1AC00]  }
0x398: {  	v43 =	vld.idx.msk [tilespmem:v37+s4+$0x0], $0xffff;
	v0 =	vmul.f32 v1, v0  }
0x399: {  	v31 =	vmul.f32 v31, v47;
	v47 =	vld.idx.msk [tilespmem:v6+s4+$0x0], $0xffff  }
0x39a: {  	[tilespmem:$0x1FB20] =	vst v0;
	v0 =	vld [tilespmem:$0x1F820];
	_ =	sdelay $0x3  }
0x39b: {  	[tilespmem:s29+$0x1CC00] =	vst v33  }
0x39c: {  	v29 =	vmul.f32 v29, v0;
	v0 =	vld [tilespmem:$0x1F830];
	_ =	sdelay $0x3  }
0x39d: {  	s23 =	sor.u32 $0x180, s21  }
0x39e: {  	[dreg:$0xb] =	wrdreg s23;
	v0 =	vmul.f32 v39, v0  }
0x39f: {  	v34 =	vld [tilespmem:s23+$0x1AC00]  }
0x3a0: {  	[tilespmem:$0x1FB30] =	vst v0;
	v0 =	vld [tilespmem:$0x1F840]  }
0x3a1: {  	v38 =	vmax.f32 v58, $-5.000000000e-01  }
0x3a2: {  	v35 =	vmin.f32 v38, $4.900000000e+01  }
0x3a3: {  	v35 =	vadd.f32 $1.258291200e+07, v35;
	_ =	sdelay $0x1  }
0x3a4: {  	v4 =	vadd.s32 v35, v0;
	v0 =	vld [tilespmem:$0x1F850];
	_ =	sdelay $0x2  }
0x3a5: {  	s24 =	sor.u32 $0x180, s24;
	[tilespmem:s28+$0x1CC00] =	vst v31  }
0x3a6: {  	s26 =	sor.u32 $0x180, s26;
	v46 =	vmul.f32 v9, v46;
	[dreg:$0x9] =	wrdreg s24;
	v9 =	vld [tilespmem:$0x1F8A0]  }
0x3a7: {  	v8 =	vadd.s32 v35, v0;
	v35 =	vld [tilespmem:s24+$0x1AC00];
	[dreg:$0x5] =	wrdreg s26  }
0x3a8: {  	v1 =	vld [tilespmem:s26+$0x1AC00];
	_ =	sdelay $0x3  }
0x3a9: {  	v38 =	vadd.f32 $2.450000000e+01, v29  }
0x3aa: {  	v9 =	vmul.f32 v1, v9;
	v1 =	vld [tilespmem:$0x1F8B0]  }
0x3ab: {  	v36 =	vmov v52;
	v52 =	vmax.f32 v38, $-5.000000000e-01  }
0x3ac: {  	v60 =	vmin.f32 v52, $4.900000000e+01  }
0x3ad: {  	v52 =	vadd.f32 $1.258291200e+07, v60  }
0x3ae: {  	v0 =	vld [tilespmem:$0x1F860]  }
0x3af: {  	v53 =	vmul.f32 v53, v57;
	v40 =	vmax.f32 v23, $-5.000000000e-01;
	v57 =	vadd.s32 v52, v1;
	v1 =	vld [tilespmem:$0x1F8C0]  }
0x3b0: {  	v41 =	vmin.f32 v40, $4.900000000e+01;
	v2 =	vld [tilespmem:$0x1F880]  }
0x3b1: {  	v44 =	vadd.f32 $1.258291200e+07, v41;
	_ =	sdelay $0x1  }
0x3b2: {  	v3 =	vadd.s32 v44, v0;
	v0 =	vld [tilespmem:$0x1F870]  }
0x3b3: {  	s8 =	simm.s32 $0x400;
	v52 =	vadd.s32 v52, v1;
	v1 =	vld [tilespmem:$0x1F8D0]  }
0x3b4: {  	s7 =	simm.s32 $0x100;
	s3 =	sand.u32 $0xE00, s8;
	s12 =	simm.s32 $0x120;
	v34 =	vmul.f32 v34, v2;
	v2 =	vld [tilespmem:$0x1F890]  }
0x3b5: {  	s5 =	sand.u32 $0x60, s12;
	s17 =	simm.s32 $0xB4C10120;
	v39 =	vld [tilespmem:s7+$0x19400];
	s26 =	simm.s32 $0x100  }
0x3b6: {  	v25 =	vmov v13;
	v46 =	vadd.f32 v46, v55;
	v37 =	vadd.s32 s17, v50;
	s17 =	sor.u32 s3, s5;
	s21 =	simm.s32 $0xB4C03960;
	v13 =	vld [tilespmem:s7+$0x19420];
	s2 =	sand.u32 $0x40, s26  }
0x3b7: {  	s12 =	simm.s32 $0x110;
	v31 =	vmov v48;
	v48 =	vadd.s32 s21, v14;
	s21 =	sor.u32 s2, s3;
	v6 =	vadd.s32 v44, v0;
	v0 =	vld [tilespmem:s17+$0x1AC00]  }
0x3b8: {  	s5 =	sand.u32 $0x50, s12;
	v55 =	vld [tilespmem:s21+$0x1AC00];
	v1 =	vmul.f32 v46, v1  }
0x3b9: {  	s2 =	sor.u32 s3, s5;
	v2 =	vmul.f32 v35, v2;
	v35 =	vld [tilespmem:s7+$0x19410]  }
0x3ba: {  	s12 =	simm.s32 $0x130;
	v44 =	vmul.f32 v30, v63;
	v63 =	vld [tilespmem:s2+$0x1AC00];
	[tilespmem:$0x1FB40] =	vst v1;
	v1 =	vmul.f32 v42, v59  }
0x3bb: {  	v49 =	vmul.f32 v49, v54;
	v7 =	vmul.f32 v27, v7;
	s13 =	sand.u32 $0x70, s12;
	s23 =	simm.s32 $0xB4C10760  }
0x3bc: {  	v41 =	vadd.s32 s23, v50;
	s23 =	sor.u32 s3, s13;
	v0 =	vmul.f32 v0, v13;
	v1 =	vadd.f32 v1, v32  }
0x3bd: {  	v30 =	vadd.f32 v49, v12;
	v12 =	vadd.f32 v44, v45;
	v59 =	vld [tilespmem:s23+$0x1AC00]  }
0x3be: {  	v49 =	vld [tilespmem:s7+$0x19430];
	[tilespmem:$0x1FA50] =	vst v1;
	v1 =	vmul.f32 v55, v39;
	v55 =	vadd.f32 $2.450000000e+01, v0;
	v0 =	vadd.f32 v7, v51  }
0x3bf: {  	v44 =	vld [tilespmem:$0x1F8E0];
	[tilespmem:$0x1FA30] =	vst v12  }
0x3c0: {  	[tilespmem:$0x1FA90] =	vst v0  }
0x3c1: {  	v29 =	vld.idx.msk [tilespmem:v3+s4+$0x0], $0xffff  }
0x3c2: {  	v3 =	vld [tilespmem:$0x1F8F0];
	_ =	sdelay $0x1  }
0x3c3: {  	v0 =	vadd.s32 v56, v44;
	_ =	sdelay $0x1  }
0x3c4: {  	v60 =	vadd.f32 v53, v28;
	v33 =	vadd.f32 $2.450000000e+01, v1;
	v1 =	vmax.f32 v55, $-5.000000000e-01  }
0x3c5: {  	v32 =	vmul.f32 v62, v43;
	v28 =	vld.idx.msk [tilespmem:v4+s4+$0x0], $0xffff;
	v4 =	vmin.f32 v1, $4.900000000e+01;
	v62 =	vadd.s32 v61, v3  }
0x3c6: {  	s29 =	simm.s32 $0xB4C10440;
	v43 =	vld.idx.msk [tilespmem:v57+s4+$0x0], $0xffff;
	v4 =	vadd.f32 $1.258291200e+07, v4  }
0x3c7: {  	v10 =	vadd.s32 s29, v50;
	v1 =	vmul.f32 v59, v49;
	v0 =	vld.idx.msk [tilespmem:v0+s4+$0x0], $0xffff  }
0x3c8: {  	v42 =	vadd.f32 $2.450000000e+01, v34;
	v8 =	vld.idx.msk [tilespmem:v8+s4+$0x0], $0xffff;
	v57 =	vadd.s32 v4, v10  }
0x3c9: {  	v27 =	vld.idx.msk [tilespmem:v6+s4+$0x0], $0xffff;
	v56 =	vadd.f32 $2.450000000e+01, v1;
	v1 =	vmax.f32 v33, $-5.000000000e-01  }
0x3ca: {  	v5 =	vmul.f32 v5, v47;
	v1 =	vmin.f32 v1, $4.900000000e+01;
	v34 =	vld.idx.msk [tilespmem:v62+s4+$0x0], $0xffff;
	[tilespmem:$0x1F920] =	vst v42  }
0x3cb: {  	v54 =	vmov v10;
	v10 =	vadd.f32 $1.258291200e+07, v1;
	v1 =	vmax.f32 v42, $-5.000000000e-01;
	v52 =	vld.idx.msk [tilespmem:v52+s4+$0x0], $0xffff  }
0x3cc: {  	v6 =	vadd.f32 $2.450000000e+01, v2;
	v2 =	vmin.f32 v1, $4.900000000e+01;
	v1 =	vadd.f32 v5, v0;
	v5 =	vld [tilespmem:s17+$0x1AC80]  }
0x3cd: {  	v12 =	vadd.s32 v4, v48;
	v4 =	vld.idx.msk [tilespmem:v57+s4+$0x0], $0xffff  }
0x3ce: {  	v51 =	vmax.f32 v6, $-5.000000000e-01;
	[tilespmem:$0x1F930] =	vst v6;
	v6 =	vld [tilespmem:$0x1F940];
	_ =	sdelay $0x2  }
0x3cf: {  	v2 =	vadd.f32 $1.258291200e+07, v2  }
0x3d0: {  	v7 =	vmul.f32 v63, v35  }
0x3d1: {  	v46 =	vadd.s32 v2, v6;
	v6 =	vld.idx.msk [tilespmem:v12+s4+$0x0], $0xffff  }
0x3d2: {  	v7 =	vadd.f32 $2.450000000e+01, v7;
	v63 =	vmax.f32 v56, $-5.000000000e-01;
	v12 =	vld [tilespmem:$0x1F950]  }
0x3d3: {  	s29 =	simm.s32 $0xB4C03C90;
	v45 =	vmin.f32 v63, $4.900000000e+01  }
0x3d4: {  	v11 =	vadd.s32 s29, v14;
	s24 =	simm.s32 $0xB4C03630;
	v3 =	vmax.f32 v7, $-5.000000000e-01  }
0x3d5: {  	v40 =	vadd.s32 s24, v14;
	s3 =	simm.s32 $0xB4C0FE00;
	v3 =	vmin.f32 v3, $4.900000000e+01;
	v61 =	vadd.f32 $1.258291200e+07, v45  }
0x3d6: {  	s26 =	simm.s32 $0xB4C03300;
	v53 =	vadd.s32 s3, v50;
	v59 =	vadd.f32 $1.258291200e+07, v3;
	v45 =	vmovc v40;
	v40 =	vadd.f32 $2.450000000e+01, v9  }
0x3d7: {  	v9 =	vadd.s32 s26, v14;
	v62 =	vadd.s32 v10, v53;
	v14 =	vadd.s32 v2, v12;
	v12 =	vld [tilespmem:$0x1F960]  }
0x3d8: {  	v63 =	vadd.s32 v59, v37;
	_ =	sdelay $0x1  }
0x3d9: {  	v2 =	vadd.f32 v32, v34  }
0x3da: {  	v47 =	vld [tilespmem:$0x1F910]  }
0x3db: {  	v62 =	vld.idx.msk [tilespmem:v62+s4+$0x0], $0xffff;
	[tilespmem:$0x1FAD0] =	vst v2;
	v1 =	vmul.f32 v1, v12  }
0x3dc: {  	v32 =	vld.idx.msk [tilespmem:v63+s4+$0x0], $0xffff;
	[tilespmem:$0x1F970] =	vst v40  }
0x3dd: {  	v50 =	vld [tilespmem:$0x1F900];
	v2 =	vmax.f32 v40, $-5.000000000e-01;
	[tilespmem:s31+$0x1CC00] =	vst v1  }
0x3de: {  	v1 =	vmin.f32 v2, $4.900000000e+01;
	v2 =	vld [tilespmem:$0x1F980];
	_ =	sdelay $0x1  }
0x3df: {  	v0 =	vmin.f32 v51, $4.900000000e+01  }
0x3e0: {  	v0 =	vadd.f32 $1.258291200e+07, v0;
	_ =	sdelay $0x1  }
0x3e1: {  	v28 =	vmul.f32 v58, v28;
	v58 =	vadd.s32 v0, v2;
	v2 =	vld [tilespmem:$0x1F990];
	_ =	sdelay $0x4  }
0x3e2: {  	v51 =	vadd.s32 v0, v2;
	v2 =	vld [tilespmem:$0x1F9A0];
	_ =	sdelay $0x2  }
0x3e3: {  	v0 =	vmul.f32 v23, v29;
	v29 =	vadd.f32 $1.258291200e+07, v1  }
0x3e4: {  	v3 =	vadd.s32 v61, v41  }
0x3e5: {  	v23 =	vadd.s32 v29, v2;
	v2 =	vld [tilespmem:$0x1F9B0]  }
0x3e6: {  	v10 =	vadd.s32 v10, v9;
	_ =	sdelay $0x2  }
0x3e7: {  	s5 =	sor.u32 $0x180, s14;
	v38 =	vmul.f32 v38, v43;
	v3 =	vld.idx.msk [tilespmem:v3+s4+$0x0], $0xffff  }
0x3e8: {  	v34 =	vld [tilespmem:s5+$0x1AC00];
	v2 =	vadd.s32 v29, v2  }
0x3e9: {  	v1 =	vld.idx.msk [tilespmem:v10+s4+$0x0], $0xffff;
	v57 =	vadd.f32 v0, v27;
	v0 =	vadd.f32 v38, v52;
	[tilespmem:$0x1F9C0] =	vst v2  }
0x3ea: {  	v29 =	vld [tilespmem:s21+$0x1AC80]  }
0x3eb: {  	[tilespmem:$0x1F9D0] =	vst v0;
	v0 =	vld [tilespmem:$0x1F9E0];
	_ =	sdelay $0x2  }
0x3ec: {  	v8 =	vadd.f32 v28, v8;
	_ =	sdelay $0x1  }
0x3ed: {  	v10 =	vmul.f32 v8, v0;
	v0 =	vld [tilespmem:$0x1F9F0];
	_ =	sdelay $0x1  }
0x3ee: {  	v5 =	vmul.f32 v5, v13  }
0x3ef: {  	v4 =	vmul.f32 v55, v4;
	v43 =	vld [tilespmem:s7+$0x19820]  }
0x3f0: {  	v5 =	vadd.f32 $2.450000000e+01, v5;
	v63 =	vld [tilespmem:s23+$0x1AC80]  }
0x3f1: {  	v4 =	vadd.f32 v4, v6;
	v6 =	vmul.f32 v33, v62;
	v55 =	vmul.f32 v34, v0;
	v0 =	vld [tilespmem:$0x1FA00]  }
0x3f2: {  	v28 =	vmax.f32 v5, $-5.000000000e-01;
	v52 =	vadd.s32 v59, v45;
	v27 =	vmul.f32 v7, v32;
	v32 =	vld [tilespmem:s7+$0x19800]  }
0x3f3: {  	v28 =	vmin.f32 v28, $4.900000000e+01;
	v34 =	vmul.f32 v56, v3;
	v3 =	vadd.f32 v6, v1;
	v1 =	vld [tilespmem:$0x1FA10]  }
0x3f4: {  	v59 =	vadd.s32 v61, v11;
	v38 =	vadd.f32 $1.258291200e+07, v28;
	v28 =	vld [tilespmem:s7+$0x19810]  }
0x3f5: {  	v33 =	vld [tilespmem:s7+$0x19830]  }
0x3f6: {  	v8 =	vld [tilespmem:s2+$0x1AC80];
	v4 =	vmul.f32 v4, v43;
	v42 =	vmovc v0;
	v56 =	vmul.f32 v60, v0;
	v0 =	vadd.s32 v38, v54  }
0x3f7: {  	v52 =	vld.idx.msk [tilespmem:v52+s4+$0x0], $0xffff;
	v29 =	vmul.f32 v29, v39;
	[tilespmem:$0x1FA20] =	vst v22  }
0x3f8: {  	v6 =	vmul.f32 v30, v1;
	v1 =	vld [tilespmem:$0x1FA30];
	[tilespmem:s17+$0x1CC00] =	vst v4  }
0x3f9: {  	v59 =	vld.idx.msk [tilespmem:v59+s4+$0x0], $0xffff;
	v55 =	vadd.f32 $2.450000000e+01, v55;
	v60 =	vadd.s32 v38, v48;
	v38 =	vadd.f32 $2.450000000e+01, v29;
	[tilespmem:$0x1FA60] =	vst v49  }
0x3fa: {  	v40 =	vmov v39;
	v39 =	vmul.f32 v63, v49;
	v49 =	vld.idx.msk [tilespmem:v46+s4+$0x0], $0xffff  }
0x3fb: {  	v8 =	vmul.f32 v8, v35;
	v30 =	vmovc v35;
	v35 =	vmax.f32 v55, $-5.000000000e-01;
	v63 =	vld.idx.msk [tilespmem:v0+s4+$0x0], $0xffff;
	v0 =	vmax.f32 v38, $-5.000000000e-01  }
0x3fc: {  	v46 =	vmin.f32 v35, $4.900000000e+01;
	v35 =	vadd.f32 $2.450000000e+01, v39;
	v39 =	vmin.f32 v0, $4.900000000e+01;
	v0 =	vld.idx.msk [tilespmem:v58+s4+$0x0], $0xffff;
	_ =	sdelay $0x1  }
0x3fd: {  	v2 =	vld [tilespmem:$0x1FA50]  }
0x3fe: {  	v61 =	vmul.f32 v1, v22;
	v1 =	vld [tilespmem:$0x1FA40];
	_ =	sdelay $0x1  }
0x3ff: {  	[tilespmem:$0x1FA70] =	vst v0  }
0x400: {  	[tilespmem:s9+$0x1CC80] =	vst v56  }
0x401: {  	p0 =	por !p0, !p0;
	s7 =	simm.s32 $0x1;
	v0 =	vld [tilespmem:$0x1FA80]  }
0x402: {  	s7 =	simm.s32 @!p0 $0x0;
	v4 =	vmul.f32 v2, v1;
	v1 =	vld [tilespmem:$0x1FA90]  }
0x403: {  	s7 =	sshll.u32 s7, $0x6  }
0x404: {  	s7 =	sadd.s32 $0x300, s7  }
0x405: {  	s24 =	sor.u32 $0x100, s7;
	[tilespmem:s10+$0x1CC80] =	vst v6  }
0x406: {  	v60 =	vld.idx.msk [tilespmem:v60+s4+$0x0], $0xffff;
	[dreg:$0x15] =	wrdreg s24  }
0x407: {  	v56 =	vmul.f32 v1, v0;
	v0 =	vld [tilespmem:$0x1FAA0];
	[tilespmem:s6+$0x1CC80] =	vst v61  }
0x408: {  	[tilespmem:s20+$0x1CC00] =	vst v4  }
0x409: {  	s14 =	simm.s32 $0xC;
	[tilespmem:s25+$0x1CC00] =	vst v56  }
0x40a: {  	s13 =	sand.u32 $0x7, s14;
	v7 =	vld [tilespmem:$0x1FAB0]  }
0x40b: {  	s13 =	sshll.u32 s13, $0x4  }
0x40c: {  	s13 =	sadd.s32 $0x300, s13  }
0x40d: {  	s14 =	sadd.s32 $0x10, s13;
	v8 =	vadd.f32 $2.450000000e+01, v8  }
0x40e: {  	s13 =	sadd.s32 $0x30, s13;
	v3 =	vmul.f32 v3, v32;
	v46 =	vadd.f32 $1.258291200e+07, v46;
	v2 =	vld [tilespmem:s24+$0x1AC00];
	s24 =	sor.u32 $0x100, s14  }
0x40f: {  	s15 =	sor.u32 $0x180, s15;
	s28 =	sor.u32 $0x100, s13;
	v58 =	vadd.f32 $1.258291200e+07, v39;
	v39 =	vmax.f32 v8, $-5.000000000e-01;
	v61 =	vld [tilespmem:s24+$0x1AC00];
	v7 =	vmul.f32 v57, v7  }
0x410: {  	v6 =	vmin.f32 v39, $4.900000000e+01;
	v4 =	vadd.s32 v46, v44;
	v39 =	vadd.s32 v46, v0;
	v46 =	vld [tilespmem:s28+$0x1AC00];
	[dreg:$0x10] =	wrdreg s15  }
0x411: {  	v27 =	vadd.f32 v27, v52;
	v52 =	vld [tilespmem:s15+$0x1AC00];
	[tilespmem:$0x1FB50] =	vst v7  }
0x412: {  	v34 =	vadd.f32 v34, v59;
	[tilespmem:s21+$0x1CC00] =	vst v3  }
0x413: {  	v27 =	vmul.f32 v27, v28;
	s20 =	sor.u32 $0x180, s16;
	v7 =	vld [tilespmem:$0x1FAC0]  }
0x414: {  	v34 =	vmul.f32 v34, v33;
	[dreg:$0x11] =	wrdreg s20;
	v22 =	vld [tilespmem:$0x1FAD0]  }
0x415: {  	v1 =	vadd.s32 v58, v53;
	[tilespmem:s2+$0x1CC00] =	vst v27  }
0x416: {  	v5 =	vmul.f32 v5, v63;
	v58 =	vadd.s32 v58, v9;
	v0 =	vmax.f32 v35, $-5.000000000e-01;
	v63 =	vld.idx.msk [tilespmem:v4+s4+$0x0], $0xffff;
	[tilespmem:s23+$0x1CC00] =	vst v34  }
0x417: {  	v0 =	vmin.f32 v0, $4.900000000e+01;
	v4 =	vld [tilespmem:$0x1FAE0]  }
0x418: {  	v5 =	vadd.f32 v5, v60;
	v0 =	vadd.f32 $1.258291200e+07, v0;
	v3 =	vld [tilespmem:s20+$0x1AC00]  }
0x419: {  	v6 =	vadd.f32 $1.258291200e+07, v6;
	v59 =	vld.idx.msk [tilespmem:v39+s4+$0x0], $0xffff;
	v39 =	vmul.f32 v22, v7  }
0x41a: {  	v5 =	vmul.f32 v5, v43;
	v2 =	vmul.f32 v2, v47;
	v57 =	vadd.s32 v0, v41;
	v1 =	vld.idx.msk [tilespmem:v1+s4+$0x0], $0xffff  }
0x41b: {  	v56 =	vadd.s32 v6, v37;
	v6 =	vadd.s32 v6, v45;
	v58 =	vld.idx.msk [tilespmem:v58+s4+$0x0], $0xffff;
	[tilespmem:s22+$0x1CC00] =	vst v39  }
0x41c: {  	v27 =	vadd.f32 $2.450000000e+01, v2;
	v2 =	vmul.f32 v61, v50;
	v29 =	vmul.f32 v52, v4;
	v4 =	vld [tilespmem:$0x1FAF0];
	[tilespmem:s17+$0x1CC80] =	vst v5  }
0x41d: {  	v46 =	vmul.f32 v46, v31;
	v34 =	vadd.s32 v0, v11;
	v0 =	vld [tilespmem:$0x1FB00]  }
0x41e: {  	v62 =	vadd.f32 $2.450000000e+01, v2;
	v2 =	vld [tilespmem:$0x1FB20]  }
0x41f: {  	v61 =	vadd.f32 $2.450000000e+01, v46;
	v7 =	vld.idx.msk [tilespmem:v57+s4+$0x0], $0xffff;
	v57 =	vmax.f32 v27, $-5.000000000e-01  }
0x420: {  	v56 =	vld.idx.msk [tilespmem:v56+s4+$0x0], $0xffff;
	v60 =	vmax.f32 v62, $-5.000000000e-01;
	v55 =	vmul.f32 v55, v59;
	v52 =	vmin.f32 v57, $4.900000000e+01  }
0x421: {  	v57 =	vmin.f32 v60, $4.900000000e+01;
	v60 =	vld.idx.msk [tilespmem:v6+s4+$0x0], $0xffff;
	v6 =	vmax.f32 v61, $-5.000000000e-01;
	v59 =	vadd.f32 $1.258291200e+07, v52  }
0x422: {  	v44 =	vmov v9;
	v1 =	vmul.f32 v38, v1;
	v52 =	vld.idx.msk [tilespmem:v23+s4+$0x0], $0xffff;
	v6 =	vmin.f32 v6, $4.900000000e+01  }
0x423: {  	v39 =	vmovc v11;
	v9 =	vmul.f32 v3, v4;
	v23 =	vmov v0;
	v11 =	vadd.s32 v59, v0;
	v0 =	vld [tilespmem:$0x1FB10];
	[tilespmem:s18+$0x1CC00] =	vst v2  }
0x424: {  	v3 =	vadd.s32 v59, v25;
	v59 =	vadd.f32 $1.258291200e+07, v6;
	v6 =	vadd.f32 v1, v58;
	v1 =	vld [tilespmem:$0x1FB30];
	_ =	sdelay $0x1  }
0x425: {  	s10 =	sor.u32 $0x180, s1;
	v8 =	vmul.f32 v8, v56;
	v56 =	vld.idx.msk [tilespmem:v51+s4+$0x0], $0xffff  }
0x426: {  	s14 =	sor.u32 $0x180, s14;
	v46 =	vld [tilespmem:s10+$0x1AC00]  }
0x427: {  	v4 =	vadd.f32 $1.258291200e+07, v57;
	v57 =	vld.idx.msk [tilespmem:v14+s4+$0x0], $0xffff;
	[dreg:$0x16] =	wrdreg s14  }
0x428: {  	[tilespmem:s30+$0x1CC00] =	vst v1  }
0x429: {  	s20 =	simm.s32 $0x8;
	v1 =	vld [tilespmem:$0x1FB40]  }
0x42a: {  	s22 =	sand.u32 $0x3, s20  }
0x42b: {  	s1 =	sshll.u32 s22, $0x5  }
0x42c: {  	s1 =	sadd.s32 $0x400, s1  }
0x42d: {  	s22 =	sadd.s32 $0x20, s1;
	s1 =	simm.s32 $0x10;
	[tilespmem:s0+$0x1CC00] =	vst v10  }
0x42e: {  	s25 =	sand.u32 $0x7, s1;
	[tilespmem:s11+$0x1CC00] =	vst v1  }
0x42f: {  	p0 =	por !p0, !p0;
	s15 =	sshll.u32 s25, $0x4;
	v1 =	vld [tilespmem:$0x1FB50]  }
0x430: {  	s17 =	simm.s32 $0x1;
	s16 =	sor.u32 $0x100, s22;
	s25 =	sadd.s32 $0x400, s15  }
0x431: {  	v55 =	vadd.f32 v55, v63;
	s17 =	simm.s32 @!p0 $0x0;
	s29 =	sadd.s32 $0x10, s25;
	v5 =	vld [tilespmem:s16+$0x1AC00]  }
0x432: {  	v63 =	vmul.f32 v35, v7;
	s17 =	sshll.u32 s17, $0x6;
	v7 =	vadd.f32 v8, v60;
	v14 =	vadd.s32 v4, v26;
	v60 =	vld.idx.msk [tilespmem:v34+s4+$0x0], $0xffff;
	s11 =	sor.u32 $0x180, s29  }
0x433: {  	s6 =	sor.u32 $0x180, s7;
	s7 =	sadd.s32 $0x400, s17;
	v51 =	vadd.s32 v59, v36;
	v3 =	vld.idx.msk [tilespmem:v3+s4+$0x0], $0xffff;
	v0 =	vmul.f32 v46, v0;
	[dreg:$0x12] =	wrdreg s11  }
0x434: {  	v29 =	vadd.f32 $2.450000000e+01, v29;
	v8 =	vmul.f32 v55, v12;
	s31 =	sor.u32 $0x100, s7;
	s7 =	sor.u32 $0x180, s7;
	[tilespmem:s19+$0x1CC00] =	vst v1  }
0x435: {  	v46 =	vadd.f32 $2.450000000e+01, v9;
	s30 =	sadd.s32 $0x30, s25;
	v34 =	vadd.f32 $2.450000000e+01, v0;
	v0 =	vld.idx.msk [tilespmem:v11+s4+$0x0], $0xffff;
	[dreg:$0x17] =	wrdreg s7  }
0x436: {  	v58 =	vadd.s32 v4, v16;
	v4 =	vmax.f32 v29, $-5.000000000e-01;
	v55 =	vadd.s32 v59, v15;
	s0 =	sor.u32 $0x180, s30;
	[tilespmem:s5+$0x1CC00] =	vst v8  }
0x437: {  	p0 =	por !p0, !p0;
	s15 =	sor.u32 $0x180, s13;
	v59 =	vmin.f32 v4, $4.900000000e+01;
	v4 =	vmax.f32 v46, $-5.000000000e-01;
	v2 =	vmax.f32 v34, $-5.000000000e-01;
	v1 =	vld.idx.msk [tilespmem:v14+s4+$0x0], $0xffff;
	[dreg:$0x13] =	wrdreg s0  }
0x438: {  	v22 =	vmovc v13;
	s13 =	sor.u32 $0x100, s29;
	s14 =	sor.u32 $0x100, s30;
	v4 =	vmin.f32 v4, $4.900000000e+01;
	v2 =	vmin.f32 v2, $4.900000000e+01;
	v8 =	vmul.f32 v5, v13;
	s0 =	simm.s32 $0x10;
	v5 =	vld.idx.msk [tilespmem:v51+s4+$0x0], $0xffff  }
.LBB2_9:
0x439: {  	v11 =	vmov v25  }
0x43a: {  	v6 =	vmul.f32 v6, v32  }
0x43b: {  	v58 =	vld.idx.msk [tilespmem:v58+s4+$0x0], $0xffff;
	[tilespmem:$0x1F740] =	vst v11  }
0x43c: {  	[tilespmem:s21+$0x1CC80] =	vst v6;
	v6 =	vld [tilespmem:$0x1F9C0];
	v11 =	vmov v36  }
0x43d: {  	v3 =	vmul.f32 v27, v3;
	[tilespmem:$0x1F750] =	vst v11;
	v11 =	vld [tilespmem:$0x1F8F0];
	_ =	sdelay $0x1  }
0x43e: {  	s5 =	simm.s32 $0x1;
	v7 =	vmul.f32 v7, v28;
	v13 =	vadd.f32 v3, v0;
	v0 =	vmov v41;
	v41 =	vld [tilespmem:$0x1FA10]  }
0x43f: {  	v10 =	vadd.f32 $1.258291200e+07, v4;
	s8 =	sadd.s32 $0x100, s8;
	v2 =	vadd.f32 $1.258291200e+07, v2;
	s5 =	simm.s32 @!p0 $0x0;
	v3 =	vmul.f32 v62, v1  }
0x440: {  	v35 =	vld.idx.msk [tilespmem:v55+s4+$0x0], $0xffff;
	s12 =	sadd.s32 $0x40, s12;
	v4 =	vadd.f32 $2.450000000e+01, v8;
	s7 =	sshll.u32 s5, $0x6;
	s5 =	sshra.s32 s8, $0x2;
	[tilespmem:s2+$0x1CC80] =	vst v7;
	v8 =	vadd.f32 v63, v60  }
0x441: {  	[dreg:$0x1a] =	wrdreg s22;
	s22 =	sadd.s32 $0xFFFFFFD0, s12;
	s25 =	sadd.s32 $0xFFFFFFE0, s12;
	[tilespmem:$0x1F710] =	vst v0;
	v3 =	vadd.f32 v3, v58;
	v58 =	vld [tilespmem:s5+$0x19410];
	v0 =	vadd.s32 v2, v11;
	v11 =	vmov v16  }
0x442: {  	s30 =	sand.u32 $0xE00, s8;
	s29 =	sand.u32 $0x40, s22;
	s22 =	sand.u32 $0x50, s25;
	v12 =	vmul.f32 v8, v33;
	[tilespmem:$0x1F760] =	vst v11;
	v11 =	vld [tilespmem:$0x1FA70]  }
0x443: {  	s2 =	sor.u32 s30, s22;
	v6 =	vld.idx.msk [tilespmem:v6+s4+$0x0], $0xffff;
	v3 =	vmul.f32 v3, v41  }
0x444: {  	[tilespmem:s23+$0x1CC80] =	vst v12;
	v12 =	vadd.s32 v2, v17;
	v2 =	vld [tilespmem:s2+$0x1AC00]  }
0x445: {  	[tilespmem:s24+$0x1CC00] =	vst v3;
	v3 =	vld [tilespmem:$0x1F930];
	_ =	sdelay $0x2  }
0x446: {  	v27 =	vld [tilespmem:s31+$0x1AC00]  }
0x447: {  	s1 =	sadd.s32 $0x4, s1;
	v14 =	vld [tilespmem:$0x1FA20];
	s19 =	sadd.s32 $0xFFFFFFF0, s12  }
0x448: {  	s17 =	sand.u32 $0x7, s1;
	s21 =	sand.u32 $0x60, s19;
	v3 =	vmul.f32 v3, v11;
	v11 =	vld [tilespmem:$0x1F970]  }
0x449: {  	s18 =	sshll.u32 s17, $0x4;
	v55 =	vld [tilespmem:s5+$0x19400];
	s17 =	sor.u32 s30, s21;
	s21 =	sor.u32 s29, s30  }
0x44a: {  	v60 =	vadd.s32 v10, v19;
	v5 =	vmul.f32 v61, v5;
	v61 =	vadd.s32 v10, v21;
	v10 =	vld [tilespmem:s21+$0x1AC00];
	v1 =	vmovc v26  }
0x44b: {  	v7 =	vmax.f32 v4, $-5.000000000e-01;
	[tilespmem:$0x1F770] =	vst v1;
	v1 =	vld [tilespmem:s5+$0x19420];
	v17 =	vmul.f32 v27, v40  }
0x44c: {  	v9 =	vadd.f32 $1.258291200e+07, v59;
	v7 =	vmin.f32 v7, $4.900000000e+01;
	[tilespmem:$0x1F9C0] =	vst v0;
	v0 =	vld [tilespmem:$0x1F920]  }
0x44d: {  	v5 =	vadd.f32 v5, v35;
	[tilespmem:$0x1F700] =	vst v12;
	v12 =	vld [tilespmem:$0x1FAC0];
	v27 =	vadd.f32 $2.450000000e+01, v17;
	v17 =	vmul.f32 v11, v52;
	v11 =	vmovc v45  }
0x44e: {  	s9 =	sand.u32 $0x70, s12;
	v7 =	vadd.f32 $1.258291200e+07, v7;
	v8 =	vmov v37;
	v38 =	vmul.f32 v13, v42;
	[tilespmem:$0x1F730] =	vst v11;
	v11 =	vld [tilespmem:$0x1F9D0]  }
0x44f: {  	v59 =	vadd.s32 v9, v20;
	v62 =	vadd.s32 v9, v24;
	v5 =	vmul.f32 v5, v14;
	[tilespmem:$0x1F720] =	vst v8;
	v8 =	vld [tilespmem:s17+$0x1AC00];
	s23 =	sor.u32 s30, s9;
	s9 =	rddreg [dreg:$0x15]  }
0x450: {  	v9 =	vadd.s32 v7, v54;
	[tilespmem:s9+$0x1CC00] =	vst v38;
	v63 =	vld [tilespmem:s5+$0x19430];
	v38 =	vadd.f32 v3, v56;
	v3 =	vadd.f32 v17, v6  }
0x451: {  	v7 =	vadd.s32 v7, v48;
	v13 =	vmul.f32 v0, v49;
	v0 =	vmov v48;
	v48 =	vld [tilespmem:s23+$0x1AC00];
	[tilespmem:s28+$0x1CC00] =	vst v5  }
0x452: {  	v12 =	vmov v12;
	[tilespmem:$0x1F9D0] =	vst v3;
	v3 =	vld [tilespmem:$0x1F780]  }
0x453: {  	v5 =	vadd.f32 v13, v57;
	[tilespmem:$0x1F780] =	vst v12;
	v12 =	vld [tilespmem:$0x1FA40];
	v13 =	vmul.f32 v11, v18;
	v11 =	vmov v14  }
0x454: {  	[tilespmem:$0x1FAC0] =	vst v11;
	v11 =	vld [tilespmem:$0x1F7E0];
	_ =	sdelay $0x3  }
0x455: {  	s22 =	sadd.s32 s7, s8;
	s11 =	sadd.s32 s18, s8  }
0x456: {  	s19 =	smov.u32 s31;
	s31 =	sor.u32 $0x100, s22;
	s18 =	sadd.s32 $0x10, s11;
	v8 =	vmul.f32 v8, v1;
	v19 =	vmul.f32 v5, v11;
	v11 =	vmov v12  }
0x457: {  	s25 =	sadd.s32 $0x30, s11;
	s29 =	sor.u32 $0x100, s18;
	s7 =	sor.u32 $0x180, s18;
	[tilespmem:$0x1F7E0] =	vst v11;
	v11 =	vld [tilespmem:$0x1F7F0]  }
0x458: {  	s11 =	sor.u32 $0x100, s25;
	s18 =	sor.u32 $0x180, s22;
	s30 =	rddreg [dreg:$0x7];
	v9 =	vld.idx.msk [tilespmem:v9+s4+$0x0], $0xffff;
	v8 =	vadd.f32 $2.450000000e+01, v8  }
0x459: {  	s22 =	sor.u32 $0x180, s25;
	s25 =	smov.u32 s10;
	s10 =	rddreg [dreg:$0xb];
	v7 =	vld.idx.msk [tilespmem:v7+s4+$0x0], $0xffff;
	[tilespmem:s30+$0x1CC00] =	vst v13  }
0x45a: {  	v51 =	vmov v43;
	[dreg:$0x15] =	wrdreg s19;
	v13 =	vmax.f32 v8, $-5.000000000e-01;
	v49 =	vld [tilespmem:s23+$0x1AC80]  }
0x45b: {  	v43 =	vmovc v31;
	s19 =	smov.u32 s13;
	s13 =	smov.u32 s29;
	s29 =	rddreg [dreg:$0x13];
	v18 =	vmul.f32 v2, v58;
	v6 =	vmovc v3;
	v16 =	vmin.f32 v13, $4.900000000e+01;
	v13 =	vmul.f32 v48, v63;
	v48 =	vld [tilespmem:s5+$0x19830]  }
0x45c: {  	v31 =	vmovc v50;
	s9 =	rddreg [dreg:$0x5];
	[tilespmem:$0x1F790] =	vst v6;
	v6 =	vmul.f32 v10, v55;
	v12 =	vld [tilespmem:$0x1FFF0];
	v17 =	vmul.f32 v38, v11;
	v11 =	vmov v42  }
0x45d: {  	v50 =	vmovc v47;
	v26 =	vmovc v54;
	[dreg:$0x5] =	wrdreg s25;
	v35 =	vmax.f32 v27, $-5.000000000e-01;
	v2 =	vmov v33;
	s30 =	smov.u32 s22;
	v52 =	vadd.f32 $2.450000000e+01, v18;
	[tilespmem:$0x1FA40] =	vst v11;
	v11 =	vld [tilespmem:$0x1FA80]  }
0x45e: {  	s3 =	sadd.s32 $0xC80, s3;
	v54 =	vmovc v40;
	[tilespmem:$0x1FA20] =	vst v2;
	[dreg:$0x13] =	wrdreg s30;
	v40 =	vadd.f32 $1.258291200e+07, v16;
	v16 =	vmul.f32 v4, v9;
	v4 =	vmovc v15;
	v47 =	vadd.f32 $2.450000000e+01, v6;
	v6 =	vld [tilespmem:s2+$0x1AC80]  }
0x45f: {  	s28 =	smov.u32 s14;
	s14 =	smov.u32 s9;
	s30 =	rddreg [dreg:$0x9];
	v56 =	vadd.f32 $2.450000000e+01, v13;
	[tilespmem:$0x1F8F0] =	vst v4;
	v42 =	vmov v32;
	v32 =	vld [tilespmem:s5+$0x19810]  }
0x460: {  	s26 =	sadd.s32 $0xCC0, s26;
	s25 =	smov.u32 s15;
	[dreg:$0x7] =	wrdreg s14;
	v3 =	vmin.f32 v35, $4.900000000e+01;
	v9 =	vmovc v46;
	v5 =	vmov v41;
	v41 =	vmax.f32 v52, $-5.000000000e-01;
	[tilespmem:s30+$0x1CC00] =	vst v17;
	v17 =	vld [tilespmem:$0x1FFE0]  }
0x461: {  	s9 =	smov.u32 s29;
	s29 =	sadd.s32 $0x640, s3;
	s14 =	rddreg [dreg:$0x10];
	v35 =	vmovc v39;
	v10 =	vld [tilespmem:s21+$0x1AC80];
	[tilespmem:$0x1F930] =	vst v9;
	v7 =	vadd.f32 v16, v7;
	v39 =	vmax.f32 v56, $-5.000000000e-01;
	v9 =	vmin.f32 v41, $4.900000000e+01  }
0x462: {  	s24 =	smov.u32 s11;
	s15 =	smov.u32 s14;
	s14 =	rddreg [dreg:$0x11];
	v13 =	vmovc v34;
	v34 =	vld [tilespmem:s28+$0x1AC00];
	[tilespmem:s10+$0x1CC00] =	vst v19;
	v33 =	vmin.f32 v39, $4.900000000e+01;
	v2 =	vadd.s32 s29, v12;
	v14 =	vmovc v11;
	v11 =	vmov v28  }
0x463: {  	s11 =	sadd.s32 $0x320, s3;
	[dreg:$0xb] =	wrdreg s15;
	s15 =	smov.u32 s14;
	v9 =	vadd.f32 $1.258291200e+07, v9;
	v7 =	vmul.f32 v7, v51;
	v57 =	vadd.s32 v40, v2;
	[tilespmem:$0x1FA10] =	vst v11;
	v11 =	vld [tilespmem:s17+$0x1AC80]  }
0x464: {  	v25 =	vmovc v53;
	s14 =	sadd.s32 $0x660, s26;
	s22 =	sadd.s32 $0x960, s3;
	s10 =	smov.u32 s6;
	[tilespmem:$0x1F970] =	vst v13;
	v49 =	vmul.f32 v49, v63;
	v19 =	vld [tilespmem:s25+$0x1AC00];
	v53 =	vadd.s32 s3, v12;
	v37 =	vadd.s32 s11, v12  }
0x465: {  	s6 =	rddreg [dreg:$0x12];
	v13 =	vld [tilespmem:s10+$0x1AC00];
	s29 =	sadd.s32 $0x330, s26;
	v41 =	vadd.s32 s22, v12;
	v12 =	vadd.f32 $1.258291200e+07, v33;
	[tilespmem:$0x1FA80] =	vst v5;
	v4 =	vadd.s32 s14, v17  }
0x466: {  	v21 =	vadd.f32 $2.450000000e+01, v49;
	v49 =	vld.idx.msk [tilespmem:v59+s4+$0x0], $0xffff;
	v5 =	vmax.f32 v47, $-5.000000000e-01;
	[tilespmem:$0x1F7F0] =	vst v14;
	s14 =	smov.u32 s6;
	s6 =	smov.u32 s7;
	s7 =	rddreg [dreg:$0x17];
	v14 =	vmovc v29;
	v29 =	vadd.s32 v40, v4  }
0x467: {  	v38 =	vld [tilespmem:s5+$0x19800];
	v15 =	vadd.s32 v12, v41;
	v5 =	vmin.f32 v5, $4.900000000e+01;
	v45 =	vadd.s32 s29, v17;
	s29 =	rddreg [dreg:$0x1a]  }
0x468: {  	v5 =	vadd.f32 $1.258291200e+07, v5;
	v57 =	vld.idx.msk [tilespmem:v57+s4+$0x0], $0xffff;
	[tilespmem:s16+$0x1CC00] =	vst v7;
	[dreg:$0x12] =	wrdreg s6;
	s6 =	smov.u32 s7;
	s7 =	sor.u32 $0x180, s29;
	v11 =	vmul.f32 v11, v1  }
0x469: {  	s30 =	rddreg [dreg:$0x16];
	v7 =	vadd.s32 v9, v37;
	v16 =	vld [tilespmem:s7+$0x1AC00]  }
0x46a: {  	[dreg:$0x9] =	wrdreg s15;
	s15 =	smov.u32 s30;
	s30 =	sadd.s32 $0x990, s26;
	v46 =	vld [tilespmem:s19+$0x1AC00];
	v39 =	vadd.s32 s26, v17;
	[tilespmem:$0x1F920] =	vst v14;
	v14 =	vadd.s32 v5, v53;
	v11 =	vadd.f32 $2.450000000e+01, v11  }
0x46b: {  	v33 =	vadd.s32 s30, v17;
	v17 =	vadd.s32 v5, v39;
	v5 =	vmul.f32 v10, v55;
	v29 =	vld.idx.msk [tilespmem:v29+s4+$0x0], $0xffff  }
0x46c: {  	v6 =	vmul.f32 v6, v58;
	v15 =	vld.idx.msk [tilespmem:v15+s4+$0x0], $0xffff;
	v9 =	vadd.s32 v9, v45;
	v18 =	vmax.f32 v11, $-5.000000000e-01  }
0x46d: {  	v10 =	vadd.s32 v12, v33;
	v20 =	vadd.f32 $2.450000000e+01, v5;
	v5 =	vld [tilespmem:s5+$0x19820];
	v18 =	vmin.f32 v18, $4.900000000e+01  }
0x46e: {  	v12 =	vld [tilespmem:s15+$0x1AC00];
	v8 =	vmul.f32 v8, v57;
	v16 =	vmul.f32 v16, v22;
	v18 =	vadd.f32 $1.258291200e+07, v18  }
0x46f: {  	v6 =	vadd.f32 $2.450000000e+01, v6;
	v28 =	vmov v1;
	v1 =	vmax.f32 v20, $-5.000000000e-01;
	v14 =	vld.idx.msk [tilespmem:v14+s4+$0x0], $0xffff  }
0x470: {  	v7 =	vld.idx.msk [tilespmem:v7+s4+$0x0], $0xffff;
	v16 =	vadd.f32 $2.450000000e+01, v16;
	v8 =	vadd.f32 v8, v29;
	v29 =	vadd.s32 v18, v2  }
0x471: {  	v36 =	vmovc v44;
	v44 =	vmax.f32 v21, $-5.000000000e-01;
	v40 =	vmax.f32 v6, $-5.000000000e-01;
	v17 =	vld.idx.msk [tilespmem:v17+s4+$0x0], $0xffff;
	v1 =	vmin.f32 v1, $4.900000000e+01  }
0x472: {  	v9 =	vld.idx.msk [tilespmem:v9+s4+$0x0], $0xffff;
	v22 =	vmax.f32 v16, $-5.000000000e-01;
	v18 =	vadd.s32 v18, v4;
	v8 =	vmul.f32 v8, v5  }
0x473: {  	v15 =	vmul.f32 v56, v15;
	v56 =	vld.idx.msk [tilespmem:v61+s4+$0x0], $0xffff;
	v1 =	vadd.f32 $1.258291200e+07, v1;
	v22 =	vmin.f32 v22, $4.900000000e+01  }
0x474: {  	v24 =	vmovc v23;
	v23 =	vmin.f32 v40, $4.900000000e+01;
	v10 =	vld.idx.msk [tilespmem:v10+s4+$0x0], $0xffff;
	v14 =	vmul.f32 v47, v14;
	[tilespmem:s17+$0x1CC00] =	vst v8;
	v8 =	vadd.f32 $1.258291200e+07, v22  }
0x475: {  	v7 =	vmul.f32 v52, v7;
	v59 =	vadd.s32 v1, v53;
	v22 =	vadd.f32 $1.258291200e+07, v23;
	v23 =	vld.idx.msk [tilespmem:v29+s4+$0x0], $0xffff  }
0x476: {  	v1 =	vadd.s32 v1, v39;
	v14 =	vadd.f32 v14, v17;
	v40 =	vadd.s32 v8, v26;
	v26 =	vld.idx.msk [tilespmem:v60+s4+$0x0], $0xffff  }
0x477: {  	v57 =	vmin.f32 v44, $4.900000000e+01;
	v7 =	vadd.f32 v7, v9;
	v18 =	vld.idx.msk [tilespmem:v18+s4+$0x0], $0xffff  }
0x478: {  	v9 =	vmul.f32 v14, v38;
	v29 =	vadd.f32 $1.258291200e+07, v57;
	v8 =	vadd.s32 v8, v0;
	v0 =	vld [tilespmem:$0x1F700]  }
0x479: {  	v17 =	vadd.s32 v22, v37;
	v57 =	vld.idx.msk [tilespmem:v62+s4+$0x0], $0xffff  }
0x47a: {  	v44 =	vmovc v39;
	v39 =	vmov v33;
	v10 =	vadd.f32 v15, v10;
	[tilespmem:s21+$0x1CC00] =	vst v9;
	v15 =	vadd.s32 v29, v33;
	v33 =	vld [tilespmem:$0x1FA60]  }
0x47b: {  	v3 =	vadd.f32 $1.258291200e+07, v3;
	v7 =	vmul.f32 v7, v32;
	v1 =	vld.idx.msk [tilespmem:v1+s4+$0x0], $0xffff  }
0x47c: {  	v14 =	vadd.s32 v22, v45;
	v9 =	vmul.f32 v10, v48;
	v10 =	vld.idx.msk [tilespmem:v40+s4+$0x0], $0xffff  }
0x47d: {  	[tilespmem:s2+$0x1CC00] =	vst v7;
	v7 =	vadd.s32 v3, v36;
	v3 =	vadd.s32 v3, v25;
	v8 =	vld.idx.msk [tilespmem:v8+s4+$0x0], $0xffff  }
0x47e: {  	v17 =	vld.idx.msk [tilespmem:v17+s4+$0x0], $0xffff  }
0x47f: {  	v60 =	vadd.s32 v29, v41;
	[tilespmem:$0x1FA70] =	vst v26;
	v26 =	vld [tilespmem:$0x1F720]  }
0x480: {  	v46 =	vmul.f32 v46, v30;
	v52 =	vld.idx.msk [tilespmem:v0+s4+$0x0], $0xffff;
	v0 =	vmul.f32 v11, v23  }
0x481: {  	v14 =	vld.idx.msk [tilespmem:v14+s4+$0x0], $0xffff  }
0x482: {  	v62 =	vadd.f32 $2.450000000e+01, v46;
	v3 =	vld.idx.msk [tilespmem:v3+s4+$0x0], $0xffff;
	v22 =	vmul.f32 v34, v33;
	v0 =	vadd.f32 v0, v18  }
0x483: {  	v11 =	vld.idx.msk [tilespmem:v59+s4+$0x0], $0xffff;
	[tilespmem:s23+$0x1CC00] =	vst v9  }
0x484: {  	s20 =	sadd.s32 $0x2, s20;
	v9 =	vmax.f32 v62, $-5.000000000e-01;
	v61 =	vadd.f32 $2.450000000e+01, v22;
	v22 =	vld.idx.msk [tilespmem:v60+s4+$0x0], $0xffff;
	v0 =	vmul.f32 v0, v5  }
0x485: {  	v13 =	vmul.f32 v13, v50;
	s30 =	sand.u32 $0x3, s20;
	v23 =	vmov v36;
	v36 =	vld [tilespmem:$0x1F710];
	v9 =	vmin.f32 v9, $4.900000000e+01  }
0x486: {  	s5 =	sshll.u32 s30, $0x5;
	v12 =	vmul.f32 v12, v31;
	v9 =	vadd.f32 $1.258291200e+07, v9;
	[tilespmem:s17+$0x1CC80] =	vst v0;
	v0 =	vmul.f32 v16, v10;
	v16 =	vld [tilespmem:$0x1F730]  }
0x487: {  	s5 =	sadd.s32 s8, s5;
	v29 =	vadd.f32 $2.450000000e+01, v13;
	v13 =	vmul.f32 v19, v43;
	v19 =	vmovc v63;
	v60 =	vld.idx.msk [tilespmem:v15+s4+$0x0], $0xffff;
	v18 =	vmax.f32 v61, $-5.000000000e-01  }
0x488: {  	s22 =	sadd.s32 $0x20, s5;
	[tilespmem:$0x1FA60] =	vst v19;
	v18 =	vmin.f32 v18, $4.900000000e+01;
	v19 =	vadd.s32 v9, v26;
	v10 =	vmul.f32 v20, v11;
	v20 =	vld [tilespmem:$0x1F740]  }
0x489: {  	s16 =	sor.u32 $0x100, s22;
	v18 =	vadd.f32 $1.258291200e+07, v18;
	v63 =	vmul.f32 v21, v22;
	v21 =	vld [tilespmem:$0x1F760]  }
0x48a: {  	s0 =	sadd.s32 $0x4, s0;
	v50 =	vmovc v30;
	v47 =	vmovc v54;
	v54 =	vmov v2;
	v46 =	vadd.f32 $2.450000000e+01, v12;
	v11 =	vld [tilespmem:s16+$0x1AC00];
	v2 =	vadd.f32 v0, v8  }
0x48b: {  	p1 =	slt.u32 s0, $0x3C;
	v30 =	vmovc v58;
	v8 =	vmul.f32 v6, v17;
	v17 =	vld [tilespmem:$0x1F750];
	v58 =	vadd.s32 v9, v16;
	v9 =	vadd.s32 v18, v36  }
.Ltmp6:
0x48c: {  	[dreg:$0x10] =	wrdreg s10;
	v12 =	vmax.f32 v46, $-5.000000000e-01;
	v31 =	vmov v33;
	v0 =	vld.idx.msk [tilespmem:v7+s4+$0x0], $0xffff;
	(pc) =	sbr.rel @p1 .LBB2_9-.Ltmp6, $4  }
0x48d: {  	[dreg:$0x11] =	wrdreg s15;
	v33 =	vmovc v48;
	v34 =	vadd.f32 $2.450000000e+01, v13;
	v48 =	vmovc v4;
	v4 =	vmax.f32 v29, $-5.000000000e-01;
	v6 =	vadd.f32 v10, v1;
	v1 =	vld.idx.msk [tilespmem:v19+s4+$0x0], $0xffff  }
0x48e: {  	p0 =	por !p0, !p0;
	[dreg:$0x16] =	wrdreg s14;
	v43 =	vmovc v5;
	v40 =	vmovc v55;
	v59 =	vmin.f32 v4, $4.900000000e+01;
	v4 =	vmin.f32 v12, $4.900000000e+01;
	v19 =	vld [tilespmem:$0x1F770];
	v2 =	vmul.f32 v2, v51  }
0x48f: {  	s14 =	smov.u32 s24;
	s24 =	smov.u32 s19;
	s19 =	smov.u32 s18;
	v15 =	vmovc v35;
	v13 =	vmax.f32 v34, $-5.000000000e-01;
	v22 =	vmovc v28;
	v55 =	vadd.s32 v18, v35;
	v7 =	vadd.f32 v8, v14;
	v18 =	vld [tilespmem:$0x1F790]  }
0x490: {  	s10 =	smov.u32 s25;
	[dreg:$0x17] =	wrdreg s19;
	s15 =	smov.u32 s9;
	v8 =	vmul.f32 v11, v28;
	v28 =	vmovc v32;
	v32 =	vmov v38;
	[tilespmem:s7+$0x1CC00] =	vst v2;
	v2 =	vmin.f32 v13, $4.900000000e+01;
	v5 =	vld.idx.msk [tilespmem:v9+s4+$0x0], $0xffff  }
0x491: {  	_ = 	snop  }
0x492: {  	v6 =	vmul.f32 v6, v32;
	v13 =	vmul.f32 v7, v28;
	v7 =	vadd.f32 $2.450000000e+01, v8;
	_ =	sdelay $0x1  }
0x493: {  	v9 =	vadd.f32 v63, v60;
	[tilespmem:s21+$0x1CC80] =	vst v6;
	v38 =	vmax.f32 v7, $-5.000000000e-01  }
0x494: {  	v35 =	vld [tilespmem:s31+$0x1AC00];
	v6 =	vmin.f32 v38, $4.900000000e+01  }
0x495: {  	v14 =	vmul.f32 v9, v33;
	[tilespmem:s2+$0x1CC80] =	vst v13;
	v6 =	vadd.f32 $1.258291200e+07, v6  }
0x496: {  	v51 =	vld [tilespmem:s13+$0x1AC00]  }
0x497: {  	[tilespmem:s23+$0x1CC80] =	vst v14;
	v11 =	vadd.s32 v6, v54  }
0x498: {  	v10 =	vld [tilespmem:s14+$0x1AC00]  }
0x499: {  	v63 =	vmov v33;
	v33 =	vld [tilespmem:$0x1FA60];
	v6 =	vadd.s32 v6, v48;
	v9 =	vmul.f32 v35, v40;
	_ =	sdelay $0x1  }
0x49a: {  	v8 =	vmul.f32 v51, v30;
	v9 =	vadd.f32 $2.450000000e+01, v9  }
0x49b: {  	v11 =	vld.idx.msk [tilespmem:v11+s4+$0x0], $0xffff  }
0x49c: {  	v8 =	vadd.f32 $2.450000000e+01, v8;
	v12 =	vmax.f32 v9, $-5.000000000e-01  }
0x49d: {  	v10 =	vmul.f32 v10, v33;
	v6 =	vld.idx.msk [tilespmem:v6+s4+$0x0], $0xffff;
	v12 =	vmin.f32 v12, $4.900000000e+01  }
0x49e: {  	v13 =	vmax.f32 v8, $-5.000000000e-01;
	v12 =	vadd.f32 $1.258291200e+07, v12  }
0x49f: {  	v60 =	vmov v30;
	v10 =	vadd.f32 $2.450000000e+01, v10;
	v13 =	vmin.f32 v13, $4.900000000e+01  }
0x4a0: {  	v30 =	vmovc v26;
	v26 =	vmovc v15;
	v13 =	vadd.f32 $1.258291200e+07, v13;
	v15 =	vadd.s32 v12, v53;
	v7 =	vmul.f32 v7, v11  }
0x4a1: {  	v3 =	vmul.f32 v27, v3;
	v14 =	vmax.f32 v10, $-5.000000000e-01;
	v12 =	vadd.s32 v12, v44  }
0x4a2: {  	v14 =	vmin.f32 v14, $4.900000000e+01;
	v11 =	vadd.s32 v13, v37;
	v6 =	vadd.f32 v7, v6  }
0x4a3: {  	v35 =	vmov v16;
	v16 =	vld.idx.msk [tilespmem:v58+s4+$0x0], $0xffff;
	v14 =	vadd.f32 $1.258291200e+07, v14;
	v13 =	vadd.s32 v13, v45  }
0x4a4: {  	v0 =	vadd.f32 v3, v0;
	v51 =	vmov v44;
	v44 =	vld.idx.msk [tilespmem:v55+s4+$0x0], $0xffff;
	v6 =	vmul.f32 v6, v43  }
0x4a5: {  	v58 =	vadd.s32 v14, v41;
	v15 =	vld.idx.msk [tilespmem:v15+s4+$0x0], $0xffff  }
0x4a6: {  	v0 =	vmul.f32 v0, v42;
	v12 =	vld.idx.msk [tilespmem:v12+s4+$0x0], $0xffff;
	[tilespmem:s16+$0x1CC00] =	vst v6  }
0x4a7: {  	v5 =	vmul.f32 v61, v5;
	v55 =	vadd.s32 v14, v39;
	v11 =	vld.idx.msk [tilespmem:v11+s4+$0x0], $0xffff;
	s1 =	rddreg [dreg:$0x15]  }
0x4a8: {  	v13 =	vld.idx.msk [tilespmem:v13+s4+$0x0], $0xffff;
	[tilespmem:s1+$0x1CC00] =	vst v0  }
0x4a9: {  	v5 =	vadd.f32 v5, v44;
	v44 =	vld [tilespmem:$0x1FA10]  }
0x4aa: {  	v1 =	vmul.f32 v62, v1;
	v6 =	vld.idx.msk [tilespmem:v58+s4+$0x0], $0xffff  }
0x4ab: {  	v38 =	vmov v32;
	v32 =	vmov v28;
	v28 =	vmov v43;
	v43 =	vld [tilespmem:$0x1FA20]  }
0x4ac: {  	v1 =	vadd.f32 v1, v16;
	v3 =	vld.idx.msk [tilespmem:v55+s4+$0x0], $0xffff  }
0x4ad: {  	s0 =	sor.u32 $0x180, s22;
	v16 =	vmul.f32 v9, v15  }
0x4ae: {  	v58 =	vld [tilespmem:s0+$0x1AC00];
	v8 =	vmul.f32 v8, v11;
	v62 =	vmul.f32 v1, v44  }
0x4af: {  	v6 =	vmul.f32 v10, v6;
	v1 =	vadd.f32 v16, v12  }
0x4b0: {  	v8 =	vadd.f32 v8, v13;
	v5 =	vmul.f32 v5, v43;
	[tilespmem:s24+$0x1CC00] =	vst v62  }
0x4b1: {  	v27 =	vmovc v54;
	v54 =	vmov v39;
	v3 =	vadd.f32 v6, v3;
	v1 =	vmul.f32 v1, v38;
	v39 =	vld [tilespmem:$0x1F920]  }
0x4b2: {  	v8 =	vmul.f32 v8, v32;
	[tilespmem:s28+$0x1CC00] =	vst v5  }
0x4b3: {  	v58 =	vmul.f32 v58, v22;
	v3 =	vmul.f32 v3, v63;
	s30 =	rddreg [dreg:$0x16];
	[tilespmem:s31+$0x1CC00] =	vst v1  }
0x4b4: {  	v4 =	vadd.f32 $1.258291200e+07, v4;
	s29 =	smov.u32 s14;
	v55 =	vld [tilespmem:s6+$0x1AC00];
	s28 =	rddreg [dreg:$0x17];
	[tilespmem:s13+$0x1CC00] =	vst v8  }
0x4b5: {  	v61 =	vadd.f32 $1.258291200e+07, v59;
	v5 =	vadd.f32 $2.450000000e+01, v58;
	v59 =	vld [tilespmem:s30+$0x1AC00];
	[tilespmem:s29+$0x1CC00] =	vst v3  }
0x4b6: {  	v7 =	vmul.f32 v39, v49;
	v49 =	vld [tilespmem:$0x1F9D0]  }
0x4b7: {  	v62 =	vadd.s32 v4, v19;
	v4 =	vadd.s32 v4, v21;
	v21 =	vmax.f32 v5, $-5.000000000e-01  }
0x4b8: {  	v0 =	vadd.s32 v61, v24;
	v9 =	vadd.s32 v61, v20;
	v61 =	vld [tilespmem:s15+$0x1AC00];
	v6 =	vmin.f32 v21, $4.900000000e+01;
	s2 =	rddreg [dreg:$0x13]  }
0x4b9: {  	v20 =	vmul.f32 v55, v47;
	v6 =	vadd.f32 $1.258291200e+07, v6;
	v55 =	vld [tilespmem:s2+$0x1AC00];
	_ =	sdelay $0x1  }
0x4ba: {  	v22 =	vmul.f32 v59, v50;
	v50 =	vadd.s32 v6, v27;
	v14 =	vmul.f32 v49, v18  }
0x4bb: {  	v3 =	vld [tilespmem:$0x1F8F0];
	s1 =	rddreg [dreg:$0x7]  }
0x4bc: {  	s9 =	rddreg [dreg:$0x12];
	v7 =	vadd.f32 v7, v57;
	v57 =	vld [tilespmem:$0x1F9C0];
	[tilespmem:s1+$0x1CC00] =	vst v14  }
0x4bd: {  	v31 =	vmul.f32 v61, v31;
	v16 =	vmul.f32 v55, v33;
	v55 =	vld [tilespmem:$0x1F7E0]  }
0x4be: {  	v2 =	vadd.f32 $1.258291200e+07, v2;
	v24 =	vld [tilespmem:s28+$0x1AC00]  }
0x4bf: {  	v8 =	vadd.f32 $2.450000000e+01, v31;
	v15 =	vld.idx.msk [tilespmem:v50+s4+$0x0], $0xffff  }
0x4c0: {  	v39 =	vadd.s32 v2, v17;
	v14 =	vld [tilespmem:$0x1F930]  }
0x4c1: {  	v2 =	vadd.s32 v2, v3;
	v3 =	vadd.f32 $2.450000000e+01, v22;
	v61 =	vmax.f32 v8, $-5.000000000e-01;
	v50 =	vld [tilespmem:$0x1FA70]  }
0x4c2: {  	v1 =	vadd.f32 $2.450000000e+01, v20;
	v47 =	vld [tilespmem:s9+$0x1AC00];
	v20 =	vmin.f32 v61, $4.900000000e+01;
	v7 =	vmul.f32 v7, v55  }
0x4c3: {  	v59 =	vmax.f32 v3, $-5.000000000e-01;
	v20 =	vadd.f32 $1.258291200e+07, v20;
	s1 =	rddreg [dreg:$0xb]  }
0x4c4: {  	v6 =	vadd.s32 v6, v48;
	v19 =	vmin.f32 v59, $4.900000000e+01;
	v59 =	vld [tilespmem:$0x1F970];
	[tilespmem:s1+$0x1CC00] =	vst v7  }
0x4c5: {  	v12 =	vmul.f32 v24, v40;
	v40 =	vadd.s32 v20, v36;
	v36 =	vld [tilespmem:$0x1F7F0]  }
0x4c6: {  	v0 =	vld.idx.msk [tilespmem:v0+s4+$0x0], $0xffff;
	v58 =	vmax.f32 v1, $-5.000000000e-01;
	v14 =	vmul.f32 v14, v50  }
0x4c7: {  	v9 =	vld.idx.msk [tilespmem:v9+s4+$0x0], $0xffff;
	v11 =	vmul.f32 v47, v60;
	v18 =	vmin.f32 v58, $4.900000000e+01  }
0x4c8: {  	v13 =	vld.idx.msk [tilespmem:v62+s4+$0x0], $0xffff;
	v18 =	vadd.f32 $1.258291200e+07, v18;
	v14 =	vadd.f32 v14, v56  }
0x4c9: {  	v12 =	vadd.f32 $2.450000000e+01, v12;
	v11 =	vadd.f32 $2.450000000e+01, v11;
	v6 =	vld.idx.msk [tilespmem:v6+s4+$0x0], $0xffff  }
0x4ca: {  	v4 =	vld.idx.msk [tilespmem:v4+s4+$0x0], $0xffff;
	v16 =	vadd.f32 $2.450000000e+01, v16;
	v62 =	vadd.s32 v18, v25;
	v14 =	vmul.f32 v14, v36  }
0x4cb: {  	v47 =	vmax.f32 v12, $-5.000000000e-01;
	v19 =	vadd.f32 $1.258291200e+07, v19;
	v18 =	vadd.s32 v18, v23;
	v17 =	vld.idx.msk [tilespmem:v57+s4+$0x0], $0xffff;
	s1 =	rddreg [dreg:$0x9]  }
0x4cc: {  	v10 =	vld.idx.msk [tilespmem:v39+s4+$0x0], $0xffff;
	v48 =	vmax.f32 v11, $-5.000000000e-01;
	v27 =	vmin.f32 v47, $4.900000000e+01;
	v5 =	vmul.f32 v5, v15;
	[tilespmem:s1+$0x1CC00] =	vst v14  }
0x4cd: {  	v49 =	vmax.f32 v16, $-5.000000000e-01;
	v27 =	vadd.f32 $1.258291200e+07, v27;
	v20 =	vadd.s32 v20, v26;
	v14 =	vld [tilespmem:$0x1F780]  }
0x4ce: {  	v2 =	vld.idx.msk [tilespmem:v2+s4+$0x0], $0xffff;
	v39 =	vadd.s32 v19, v30;
	v60 =	vmul.f32 v59, v52;
	v5 =	vadd.f32 v5, v6  }
0x4cf: {  	v31 =	vmin.f32 v49, $4.900000000e+01;
	v19 =	vadd.s32 v19, v35;
	v30 =	vmin.f32 v48, $4.900000000e+01;
	v21 =	vld.idx.msk [tilespmem:v62+s4+$0x0], $0xffff  }
0x4d0: {  	v31 =	vadd.f32 $1.258291200e+07, v31;
	v18 =	vld.idx.msk [tilespmem:v18+s4+$0x0], $0xffff;
	v17 =	vadd.f32 v60, v17;
	v5 =	vmul.f32 v5, v28  }
0x4d1: {  	v30 =	vadd.f32 $1.258291200e+07, v30;
	v53 =	vadd.s32 v27, v53;
	v57 =	vld.idx.msk [tilespmem:v40+s4+$0x0], $0xffff  }
0x4d2: {  	v61 =	vadd.s32 v31, v41;
	v20 =	vld.idx.msk [tilespmem:v20+s4+$0x0], $0xffff;
	[tilespmem:s0+$0x1CC00] =	vst v5;
	v14 =	vmul.f32 v17, v14  }
0x4d3: {  	v58 =	vadd.s32 v30, v37;
	v22 =	vld.idx.msk [tilespmem:v39+s4+$0x0], $0xffff;
	s0 =	rddreg [dreg:$0x5]  }
0x4d4: {  	v62 =	vadd.s32 v27, v51;
	v33 =	vld.idx.msk [tilespmem:v19+s4+$0x0], $0xffff;
	[tilespmem:s0+$0x1CC00] =	vst v14  }
0x4d5: {  	v37 =	vadd.s32 v30, v45;
	v48 =	vld [tilespmem:$0x1FA40]  }
0x4d6: {  	v9 =	vmul.f32 v29, v9;
	v40 =	vadd.s32 v31, v54;
	v41 =	vld.idx.msk [tilespmem:v53+s4+$0x0], $0xffff  }
0x4d7: {  	v47 =	vld.idx.msk [tilespmem:v61+s4+$0x0], $0xffff  }
0x4d8: {  	v0 =	vadd.f32 v9, v0;
	v45 =	vld.idx.msk [tilespmem:v58+s4+$0x0], $0xffff  }
0x4d9: {  	v1 =	vmul.f32 v1, v21;
	v6 =	vld.idx.msk [tilespmem:v62+s4+$0x0], $0xffff  }
0x4da: {  	v49 =	vld.idx.msk [tilespmem:v37+s4+$0x0], $0xffff;
	v3 =	vmul.f32 v3, v22;
	v0 =	vmul.f32 v0, v48  }
0x4db: {  	v8 =	vmul.f32 v8, v57;
	v51 =	vld.idx.msk [tilespmem:v40+s4+$0x0], $0xffff;
	v1 =	vadd.f32 v1, v18;
	s0 =	rddreg [dreg:$0x10]  }
0x4dc: {  	v13 =	vmul.f32 v46, v13;
	v53 =	vmul.f32 v12, v41;
	v52 =	vadd.f32 v3, v33;
	v50 =	vld [tilespmem:$0x1FA80];
	[tilespmem:s0+$0x1CC00] =	vst v0  }
0x4dd: {  	v54 =	vadd.f32 v8, v20;
	v1 =	vmul.f32 v1, v42;
	v55 =	vmul.f32 v11, v45;
	v0 =	vld [tilespmem:$0x1FAC0]  }
0x4de: {  	v46 =	vmul.f32 v34, v10;
	v3 =	vadd.f32 v53, v6;
	v56 =	vmul.f32 v52, v44  }
0x4df: {  	v58 =	vmul.f32 v54, v43;
	v59 =	vadd.f32 v55, v49;
	s0 =	rddreg [dreg:$0x11];
	[tilespmem:s6+$0x1CC00] =	vst v1  }
0x4e0: {  	v2 =	vadd.f32 v46, v2;
	v57 =	vmul.f32 v16, v47;
	v61 =	vmul.f32 v3, v38;
	[tilespmem:s30+$0x1CC00] =	vst v56  }
0x4e1: {  	v4 =	vadd.f32 v13, v4;
	v62 =	vmul.f32 v59, v32;
	[tilespmem:s15+$0x1CC00] =	vst v58  }
0x4e2: {  	v60 =	vadd.f32 v57, v51;
	[tilespmem:s28+$0x1CC00] =	vst v61;
	v0 =	vmul.f32 v2, v0  }
0x4e3: {  	v4 =	vmul.f32 v4, v50;
	[tilespmem:s9+$0x1CC00] =	vst v62  }
0x4e4: {  	[tilespmem:s10+$0x1CC00] =	vst v0;
	v0 =	vmul.f32 v60, v63  }
0x4e5: {  	[tilespmem:s0+$0x1CC00] =	vst v4  }
0x4e6: {  	[tilespmem:s2+$0x1CC00] =	vst v0  }
0x4e7: {  	s5 =	sld [smem:$0x7F4];
	_ =	sdelay $0x2  }
0x4e8: {  	s0 =	sld [smem:$0x7FC];
	p0 =	seq.s32 s5, $0x3F  }
.Ltmp7:
0x4e9: {  	s1 =	sld [smem:$0x7F3];
	(pc) =	sbr.rel @p0 .LBB2_12-.Ltmp7, $4  }
0x4ea: {  	_ = 	snop  }
0x4eb: {  	s3 =	simm.s32 $0x400  }
0x4ec: {  	s31 =	simm.s32 $0x1CC00;
	s2 =	simm.s32 $0x200;
	s0 =	sadd.s32 s1, s0  }
0x4ed: {  	[hbm4b:s0+s2] =	stream.strided.scatter [tilespmem:s31], [sflag:$0x4], $0x1000, s3, s2, $0x38;
	[tilespmem:$0x1DC00] =	vst v63  }
0x4ee: {  	s0 =	sld [smem:$0x7FB]  }
0x4ef: {  	s1 =	sld [smem:$0x7F5];
	_ =	sdelay $0x1  }
.Ltmp8:
0x4f0: {  	s30 =	sld [smem:$0x7F9];
	(pc) =	sbr.rel .LBB2_2-.Ltmp8, $4  }
0x4f1: {  	s0 =	sadd.s32 s1, s0  }
0x4f2: {  	s0 =	sshrl.u32 s0, $0x3  }
0x4f3: {  	s31 =	simm.s32 $0x1AC00;
	s5 =	sadd.s32 $0x1, s5;
	v5 =	vld [tilespmem:$0x1FFE0];
	s0 =	sadd.s32 s0, s30  }
0x4f4: {  	v2 =	vld [tilespmem:$0x1FFF0];
	[tilespmem:s31], [sflag:$0x2] =	stream.strided.gather [hbm4b:s0+s2], $0x1000, s3, s2, $0x38  }
.LBB2_13:
0x4f5: {  	_ =	sfence.sel $0x180000  }
0x4f6: {  	[bflag:$0x0] =	sbarrier.arrive $0xFFFF  }
0x4f7: {  	_ =	strace $0x90000047  }
0x4f8: {  	s0 =	stileid.u32;
	[bflag:$0x2] =	sbarrier.arrive $0xFFFF  }
0x4f9: {  	p0 =	sne.s32 s0, $0x0;
	s0 =	rddreg [dreg:$0x3]  }
0x4fa: {  	s0 =	sadd.s32 @!p0 $0x100000, s0  }
0x4fb: {  	[sflag:s0] =	ssyncadd.tile.s32 @!p0 $0x1;
	_ =	shalt  }
.Lfunc_end2:
_tile_overlayer_lowered:
.L_overlay_start_2:
0x4fc: {  	(tag) =	ssettag $0x2  }
0x4fd: {  	s0 =	rddreg [dreg:$0x0];
	s2 =	stileid.u32  }
0x4fe: {  	s1 =	rddreg [dreg:$0x1];
	p0 =	sne.s32 s2, $0x0  }
0x4ff: {  	s3 =	rddreg [dreg:$0x2];
	[bflag:$0x3] =	sbarrier.arrive $0xFFFF;
	s2 =	simm.s32 @!p0 $0x1C05  }
0x500: {  	[timem:s3], [sflag:s2] =	dma.local @!p0 [hbm:s0], s1  }
0x501: {  	s0 =	simm.s32 @!p0 $0x5  }
0x502: {  	_ =	swait.ge @!p0 [sflag:s0], s1  }
0x503: {  	s1 =	ssub.s32 @!p0 $0x0, s1;
	[sflag:s0] =	ssyncset.done @!p0 $0x0  }
0x504: {  	[sflag:s0] =	ssyncadd.s32 @!p0 s1  }
0x505: {  	[bflag:$0x3] =	sbarrier.arrive $0xFFFF  }
0x506: {  	_ =	shalt  }

</sc_bundles>
